<compile_context>
chip_gen: v7x
topology: tpu7x:2x2x1
jax: 0.10.2.dev20260603
libtpu: 0.0.44.dev20260713+nightly
codegen_flags: <defaults>
</compile_context>

<pallas_src>
import functools

import jax
import jax.numpy as jnp
from jax import lax
from jax.experimental import pallas as pl
from jax.experimental.pallas import tpu as pltpu
from jax.experimental.pallas import tpu_sc as plsc

N = 10000
E = 320000
D = 128
OUT = 128
T = 10
L = 40
SPLIT = 7
TL = T * L
TRSEG = SPLIT * L

NP = 10240
NC = 2
NS = 16
NW = NC * NS
RPT = NP // NS
B = 128
EP = 327680
EPC = EP // NC
EPS = EPC // NS
NBLK_E = EPS // B
CHB = NBLK_E // 2
TLP = 512
SRT = TLP // NS
BN = 80
RPW = NP // NW
NBLK_N = RPW // BN

_mesh = plsc.VectorSubcoreMesh(core_axis_name="c", subcore_axis_name="s")


def _wid(c, s):
    return c * NS + s


@functools.partial(
    pl.kernel,
    out_type=jax.ShapeDtypeStruct((NW * NP,), jnp.float32),
    mesh=_mesh,
    scratch_types=[
        pltpu.VMEM((B,), jnp.int32),
        pltpu.VMEM((B,), jnp.int32),
        pltpu.VMEM((NP,), jnp.float32),
        pltpu.SemaphoreType.DMA,
        pltpu.SemaphoreType.DMA,
    ],
    compiler_params=pltpu.CompilerParams(needs_layout_passes=False),
)
def _deg_kernel(dst_hbm, out_hbm, d0, d1, hist, sd0, sd1):
    c = lax.axis_index("c")
    s = lax.axis_index("s")
    zeros16 = jnp.zeros((16,), jnp.float32)

    def zbody(i, _):
        hist[pl.ds(i * 16, 16)] = zeros16
        return 0

    lax.fori_loop(0, NP // 16, zbody, 0)
    base0 = _wid(c, s) * EPS

    def ld(i, buf, sem):
        pltpu.async_copy(dst_hbm.at[pl.ds(base0 + i * B, B)], buf, sem)

    def use(i, buf, sem):
        pltpu.make_async_copy(dst_hbm.at[pl.ds(base0 + i * B, B)],
                              buf, sem).wait()
        for j in range(B // 16):
            idx = buf[pl.ds(j * 16, 16)]
            cnt, last = plsc.scan_count(idx)
            plsc.addupdate_scatter(hist, [idx], cnt.astype(jnp.float32),
                                   mask=last)

    ld(0, d0, sd0)
    ld(1, d1, sd1)

    def body(k, _):
        i0 = 2 * k
        use(i0, d0, sd0)
        ld(i0 + 2, d0, sd0)
        use(i0 + 1, d1, sd1)
        ld(i0 + 3, d1, sd1)
        return 0

    lax.fori_loop(0, (NBLK_E - 2) // 2, body, 0)
    use(NBLK_E - 2, d0, sd0)
    use(NBLK_E - 1, d1, sd1)
    pltpu.sync_copy(hist, out_hbm.at[pl.ds(_wid(c, s) * NP, NP)])


@functools.partial(
    pl.kernel,
    out_type=jax.ShapeDtypeStruct((NC * NP, D), jnp.float32),
    mesh=_mesh,
    scratch_types=[
        pltpu.VMEM((B,), jnp.int32),
        pltpu.VMEM((B,), jnp.int32),
        pltpu.VMEM((B,), jnp.int32),
        pltpu.VMEM((B,), jnp.int32),
        pltpu.VMEM((B, D), jnp.float32),
        pltpu.VMEM((B, D), jnp.float32),
        pltpu.VMEM_SHARED((NP, D), jnp.float32),
        pltpu.SemaphoreType.DMA,
        pltpu.SemaphoreType.DMA,
        pltpu.SemaphoreType.DMA,
        pltpu.SemaphoreType.DMA,
        pltpu.SemaphoreType.DMA,
        pltpu.SemaphoreType.DMA,
    ],
)
def _hop_kernel(g_hbm, src_hbm, dst_hbm, z_hbm, out_hbm,
                si0, si1, di0, di1, rows0, rows1, acc,
                ss0, ss1, sd0, sd1, sg0, sg1):
    c = lax.axis_index("c")
    s = lax.axis_index("s")
    base = _wid(c, s) * EPS
    pltpu.sync_copy(z_hbm, acc.at[pl.ds(s * RPT, RPT)])
    plsc.subcore_barrier()

    def ld(hbm, i, buf, sem):
        pltpu.async_copy(hbm.at[pl.ds(base + i * B, B)], buf, sem)

    def wt(hbm, i, buf, sem):
        pltpu.make_async_copy(hbm.at[pl.ds(base + i * B, B)], buf, sem).wait()

    ld(src_hbm, 0, si0, ss0)
    ld(dst_hbm, 0, di0, sd0)
    ld(src_hbm, 1, si1, ss1)
    ld(dst_hbm, 1, di1, sd1)
    wt(src_hbm, 0, si0, ss0)
    pltpu.async_copy(g_hbm.at[si0], rows0, sg0)
    wt(src_hbm, 1, si1, ss1)
    pltpu.async_copy(g_hbm.at[si1], rows1, sg1)

    def half(i, si, di, rows, ss, sd, sg, last):
        pltpu.make_async_copy(g_hbm.at[si], rows, sg).wait()
        if not last:
            ld(src_hbm, i + 2, si, ss)
        wt(dst_hbm, i, di, sd)
        pltpu.sync_copy(rows, acc.at[di], add=True)
        if not last:
            ld(dst_hbm, i + 2, di, sd)
            wt(src_hbm, i + 2, si, ss)
            pltpu.async_copy(g_hbm.at[si], rows, sg)

    def body(k, _):
        i0 = 2 * k
        half(i0, si0, di0, rows0, ss0, sd0, sg0, False)
        half(i0 + 1, si1, di1, rows1, ss1, sd1, sg1, False)
        return 0

    lax.fori_loop(0, (NBLK_E - 2) // 2, body, 0)
    half(NBLK_E - 2, si0, di0, rows0, ss0, sd0, sg0, True)
    half(NBLK_E - 1, si1, di1, rows1, ss1, sd1, sg1, True)
    plsc.subcore_barrier()
    pltpu.sync_copy(acc.at[pl.ds(s * RPT, RPT)],
                    out_hbm.at[pl.ds(c * NP + s * RPT, RPT)])


@functools.partial(
    pl.kernel,
    out_type=(
        jax.ShapeDtypeStruct((NC * TLP, D), jnp.float32),
        jax.ShapeDtypeStruct((NC * TLP, D), jnp.float32),
        jax.ShapeDtypeStruct((NC * TLP, D), jnp.float32),
    ),
    mesh=_mesh,
    scratch_types=[
        pltpu.VMEM((BN,), jnp.int32),
        pltpu.VMEM((BN, D), jnp.float32),
        pltpu.VMEM((BN, D), jnp.float32),
        pltpu.VMEM((BN, D), jnp.float32),
        pltpu.VMEM_SHARED((TLP, D), jnp.float32),
        pltpu.VMEM_SHARED((TLP, D), jnp.float32),
        pltpu.VMEM_SHARED((TLP, D), jnp.float32),
    ],
)
def _stats_kernel(h_hbm, q_hbm, ones_hbm, seg_hbm, z_hbm,
                  outh_hbm, outq_hbm, outc_hbm,
                  seg_v, rows_h, rows_q, ones_v, acc_h, acc_q, acc_c):
    c = lax.axis_index("c")
    s = lax.axis_index("s")
    pltpu.sync_copy(z_hbm, acc_h.at[pl.ds(s * SRT, SRT)])
    pltpu.sync_copy(z_hbm, acc_q.at[pl.ds(s * SRT, SRT)])
    pltpu.sync_copy(z_hbm, acc_c.at[pl.ds(s * SRT, SRT)])
    pltpu.sync_copy(ones_hbm, ones_v)
    plsc.subcore_barrier()
    base0 = _wid(c, s) * RPW

    def body(i, _):
        base = base0 + i * BN
        pltpu.sync_copy(seg_hbm.at[pl.ds(base, BN)], seg_v)
        pltpu.sync_copy(h_hbm.at[pl.ds(base, BN)], rows_h)
        pltpu.sync_copy(q_hbm.at[pl.ds(base, BN)], rows_q)
        pltpu.sync_copy(rows_h, acc_h.at[seg_v], add=True)
        pltpu.sync_copy(rows_q, acc_q.at[seg_v], add=True)
        pltpu.sync_copy(ones_v, acc_c.at[seg_v], add=True)
        return 0

    lax.fori_loop(0, NBLK_N, body, 0)
    plsc.subcore_barrier()
    sl_s = pl.ds(s * SRT, SRT)
    sl_o = pl.ds(c * TLP + s * SRT, SRT)
    pltpu.sync_copy(acc_h.at[sl_s], outh_hbm.at[sl_o])
    pltpu.sync_copy(acc_q.at[sl_s], outq_hbm.at[sl_o])
    pltpu.sync_copy(acc_c.at[sl_s], outc_hbm.at[sl_o])


@functools.partial(
    pl.kernel,
    out_type=jax.ShapeDtypeStruct((NP, D), jnp.float32),
    mesh=_mesh,
    scratch_types=[
        pltpu.VMEM((BN,), jnp.int32),
        pltpu.VMEM((BN, D), jnp.float32),
        pltpu.SemaphoreType.DMA,
    ],
)
def _gather_kernel(tbl_hbm, seg_hbm, out_hbm, seg_v, rows_v, sem):
    c = lax.axis_index("c")
    s = lax.axis_index("s")
    base0 = _wid(c, s) * RPW

    def body(i, _):
        base = base0 + i * BN
        pltpu.sync_copy(seg_hbm.at[pl.ds(base, BN)], seg_v)
        pltpu.async_copy(tbl_hbm.at[seg_v], rows_v, sem).wait()
        pltpu.sync_copy(rows_v, out_hbm.at[pl.ds(base, BN)])
        return 0

    lax.fori_loop(0, NBLK_N, body, 0)


_BR = 256


def _final_body(h_ref, tmg_ref, af_ref, v_ref, bt_ref, out_ref):
    af = af_ref[...]
    hf = af * h_ref[...] + (1.0 - af) * tmg_ref[...]
    out_ref[...] = jax.lax.dot_general(
        hf, v_ref[...], (((1,), (0,)), ((), ())),
        preferred_element_type=jnp.float32,
        precision=jax.lax.Precision.HIGHEST,
    ) + bt_ref[...]


def _final_tc(h, tmg, af, V, btil):
    grid = (NP // _BR,)
    return pl.pallas_call(
        _final_body,
        grid=grid,
        in_specs=[
            pl.BlockSpec((_BR, D), lambda i: (i, 0)),
            pl.BlockSpec((_BR, D), lambda i: (i, 0)),
            pl.BlockSpec((_BR, 1), lambda i: (i, 0)),
            pl.BlockSpec((D, OUT), lambda i: (0, 0)),
            pl.BlockSpec((1, OUT), lambda i: (0, 0)),
        ],
        out_specs=pl.BlockSpec((_BR, OUT), lambda i: (i, 0)),
        out_shape=jax.ShapeDtypeStruct((NP, OUT), jnp.float32),
    )(h, tmg, af, V, btil)


def kernel(x, edge_index, labels, times, W, b):
    f32 = jnp.float32
    pad = N + (jnp.arange(EP - E, dtype=jnp.int32) % (NP - N))
    src = jnp.concatenate([edge_index[0], pad])
    dst = jnp.concatenate([edge_index[1], pad])
    zrow = jnp.zeros((RPT, D), f32)
    zst = jnp.zeros((SRT, D), f32)
    ones_bd = jnp.ones((BN, D), f32)

    degp = _deg_kernel(dst)
    deg = jnp.sum(degp.reshape(NW, NP), axis=0)[:, None]
    norm = jnp.power(jnp.maximum(deg, 1.0), -0.5)

    xpad = jnp.zeros((NP, D), f32).at[:N].set(x)
    g = xpad * norm
    p = _hop_kernel(g, src, dst, zrow)
    s1 = p[:NP] + p[NP:]
    g = s1 * (norm * norm)
    p = _hop_kernel(g, src, dst, zrow)
    h = (p[:NP] + p[NP:]) * norm

    seg = times * L + labels
    segp = jnp.full((NP,), TLP - 1, jnp.int32).at[:N].set(seg)
    q = h * h
    oh, oq, oc = _stats_kernel(h, q, ones_bd, segp, zst)
    ssum = (oh[:TLP] + oh[TLP:])[:TL]
    ssq = (oq[:TLP] + oq[TLP:])[:TL]
    cnt = (oc[:TLP] + oc[TLP:])[:TL, 0]

    tr_cnt = cnt[:TRSEG].reshape(SPLIT, L)
    tr_sum = ssum[:TRSEG].reshape(SPLIT, L, D)
    tr_ssq = ssq[:TRSEG].reshape(SPLIT, L, D)
    test_cnt = jnp.sum(cnt[TRSEG:])
    test_sum = jnp.sum(ssum[TRSEG:], axis=0)
    test_ssq = jnp.sum(ssq[TRSEG:], axis=0)
    test_mean = test_sum / jnp.maximum(test_cnt, 1.0)
    test_var = (jnp.sum(test_ssq) - 2.0 * jnp.dot(test_mean, test_sum)
                + test_cnt * jnp.dot(test_mean, test_mean)
                ) / jnp.maximum(test_cnt - 1.0, 1.0)
    time_cnt = jnp.sum(tr_cnt, axis=1)
    ttm = jnp.sum(tr_sum, axis=1) / jnp.maximum(time_cnt, 1.0)[:, None]
    tm = tr_sum / jnp.maximum(tr_cnt, 1.0)[:, :, None]
    msq = jnp.sum(tr_cnt * jnp.sum((tm - ttm[:, None, :]) ** 2, axis=2), axis=1)
    rsq = jnp.sum(jnp.sum(tr_ssq, axis=2)
                  - 2.0 * jnp.sum(tm * tr_sum, axis=2)
                  + tr_cnt * jnp.sum(tm * tm, axis=2), axis=1)
    denom = jnp.maximum(time_cnt - 1.0, 1.0)
    alpha_sq = (test_var - msq / denom) / jnp.maximum(rsq / denom, 1e-6)
    alpha7 = jnp.where(alpha_sq > 0, jnp.sqrt(jnp.maximum(alpha_sq, 0.0)), 0.0)

    tot_cnt = jnp.sum(cnt)
    mu = (jnp.sum(tr_sum, axis=(0, 1)) + test_sum) / tot_cnt
    a2 = (alpha7 ** 2)[:, None, None]
    blend_ssq = a2 * tr_ssq + (1.0 - a2) * (tr_sum ** 2) \
        / jnp.maximum(tr_cnt, 1.0)[:, :, None]
    col_ssq = jnp.sum(blend_ssq, axis=(0, 1)) + test_ssq
    sigma = jnp.sqrt((col_ssq - tot_cnt * mu * mu) / (tot_cnt - 1.0))
    V = (W / sigma[None, :]).T
    btil = (b - (mu / sigma) @ W.T)[None, :]

    tm_tbl = jnp.zeros((TLP, D), f32).at[:TRSEG].set(tm.reshape(TRSEG, D))
    tmg = _gather_kernel(tm_tbl, segp)
    alpha10 = jnp.concatenate([alpha7, jnp.ones((T - SPLIT,), f32)])
    af = jnp.ones((NP, 1), f32).at[:N, 0].set(alpha10[times])

    out = _final_tc(h, tmg, af, V, btil)
    return out[:N]

# --- scband reference (transcript-rebuilt; emitter-appended) ---
"""Pipeline reference for scband-sgconv-jj-21474836480037 (READ-ONLY COPY).

The authoritative reference and input builder live on the scoring server;
editing this copy changes nothing except your own understanding.
"""

import jax, jax.numpy as jnp
import numpy as np

N = 10000
E = 320000
D = 128
OUT = 128
T = 10
L = 40
SPLIT = 7
K = 2


def setup_inputs(seed: int = 0) -> dict:
    key = jax.random.key(seed)
    k1, k2, k3, k4, k5 = jax.random.split(key, 5)
    x = jax.random.normal(k1, (N, D), dtype=jnp.float32)
    edge_index = jax.random.randint(k2, (2, E), 0, N, dtype=jnp.int32)
    labels = jax.random.randint(k3, (N,), 0, L, dtype=jnp.int32)
    times = jax.random.randint(k4, (N,), 0, T, dtype=jnp.int32)
    limit = float(np.sqrt(6.0 / (D + OUT)))
    W = jax.random.uniform(k5, (OUT, D), dtype=jnp.float32, minval=-limit, maxval=limit)
    b = jnp.zeros((OUT,), dtype=jnp.float32)
    return {"x": x, "edge_index": edge_index, "labels": labels, "times": times, "W": W, "b": b}


def _forward(x, W, b, edge_index, labels, times):
    src = edge_index[0]
    dst = edge_index[1]
    # symmetric-normalized k-step SGC propagation
    deg = jnp.zeros((N,), x.dtype).at[dst].add(1.0)
    norm = jnp.power(jnp.maximum(deg, 1.0), -0.5)[:, None]
    h = x
    for _ in range(K):
        h = h * norm
        h = jax.ops.segment_sum(h[src], dst, num_segments=N)
        h = h * norm
    # JJ_Norm (vectorized, same math as the per-node loops)
    train_mask = times < SPLIT
    w_tr = train_mask.astype(h.dtype)
    w_te = 1.0 - w_tr
    test_cnt = jnp.sum(w_te)
    test_mean = jnp.sum(h * w_te[:, None], axis=0) / jnp.maximum(test_cnt, 1.0)
    seg = times * L + labels
    train_cnt = jax.ops.segment_sum(w_tr, seg, num_segments=T * L).reshape(T, L)
    train_sum = jax.ops.segment_sum(h * w_tr[:, None], seg, num_segments=T * L).reshape(T, L, D)
    time_cnt = jax.ops.segment_sum(w_tr, times, num_segments=T)
    train_time_mean = jnp.sum(train_sum, axis=1) / jnp.maximum(time_cnt, 1.0)[:, None]
    train_mean = train_sum / jnp.maximum(train_cnt, 1.0)[:, :, None]
    test_var = jnp.sum(w_te * jnp.sum((h - test_mean[None, :]) ** 2, axis=1)) / jnp.maximum(test_cnt - 1.0, 1.0)
    tm_u = train_mean[times, labels]
    ttm_u = train_time_mean[times]
    msq = jax.ops.segment_sum(w_tr * jnp.sum((tm_u - ttm_u) ** 2, axis=1), times, num_segments=T)
    rsq = jax.ops.segment_sum(w_tr * jnp.sum((h - tm_u) ** 2, axis=1), times, num_segments=T)
    denom = jnp.maximum(time_cnt - 1.0, 1.0)
    msq = msq / denom
    rsq = rsq / denom
    alpha_sq = (test_var - msq) / jnp.maximum(rsq, 1e-6)
    alpha = jnp.where(alpha_sq > 0, jnp.sqrt(jnp.maximum(alpha_sq, 0.0)), 0.0)
    a_u = alpha[times][:, None]
    h = jnp.where(train_mask[:, None], a_u * h + (1.0 - a_u) * tm_u, h)
    # normalize (torch std is unbiased -> ddof=1)
    h = (h - h.mean(axis=0)) / h.std(axis=0, ddof=1)
    return h @ W.T + b


def reference(x, edge_index, labels, times, W, b):
    return _forward(x, W, b, edge_index, labels, times)

if __name__ == "__main__":
    import jax
    _d = setup_inputs()
    print(jax.jit(kernel)(*tuple(_d.values())))

</pallas_src>

<mosaic_0001>
#map = affine_map<(d0, d1) -> (0)>
module attributes {stable_mosaic.version = 14 : i64} {
  func.func @_deg_kernel(%arg0: i32, %arg1: i32, %arg2: memref<327680xi32, #tpu.memory_space<hbm>>, %arg3: memref<327680xf32, #tpu.memory_space<hbm>>, %arg4: memref<128xi32, #tpu.memory_space<vmem>>, %arg5: memref<128xi32, #tpu.memory_space<vmem>>, %arg6: memref<10240xf32, #tpu.memory_space<vmem>>, %arg7: memref<!tpu.dma_semaphore, #tpu.memory_space<semaphore_mem>>, %arg8: memref<!tpu.dma_semaphore, #tpu.memory_space<semaphore_mem>>) attributes {dimension_semantics = [#tpu.dimension_semantics<core_parallel>, #tpu.dimension_semantics<subcore_parallel>], iteration_bounds = array<i64: 2, 16>, scalar_prefetch = 0 : i64, scratch_operands = 5 : i64, tpu.core_type = #tpu.core_type<sc_vector_subcore>, window_params = [{transform_indices = #map}, {transform_indices = #map}]} {
    %broadcast_in_dim3A = arith.constant 0.000000e+00 : f32
    %broadcast_in_dim3A_0 = vector.broadcast %broadcast_in_dim3A : f32 to vector<16xf32>
    %scan3A = arith.constant 0 : i32
    %scan3A_1 = arith.constant 0 : i32
    %scan3A_2 = arith.constant 640 : i32
    %scan3A_3 = arith.addi %scan3A_1, %scan3A_2 : i32
    %scan3A_4 = arith.constant 1 : i32
    %scan3A_5 = scf.for %scan3A_145 = %scan3A_1 to %scan3A_3 step %scan3A_4 iter_args(%scan3A_146 = %scan3A) -> (i32)  : i32 {
      %mul3A_147 = arith.constant 16 : i32
      %mul3A_148 = arith.muli %scan3A_145, %mul3A_147 : i32
      %swap3A = arith.index_cast %mul3A_148 : i32 to index
      %swap3A_149 = tpu.vector_load %arg6[%swap3A] {strides = array<i32>} : memref<10240xf32, #tpu.memory_space<vmem>>, vector<16xf32>,
      tpu.vector_store %arg6[%swap3A], %broadcast_in_dim3A_0 {strides = array<i32>} : memref<10240xf32, #tpu.memory_space<vmem>>, vector<16xf32>,
      %scan3A_150 = arith.constant 0 : i32
      scf.yield %scan3A_150 : i32
    }
    %scan3A_6 = arith.constant 640 : i32
    %mul3A = arith.constant 16 : i32
    %mul3A_7 = arith.muli %arg0, %mul3A : i32
    %add3A = arith.addi %mul3A_7, %arg1 : i32
    %mul3A_8 = arith.constant 10240 : i32
    %mul3A_9 = arith.muli %add3A, %mul3A_8 : i32
    %add3A_10 = arith.constant 0 : i32
    %add3A_11 = arith.addi %mul3A_9, %add3A_10 : i32
    %dma_start3A = tpu.memref_slice %arg2[%add3A_11] : memref<327680xi32, #tpu.memory_space<hbm>> -> memref<128xi32, #tpu.memory_space<hbm>>
    %dma_start3A_12 = tpu.memref_slice %arg2[%add3A_11] : memref<327680xi32, #tpu.memory_space<hbm>> -> memref<128xi32, #tpu.memory_space<hbm>>
    tpu.enqueue_dma source(%dma_start3A_12 : memref<128xi32, #tpu.memory_space<hbm>>) target(%arg4 : memref<128xi32, #tpu.memory_space<vmem>>) target_semaphore(%arg7 : memref<!tpu.dma_semaphore, #tpu.memory_space<semaphore_mem>>)
    %add3A_13 = arith.constant 128 : i32
    %add3A_14 = arith.addi %mul3A_9, %add3A_13 : i32
    %dma_start3A_15 = tpu.memref_slice %arg2[%add3A_14] : memref<327680xi32, #tpu.memory_space<hbm>> -> memref<128xi32, #tpu.memory_space<hbm>>
    %dma_start3A_16 = tpu.memref_slice %arg2[%add3A_14] : memref<327680xi32, #tpu.memory_space<hbm>> -> memref<128xi32, #tpu.memory_space<hbm>>
    tpu.enqueue_dma source(%dma_start3A_16 : memref<128xi32, #tpu.memory_space<hbm>>) target(%arg5 : memref<128xi32, #tpu.memory_space<vmem>>) target_semaphore(%arg8 : memref<!tpu.dma_semaphore, #tpu.memory_space<semaphore_mem>>)
    %scan3A_17 = arith.constant 0 : i32
    %scan3A_18 = arith.constant 0 : i32
    %scan3A_19 = arith.constant 39 : i32
    %scan3A_20 = arith.addi %scan3A_18, %scan3A_19 : i32
    %scan3A_21 = arith.constant 1 : i32
    %scan3A_22 = scf.for %scan3A_145 = %scan3A_18 to %scan3A_20 step %scan3A_21 iter_args(%scan3A_146 = %scan3A_17) -> (i32)  : i32 {
      %mul3A_147 = arith.constant 2 : i32
      %mul3A_148 = arith.muli %mul3A_147, %scan3A_145 : i32
      %mul3A_149 = arith.constant 128 : i32
      %mul3A_150 = arith.muli %mul3A_148, %mul3A_149 : i32
      %add3A_151 = arith.addi %mul3A_9, %mul3A_150 : i32
      %dma_wait3A_152 = tpu.memref_slice %arg2[%add3A_151] : memref<327680xi32, #tpu.memory_space<hbm>> -> memref<128xi32, #tpu.memory_space<hbm>>
      %dma_wait3A_153 = tpu.memref_slice %arg2[%add3A_151] : memref<327680xi32, #tpu.memory_space<hbm>> -> memref<128xi32, #tpu.memory_space<hbm>>
      tpu.wait_dma2 semaphore(%arg7 : memref<!tpu.dma_semaphore, #tpu.memory_space<semaphore_mem>>) src(%dma_wait3A_153 : memref<128xi32, #tpu.memory_space<hbm>>) dst(%arg4 : memref<128xi32, #tpu.memory_space<vmem>>)
      %get3A_154 = arith.constant 0 : index
      %get3A_155 = tpu.vector_load %arg4[%get3A_154] {strides = array<i32>} : memref<128xi32, #tpu.memory_space<vmem>>, vector<16xi32>,
      %broadcast_in_dim3A_156 = arith.constant true
      %broadcast_in_dim3A_157 = vector.broadcast %broadcast_in_dim3A_156 : i1 to vector<16xi1>
      %unique3A_158, %unique3A_159 = tpu.scan_count mask(%broadcast_in_dim3A_157 : vector<16xi1>) value(%get3A_155 : vector<16xi32>) : vector<16xi1>, vector<16xi32>
      %convert_element_type3A_160 = arith.sitofp %unique3A_159 : vector<16xi32> to vector<16xf32>
      tpu.vector_store_idx %arg6[%get3A_155], %convert_element_type3A_160 masked %unique3A_158 {add = true} : memref<10240xf32, #tpu.memory_space<vmem>>[vector<16xi32>], vector<16xf32>, vector<16xi1>
      %get3A_161 = arith.constant 16 : index
      %get3A_162 = tpu.vector_load %arg4[%get3A_161] {strides = array<i32>} : memref<128xi32, #tpu.memory_space<vmem>>, vector<16xi32>,
      %broadcast_in_dim3A_163 = arith.constant true
      %broadcast_in_dim3A_164 = vector.broadcast %broadcast_in_dim3A_163 : i1 to vector<16xi1>
      %unique3A_165, %unique3A_166 = tpu.scan_count mask(%broadcast_in_dim3A_164 : vector<16xi1>) value(%get3A_162 : vector<16xi32>) : vector<16xi1>, vector<16xi32>
      %convert_element_type3A_167 = arith.sitofp %unique3A_166 : vector<16xi32> to vector<16xf32>
      tpu.vector_store_idx %arg6[%get3A_162], %convert_element_type3A_167 masked %unique3A_165 {add = true} : memref<10240xf32, #tpu.memory_space<vmem>>[vector<16xi32>], vector<16xf32>, vector<16xi1>
      %get3A_168 = arith.constant 32 : index
      %get3A_169 = tpu.vector_load %arg4[%get3A_168] {strides = array<i32>} : memref<128xi32, #tpu.memory_space<vmem>>, vector<16xi32>,
      %broadcast_in_dim3A_170 = arith.constant true
      %broadcast_in_dim3A_171 = vector.broadcast %broadcast_in_dim3A_170 : i1 to vector<16xi1>
      %unique3A_172, %unique3A_173 = tpu.scan_count mask(%broadcast_in_dim3A_171 : vector<16xi1>) value(%get3A_169 : vector<16xi32>) : vector<16xi1>, vector<16xi32>
      %convert_element_type3A_174 = arith.sitofp %unique3A_173 : vector<16xi32> to vector<16xf32>
      tpu.vector_store_idx %arg6[%get3A_169], %convert_element_type3A_174 masked %unique3A_172 {add = true} : memref<10240xf32, #tpu.memory_space<vmem>>[vector<16xi32>], vector<16xf32>, vector<16xi1>
      %get3A_175 = arith.constant 48 : index
      %get3A_176 = tpu.vector_load %arg4[%get3A_175] {strides = array<i32>} : memref<128xi32, #tpu.memory_space<vmem>>, vector<16xi32>,
      %broadcast_in_dim3A_177 = arith.constant true
      %broadcast_in_dim3A_178 = vector.broadcast %broadcast_in_dim3A_177 : i1 to vector<16xi1>
      %unique3A_179, %unique3A_180 = tpu.scan_count mask(%broadcast_in_dim3A_178 : vector<16xi1>) value(%get3A_176 : vector<16xi32>) : vector<16xi1>, vector<16xi32>
      %convert_element_type3A_181 = arith.sitofp %unique3A_180 : vector<16xi32> to vector<16xf32>
      tpu.vector_store_idx %arg6[%get3A_176], %convert_element_type3A_181 masked %unique3A_179 {add = true} : memref<10240xf32, #tpu.memory_space<vmem>>[vector<16xi32>], vector<16xf32>, vector<16xi1>
      %get3A_182 = arith.constant 64 : index
      %get3A_183 = tpu.vector_load %arg4[%get3A_182] {strides = array<i32>} : memref<128xi32, #tpu.memory_space<vmem>>, vector<16xi32>,
      %broadcast_in_dim3A_184 = arith.constant true
      %broadcast_in_dim3A_185 = vector.broadcast %broadcast_in_dim3A_184 : i1 to vector<16xi1>
      %unique3A_186, %unique3A_187 = tpu.scan_count mask(%broadcast_in_dim3A_185 : vector<16xi1>) value(%get3A_183 : vector<16xi32>) : vector<16xi1>, vector<16xi32>
      %convert_element_type3A_188 = arith.sitofp %unique3A_187 : vector<16xi32> to vector<16xf32>
      tpu.vector_store_idx %arg6[%get3A_183], %convert_element_type3A_188 masked %unique3A_186 {add = true} : memref<10240xf32, #tpu.memory_space<vmem>>[vector<16xi32>], vector<16xf32>, vector<16xi1>
      %get3A_189 = arith.constant 80 : index
      %get3A_190 = tpu.vector_load %arg4[%get3A_189] {strides = array<i32>} : memref<128xi32, #tpu.memory_space<vmem>>, vector<16xi32>,
      %broadcast_in_dim3A_191 = arith.constant true
      %broadcast_in_dim3A_192 = vector.broadcast %broadcast_in_dim3A_191 : i1 to vector<16xi1>
      %unique3A_193, %unique3A_194 = tpu.scan_count mask(%broadcast_in_dim3A_192 : vector<16xi1>) value(%get3A_190 : vector<16xi32>) : vector<16xi1>, vector<16xi32>
      %convert_element_type3A_195 = arith.sitofp %unique3A_194 : vector<16xi32> to vector<16xf32>
      tpu.vector_store_idx %arg6[%get3A_190], %convert_element_type3A_195 masked %unique3A_193 {add = true} : memref<10240xf32, #tpu.memory_space<vmem>>[vector<16xi32>], vector<16xf32>, vector<16xi1>
      %get3A_196 = arith.constant 96 : index
      %get3A_197 = tpu.vector_load %arg4[%get3A_196] {strides = array<i32>} : memref<128xi32, #tpu.memory_space<vmem>>, vector<16xi32>,
      %broadcast_in_dim3A_198 = arith.constant true
      %broadcast_in_dim3A_199 = vector.broadcast %broadcast_in_dim3A_198 : i1 to vector<16xi1>
      %unique3A_200, %unique3A_201 = tpu.scan_count mask(%broadcast_in_dim3A_199 : vector<16xi1>) value(%get3A_197 : vector<16xi32>) : vector<16xi1>, vector<16xi32>
      %convert_element_type3A_202 = arith.sitofp %unique3A_201 : vector<16xi32> to vector<16xf32>
      tpu.vector_store_idx %arg6[%get3A_197], %convert_element_type3A_202 masked %unique3A_200 {add = true} : memref<10240xf32, #tpu.memory_space<vmem>>[vector<16xi32>], vector<16xf32>, vector<16xi1>
      %get3A_203 = arith.constant 112 : index
      %get3A_204 = tpu.vector_load %arg4[%get3A_203] {strides = array<i32>} : memref<128xi32, #tpu.memory_space<vmem>>, vector<16xi32>,
      %broadcast_in_dim3A_205 = arith.constant true
      %broadcast_in_dim3A_206 = vector.broadcast %broadcast_in_dim3A_205 : i1 to vector<16xi1>
      %unique3A_207, %unique3A_208 = tpu.scan_count mask(%broadcast_in_dim3A_206 : vector<16xi1>) value(%get3A_204 : vector<16xi32>) : vector<16xi1>, vector<16xi32>
      %convert_element_type3A_209 = arith.sitofp %unique3A_208 : vector<16xi32> to vector<16xf32>
      tpu.vector_store_idx %arg6[%get3A_204], %convert_element_type3A_209 masked %unique3A_207 {add = true} : memref<10240xf32, #tpu.memory_space<vmem>>[vector<16xi32>], vector<16xf32>, vector<16xi1>
      %add3A_210 = arith.constant 2 : i32
      %add3A_211 = arith.addi %mul3A_148, %add3A_210 : i32
      %mul3A_212 = arith.constant 128 : i32
      %mul3A_213 = arith.muli %add3A_211, %mul3A_212 : i32
      %add3A_214 = arith.addi %mul3A_9, %mul3A_213 : i32
      %dma_start3A_215 = tpu.memref_slice %arg2[%add3A_214] : memref<327680xi32, #tpu.memory_space<hbm>> -> memref<128xi32, #tpu.memory_space<hbm>>
      %dma_start3A_216 = tpu.memref_slice %arg2[%add3A_214] : memref<327680xi32, #tpu.memory_space<hbm>> -> memref<128xi32, #tpu.memory_space<hbm>>
      tpu.enqueue_dma source(%dma_start3A_216 : memref<128xi32, #tpu.memory_space<hbm>>) target(%arg4 : memref<128xi32, #tpu.memory_space<vmem>>) target_semaphore(%arg7 : memref<!tpu.dma_semaphore, #tpu.memory_space<semaphore_mem>>)
      %add3A_217 = arith.constant 1 : i32
      %add3A_218 = arith.addi %mul3A_148, %add3A_217 : i32
      %mul3A_219 = arith.constant 128 : i32
      %mul3A_220 = arith.muli %add3A_218, %mul3A_219 : i32
      %add3A_221 = arith.addi %mul3A_9, %mul3A_220 : i32
      %dma_wait3A_222 = tpu.memref_slice %arg2[%add3A_221] : memref<327680xi32, #tpu.memory_space<hbm>> -> memref<128xi32, #tpu.memory_space<hbm>>
      %dma_wait3A_223 = tpu.memref_slice %arg2[%add3A_221] : memref<327680xi32, #tpu.memory_space<hbm>> -> memref<128xi32, #tpu.memory_space<hbm>>
      tpu.wait_dma2 semaphore(%arg8 : memref<!tpu.dma_semaphore, #tpu.memory_space<semaphore_mem>>) src(%dma_wait3A_223 : memref<128xi32, #tpu.memory_space<hbm>>) dst(%arg5 : memref<128xi32, #tpu.memory_space<vmem>>)
      %get3A_224 = arith.constant 0 : index
      %get3A_225 = tpu.vector_load %arg5[%get3A_224] {strides = array<i32>} : memref<128xi32, #tpu.memory_space<vmem>>, vector<16xi32>,
      %broadcast_in_dim3A_226 = arith.constant true
      %broadcast_in_dim3A_227 = vector.broadcast %broadcast_in_dim3A_226 : i1 to vector<16xi1>
      %unique3A_228, %unique3A_229 = tpu.scan_count mask(%broadcast_in_dim3A_227 : vector<16xi1>) value(%get3A_225 : vector<16xi32>) : vector<16xi1>, vector<16xi32>
      %convert_element_type3A_230 = arith.sitofp %unique3A_229 : vector<16xi32> to vector<16xf32>
      tpu.vector_store_idx %arg6[%get3A_225], %convert_element_type3A_230 masked %unique3A_228 {add = true} : memref<10240xf32, #tpu.memory_space<vmem>>[vector<16xi32>], vector<16xf32>, vector<16xi1>
      %get3A_231 = arith.constant 16 : index
      %get3A_232 = tpu.vector_load %arg5[%get3A_231] {strides = array<i32>} : memref<128xi32, #tpu.memory_space<vmem>>, vector<16xi32>,
      %broadcast_in_dim3A_233 = arith.constant true
      %broadcast_in_dim3A_234 = vector.broadcast %broadcast_in_dim3A_233 : i1 to vector<16xi1>
      %unique3A_235, %unique3A_236 = tpu.scan_count mask(%broadcast_in_dim3A_234 : vector<16xi1>) value(%get3A_232 : vector<16xi32>) : vector<16xi1>, vector<16xi32>
      %convert_element_type3A_237 = arith.sitofp %unique3A_236 : vector<16xi32> to vector<16xf32>
      tpu.vector_store_idx %arg6[%get3A_232], %convert_element_type3A_237 masked %unique3A_235 {add = true} : memref<10240xf32, #tpu.memory_space<vmem>>[vector<16xi32>], vector<16xf32>, vector<16xi1>
      %get3A_238 = arith.constant 32 : index
      %get3A_239 = tpu.vector_load %arg5[%get3A_238] {strides = array<i32>} : memref<128xi32, #tpu.memory_space<vmem>>, vector<16xi32>,
      %broadcast_in_dim3A_240 = arith.constant true
      %broadcast_in_dim3A_241 = vector.broadcast %broadcast_in_dim3A_240 : i1 to vector<16xi1>
      %unique3A_242, %unique3A_243 = tpu.scan_count mask(%broadcast_in_dim3A_241 : vector<16xi1>) value(%get3A_239 : vector<16xi32>) : vector<16xi1>, vector<16xi32>
      %convert_element_type3A_244 = arith.sitofp %unique3A_243 : vector<16xi32> to vector<16xf32>
      tpu.vector_store_idx %arg6[%get3A_239], %convert_element_type3A_244 masked %unique3A_242 {add = true} : memref<10240xf32, #tpu.memory_space<vmem>>[vector<16xi32>], vector<16xf32>, vector<16xi1>
      %get3A_245 = arith.constant 48 : index
      %get3A_246 = tpu.vector_load %arg5[%get3A_245] {strides = array<i32>} : memref<128xi32, #tpu.memory_space<vmem>>, vector<16xi32>,
      %broadcast_in_dim3A_247 = arith.constant true
      %broadcast_in_dim3A_248 = vector.broadcast %broadcast_in_dim3A_247 : i1 to vector<16xi1>
      %unique3A_249, %unique3A_250 = tpu.scan_count mask(%broadcast_in_dim3A_248 : vector<16xi1>) value(%get3A_246 : vector<16xi32>) : vector<16xi1>, vector<16xi32>
      %convert_element_type3A_251 = arith.sitofp %unique3A_250 : vector<16xi32> to vector<16xf32>
      tpu.vector_store_idx %arg6[%get3A_246], %convert_element_type3A_251 masked %unique3A_249 {add = true} : memref<10240xf32, #tpu.memory_space<vmem>>[vector<16xi32>], vector<16xf32>, vector<16xi1>
      %get3A_252 = arith.constant 64 : index
      %get3A_253 = tpu.vector_load %arg5[%get3A_252] {strides = array<i32>} : memref<128xi32, #tpu.memory_space<vmem>>, vector<16xi32>,
      %broadcast_in_dim3A_254 = arith.constant true
      %broadcast_in_dim3A_255 = vector.broadcast %broadcast_in_dim3A_254 : i1 to vector<16xi1>
      %unique3A_256, %unique3A_257 = tpu.scan_count mask(%broadcast_in_dim3A_255 : vector<16xi1>) value(%get3A_253 : vector<16xi32>) : vector<16xi1>, vector<16xi32>
      %convert_element_type3A_258 = arith.sitofp %unique3A_257 : vector<16xi32> to vector<16xf32>
      tpu.vector_store_idx %arg6[%get3A_253], %convert_element_type3A_258 masked %unique3A_256 {add = true} : memref<10240xf32, #tpu.memory_space<vmem>>[vector<16xi32>], vector<16xf32>, vector<16xi1>
      %get3A_259 = arith.constant 80 : index
      %get3A_260 = tpu.vector_load %arg5[%get3A_259] {strides = array<i32>} : memref<128xi32, #tpu.memory_space<vmem>>, vector<16xi32>,
      %broadcast_in_dim3A_261 = arith.constant true
      %broadcast_in_dim3A_262 = vector.broadcast %broadcast_in_dim3A_261 : i1 to vector<16xi1>
      %unique3A_263, %unique3A_264 = tpu.scan_count mask(%broadcast_in_dim3A_262 : vector<16xi1>) value(%get3A_260 : vector<16xi32>) : vector<16xi1>, vector<16xi32>
      %convert_element_type3A_265 = arith.sitofp %unique3A_264 : vector<16xi32> to vector<16xf32>
      tpu.vector_store_idx %arg6[%get3A_260], %convert_element_type3A_265 masked %unique3A_263 {add = true} : memref<10240xf32, #tpu.memory_space<vmem>>[vector<16xi32>], vector<16xf32>, vector<16xi1>
      %get3A_266 = arith.constant 96 : index
      %get3A_267 = tpu.vector_load %arg5[%get3A_266] {strides = array<i32>} : memref<128xi32, #tpu.memory_space<vmem>>, vector<16xi32>,
      %broadcast_in_dim3A_268 = arith.constant true
      %broadcast_in_dim3A_269 = vector.broadcast %broadcast_in_dim3A_268 : i1 to vector<16xi1>
      %unique3A_270, %unique3A_271 = tpu.scan_count mask(%broadcast_in_dim3A_269 : vector<16xi1>) value(%get3A_267 : vector<16xi32>) : vector<16xi1>, vector<16xi32>
      %convert_element_type3A_272 = arith.sitofp %unique3A_271 : vector<16xi32> to vector<16xf32>
      tpu.vector_store_idx %arg6[%get3A_267], %convert_element_type3A_272 masked %unique3A_270 {add = true} : memref<10240xf32, #tpu.memory_space<vmem>>[vector<16xi32>], vector<16xf32>, vector<16xi1>
      %get3A_273 = arith.constant 112 : index
      %get3A_274 = tpu.vector_load %arg5[%get3A_273] {strides = array<i32>} : memref<128xi32, #tpu.memory_space<vmem>>, vector<16xi32>,
      %broadcast_in_dim3A_275 = arith.constant true
      %broadcast_in_dim3A_276 = vector.broadcast %broadcast_in_dim3A_275 : i1 to vector<16xi1>
      %unique3A_277, %unique3A_278 = tpu.scan_count mask(%broadcast_in_dim3A_276 : vector<16xi1>) value(%get3A_274 : vector<16xi32>) : vector<16xi1>, vector<16xi32>
      %convert_element_type3A_279 = arith.sitofp %unique3A_278 : vector<16xi32> to vector<16xf32>
      tpu.vector_store_idx %arg6[%get3A_274], %convert_element_type3A_279 masked %unique3A_277 {add = true} : memref<10240xf32, #tpu.memory_space<vmem>>[vector<16xi32>], vector<16xf32>, vector<16xi1>
      %add3A_280 = arith.constant 3 : i32
      %add3A_281 = arith.addi %mul3A_148, %add3A_280 : i32
      %mul3A_282 = arith.constant 128 : i32
      %mul3A_283 = arith.muli %add3A_281, %mul3A_282 : i32
      %add3A_284 = arith.addi %mul3A_9, %mul3A_283 : i32
      %dma_start3A_285 = tpu.memref_slice %arg2[%add3A_284] : memref<327680xi32, #tpu.memory_space<hbm>> -> memref<128xi32, #tpu.memory_space<hbm>>
      %dma_start3A_286 = tpu.memref_slice %arg2[%add3A_284] : memref<327680xi32, #tpu.memory_space<hbm>> -> memref<128xi32, #tpu.memory_space<hbm>>
      tpu.enqueue_dma source(%dma_start3A_286 : memref<128xi32, #tpu.memory_space<hbm>>) target(%arg5 : memref<128xi32, #tpu.memory_space<vmem>>) target_semaphore(%arg8 : memref<!tpu.dma_semaphore, #tpu.memory_space<semaphore_mem>>)
      %scan3A_287 = arith.constant 0 : i32
      scf.yield %scan3A_287 : i32
    }
    %scan3A_23 = arith.constant 39 : i32
    %add3A_24 = arith.constant 9984 : i32
    %add3A_25 = arith.addi %mul3A_9, %add3A_24 : i32
    %dma_wait3A = tpu.memref_slice %arg2[%add3A_25] : memref<327680xi32, #tpu.memory_space<hbm>> -> memref<128xi32, #tpu.memory_space<hbm>>
    %dma_wait3A_26 = tpu.memref_slice %arg2[%add3A_25] : memref<327680xi32, #tpu.memory_space<hbm>> -> memref<128xi32, #tpu.memory_space<hbm>>
    tpu.wait_dma2 semaphore(%arg7 : memref<!tpu.dma_semaphore, #tpu.memory_space<semaphore_mem>>) src(%dma_wait3A_26 : memref<128xi32, #tpu.memory_space<hbm>>) dst(%arg4 : memref<128xi32, #tpu.memory_space<vmem>>)
    %get3A = arith.constant 0 : index
    %get3A_27 = tpu.vector_load %arg4[%get3A] {strides = array<i32>} : memref<128xi32, #tpu.memory_space<vmem>>, vector<16xi32>,
    %broadcast_in_dim3A_28 = arith.constant true
    %broadcast_in_dim3A_29 = vector.broadcast %broadcast_in_dim3A_28 : i1 to vector<16xi1>
    %unique3A, %unique3A_30 = tpu.scan_count mask(%broadcast_in_dim3A_29 : vector<16xi1>) value(%get3A_27 : vector<16xi32>) : vector<16xi1>, vector<16xi32>
    %convert_element_type3A = arith.sitofp %unique3A_30 : vector<16xi32> to vector<16xf32>
    tpu.vector_store_idx %arg6[%get3A_27], %convert_element_type3A masked %unique3A {add = true} : memref<10240xf32, #tpu.memory_space<vmem>>[vector<16xi32>], vector<16xf32>, vector<16xi1>
    %get3A_31 = arith.constant 16 : index
    %get3A_32 = tpu.vector_load %arg4[%get3A_31] {strides = array<i32>} : memref<128xi32, #tpu.memory_space<vmem>>, vector<16xi32>,
    %broadcast_in_dim3A_33 = arith.constant true
    %broadcast_in_dim3A_34 = vector.broadcast %broadcast_in_dim3A_33 : i1 to vector<16xi1>
    %unique3A_35, %unique3A_36 = tpu.scan_count mask(%broadcast_in_dim3A_34 : vector<16xi1>) value(%get3A_32 : vector<16xi32>) : vector<16xi1>, vector<16xi32>
    %convert_element_type3A_37 = arith.sitofp %unique3A_36 : vector<16xi32> to vector<16xf32>
    tpu.vector_store_idx %arg6[%get3A_32], %convert_element_type3A_37 masked %unique3A_35 {add = true} : memref<10240xf32, #tpu.memory_space<vmem>>[vector<16xi32>], vector<16xf32>, vector<16xi1>
    %get3A_38 = arith.constant 32 : index
    %get3A_39 = tpu.vector_load %arg4[%get3A_38] {strides = array<i32>} : memref<128xi32, #tpu.memory_space<vmem>>, vector<16xi32>,
    %broadcast_in_dim3A_40 = arith.constant true
    %broadcast_in_dim3A_41 = vector.broadcast %broadcast_in_dim3A_40 : i1 to vector<16xi1>
    %unique3A_42, %unique3A_43 = tpu.scan_count mask(%broadcast_in_dim3A_41 : vector<16xi1>) value(%get3A_39 : vector<16xi32>) : vector<16xi1>, vector<16xi32>
    %convert_element_type3A_44 = arith.sitofp %unique3A_43 : vector<16xi32> to vector<16xf32>
    tpu.vector_store_idx %arg6[%get3A_39], %convert_element_type3A_44 masked %unique3A_42 {add = true} : memref<10240xf32, #tpu.memory_space<vmem>>[vector<16xi32>], vector<16xf32>, vector<16xi1>
    %get3A_45 = arith.constant 48 : index
    %get3A_46 = tpu.vector_load %arg4[%get3A_45] {strides = array<i32>} : memref<128xi32, #tpu.memory_space<vmem>>, vector<16xi32>,
    %broadcast_in_dim3A_47 = arith.constant true
    %broadcast_in_dim3A_48 = vector.broadcast %broadcast_in_dim3A_47 : i1 to vector<16xi1>
    %unique3A_49, %unique3A_50 = tpu.scan_count mask(%broadcast_in_dim3A_48 : vector<16xi1>) value(%get3A_46 : vector<16xi32>) : vector<16xi1>, vector<16xi32>
    %convert_element_type3A_51 = arith.sitofp %unique3A_50 : vector<16xi32> to vector<16xf32>
    tpu.vector_store_idx %arg6[%get3A_46], %convert_element_type3A_51 masked %unique3A_49 {add = true} : memref<10240xf32, #tpu.memory_space<vmem>>[vector<16xi32>], vector<16xf32>, vector<16xi1>
    %get3A_52 = arith.constant 64 : index
    %get3A_53 = tpu.vector_load %arg4[%get3A_52] {strides = array<i32>} : memref<128xi32, #tpu.memory_space<vmem>>, vector<16xi32>,
    %broadcast_in_dim3A_54 = arith.constant true
    %broadcast_in_dim3A_55 = vector.broadcast %broadcast_in_dim3A_54 : i1 to vector<16xi1>
    %unique3A_56, %unique3A_57 = tpu.scan_count mask(%broadcast_in_dim3A_55 : vector<16xi1>) value(%get3A_53 : vector<16xi32>) : vector<16xi1>, vector<16xi32>
    %convert_element_type3A_58 = arith.sitofp %unique3A_57 : vector<16xi32> to vector<16xf32>
    tpu.vector_store_idx %arg6[%get3A_53], %convert_element_type3A_58 masked %unique3A_56 {add = true} : memref<10240xf32, #tpu.memory_space<vmem>>[vector<16xi32>], vector<16xf32>, vector<16xi1>
    %get3A_59 = arith.constant 80 : index
    %get3A_60 = tpu.vector_load %arg4[%get3A_59] {strides = array<i32>} : memref<128xi32, #tpu.memory_space<vmem>>, vector<16xi32>,
    %broadcast_in_dim3A_61 = arith.constant true
    %broadcast_in_dim3A_62 = vector.broadcast %broadcast_in_dim3A_61 : i1 to vector<16xi1>
    %unique3A_63, %unique3A_64 = tpu.scan_count mask(%broadcast_in_dim3A_62 : vector<16xi1>) value(%get3A_60 : vector<16xi32>) : vector<16xi1>, vector<16xi32>
    %convert_element_type3A_65 = arith.sitofp %unique3A_64 : vector<16xi32> to vector<16xf32>
    tpu.vector_store_idx %arg6[%get3A_60], %convert_element_type3A_65 masked %unique3A_63 {add = true} : memref<10240xf32, #tpu.memory_space<vmem>>[vector<16xi32>], vector<16xf32>, vector<16xi1>
    %get3A_66 = arith.constant 96 : index
    %get3A_67 = tpu.vector_load %arg4[%get3A_66] {strides = array<i32>} : memref<128xi32, #tpu.memory_space<vmem>>, vector<16xi32>,
    %broadcast_in_dim3A_68 = arith.constant true
    %broadcast_in_dim3A_69 = vector.broadcast %broadcast_in_dim3A_68 : i1 to vector<16xi1>
    %unique3A_70, %unique3A_71 = tpu.scan_count mask(%broadcast_in_dim3A_69 : vector<16xi1>) value(%get3A_67 : vector<16xi32>) : vector<16xi1>, vector<16xi32>
    %convert_element_type3A_72 = arith.sitofp %unique3A_71 : vector<16xi32> to vector<16xf32>
    tpu.vector_store_idx %arg6[%get3A_67], %convert_element_type3A_72 masked %unique3A_70 {add = true} : memref<10240xf32, #tpu.memory_space<vmem>>[vector<16xi32>], vector<16xf32>, vector<16xi1>
    %get3A_73 = arith.constant 112 : index
    %get3A_74 = tpu.vector_load %arg4[%get3A_73] {strides = array<i32>} : memref<128xi32, #tpu.memory_space<vmem>>, vector<16xi32>,
    %broadcast_in_dim3A_75 = arith.constant true
    %broadcast_in_dim3A_76 = vector.broadcast %broadcast_in_dim3A_75 : i1 to vector<16xi1>
    %unique3A_77, %unique3A_78 = tpu.scan_count mask(%broadcast_in_dim3A_76 : vector<16xi1>) value(%get3A_74 : vector<16xi32>) : vector<16xi1>, vector<16xi32>
    %convert_element_type3A_79 = arith.sitofp %unique3A_78 : vector<16xi32> to vector<16xf32>
    tpu.vector_store_idx %arg6[%get3A_74], %convert_element_type3A_79 masked %unique3A_77 {add = true} : memref<10240xf32, #tpu.memory_space<vmem>>[vector<16xi32>], vector<16xf32>, vector<16xi1>
    %add3A_80 = arith.constant 10112 : i32
    %add3A_81 = arith.addi %mul3A_9, %add3A_80 : i32
    %dma_wait3A_82 = tpu.memref_slice %arg2[%add3A_81] : memref<327680xi32, #tpu.memory_space<hbm>> -> memref<128xi32, #tpu.memory_space<hbm>>
    %dma_wait3A_83 = tpu.memref_slice %arg2[%add3A_81] : memref<327680xi32, #tpu.memory_space<hbm>> -> memref<128xi32, #tpu.memory_space<hbm>>
    tpu.wait_dma2 semaphore(%arg8 : memref<!tpu.dma_semaphore, #tpu.memory_space<semaphore_mem>>) src(%dma_wait3A_83 : memref<128xi32, #tpu.memory_space<hbm>>) dst(%arg5 : memref<128xi32, #tpu.memory_space<vmem>>)
    %get3A_84 = arith.constant 0 : index
    %get3A_85 = tpu.vector_load %arg5[%get3A_84] {strides = array<i32>} : memref<128xi32, #tpu.memory_space<vmem>>, vector<16xi32>,
    %broadcast_in_dim3A_86 = arith.constant true
    %broadcast_in_dim3A_87 = vector.broadcast %broadcast_in_dim3A_86 : i1 to vector<16xi1>
    %unique3A_88, %unique3A_89 = tpu.scan_count mask(%broadcast_in_dim3A_87 : vector<16xi1>) value(%get3A_85 : vector<16xi32>) : vector<16xi1>, vector<16xi32>
    %convert_element_type3A_90 = arith.sitofp %unique3A_89 : vector<16xi32> to vector<16xf32>
    tpu.vector_store_idx %arg6[%get3A_85], %convert_element_type3A_90 masked %unique3A_88 {add = true} : memref<10240xf32, #tpu.memory_space<vmem>>[vector<16xi32>], vector<16xf32>, vector<16xi1>
    %get3A_91 = arith.constant 16 : index
    %get3A_92 = tpu.vector_load %arg5[%get3A_91] {strides = array<i32>} : memref<128xi32, #tpu.memory_space<vmem>>, vector<16xi32>,
    %broadcast_in_dim3A_93 = arith.constant true
    %broadcast_in_dim3A_94 = vector.broadcast %broadcast_in_dim3A_93 : i1 to vector<16xi1>
    %unique3A_95, %unique3A_96 = tpu.scan_count mask(%broadcast_in_dim3A_94 : vector<16xi1>) value(%get3A_92 : vector<16xi32>) : vector<16xi1>, vector<16xi32>
    %convert_element_type3A_97 = arith.sitofp %unique3A_96 : vector<16xi32> to vector<16xf32>
    tpu.vector_store_idx %arg6[%get3A_92], %convert_element_type3A_97 masked %unique3A_95 {add = true} : memref<10240xf32, #tpu.memory_space<vmem>>[vector<16xi32>], vector<16xf32>, vector<16xi1>
    %get3A_98 = arith.constant 32 : index
    %get3A_99 = tpu.vector_load %arg5[%get3A_98] {strides = array<i32>} : memref<128xi32, #tpu.memory_space<vmem>>, vector<16xi32>,
    %broadcast_in_dim3A_100 = arith.constant true
    %broadcast_in_dim3A_101 = vector.broadcast %broadcast_in_dim3A_100 : i1 to vector<16xi1>
    %unique3A_102, %unique3A_103 = tpu.scan_count mask(%broadcast_in_dim3A_101 : vector<16xi1>) value(%get3A_99 : vector<16xi32>) : vector<16xi1>, vector<16xi32>
    %convert_element_type3A_104 = arith.sitofp %unique3A_103 : vector<16xi32> to vector<16xf32>
    tpu.vector_store_idx %arg6[%get3A_99], %convert_element_type3A_104 masked %unique3A_102 {add = true} : memref<10240xf32, #tpu.memory_space<vmem>>[vector<16xi32>], vector<16xf32>, vector<16xi1>
    %get3A_105 = arith.constant 48 : index
    %get3A_106 = tpu.vector_load %arg5[%get3A_105] {strides = array<i32>} : memref<128xi32, #tpu.memory_space<vmem>>, vector<16xi32>,
    %broadcast_in_dim3A_107 = arith.constant true
    %broadcast_in_dim3A_108 = vector.broadcast %broadcast_in_dim3A_107 : i1 to vector<16xi1>
    %unique3A_109, %unique3A_110 = tpu.scan_count mask(%broadcast_in_dim3A_108 : vector<16xi1>) value(%get3A_106 : vector<16xi32>) : vector<16xi1>, vector<16xi32>
    %convert_element_type3A_111 = arith.sitofp %unique3A_110 : vector<16xi32> to vector<16xf32>
    tpu.vector_store_idx %arg6[%get3A_106], %convert_element_type3A_111 masked %unique3A_109 {add = true} : memref<10240xf32, #tpu.memory_space<vmem>>[vector<16xi32>], vector<16xf32>, vector<16xi1>
    %get3A_112 = arith.constant 64 : index
    %get3A_113 = tpu.vector_load %arg5[%get3A_112] {strides = array<i32>} : memref<128xi32, #tpu.memory_space<vmem>>, vector<16xi32>,
    %broadcast_in_dim3A_114 = arith.constant true
    %broadcast_in_dim3A_115 = vector.broadcast %broadcast_in_dim3A_114 : i1 to vector<16xi1>
    %unique3A_116, %unique3A_117 = tpu.scan_count mask(%broadcast_in_dim3A_115 : vector<16xi1>) value(%get3A_113 : vector<16xi32>) : vector<16xi1>, vector<16xi32>
    %convert_element_type3A_118 = arith.sitofp %unique3A_117 : vector<16xi32> to vector<16xf32>
    tpu.vector_store_idx %arg6[%get3A_113], %convert_element_type3A_118 masked %unique3A_116 {add = true} : memref<10240xf32, #tpu.memory_space<vmem>>[vector<16xi32>], vector<16xf32>, vector<16xi1>
    %get3A_119 = arith.constant 80 : index
    %get3A_120 = tpu.vector_load %arg5[%get3A_119] {strides = array<i32>} : memref<128xi32, #tpu.memory_space<vmem>>, vector<16xi32>,
    %broadcast_in_dim3A_121 = arith.constant true
    %broadcast_in_dim3A_122 = vector.broadcast %broadcast_in_dim3A_121 : i1 to vector<16xi1>
    %unique3A_123, %unique3A_124 = tpu.scan_count mask(%broadcast_in_dim3A_122 : vector<16xi1>) value(%get3A_120 : vector<16xi32>) : vector<16xi1>, vector<16xi32>
    %convert_element_type3A_125 = arith.sitofp %unique3A_124 : vector<16xi32> to vector<16xf32>
    tpu.vector_store_idx %arg6[%get3A_120], %convert_element_type3A_125 masked %unique3A_123 {add = true} : memref<10240xf32, #tpu.memory_space<vmem>>[vector<16xi32>], vector<16xf32>, vector<16xi1>
    %get3A_126 = arith.constant 96 : index
    %get3A_127 = tpu.vector_load %arg5[%get3A_126] {strides = array<i32>} : memref<128xi32, #tpu.memory_space<vmem>>, vector<16xi32>,
    %broadcast_in_dim3A_128 = arith.constant true
    %broadcast_in_dim3A_129 = vector.broadcast %broadcast_in_dim3A_128 : i1 to vector<16xi1>
    %unique3A_130, %unique3A_131 = tpu.scan_count mask(%broadcast_in_dim3A_129 : vector<16xi1>) value(%get3A_127 : vector<16xi32>) : vector<16xi1>, vector<16xi32>
    %convert_element_type3A_132 = arith.sitofp %unique3A_131 : vector<16xi32> to vector<16xf32>
    tpu.vector_store_idx %arg6[%get3A_127], %convert_element_type3A_132 masked %unique3A_130 {add = true} : memref<10240xf32, #tpu.memory_space<vmem>>[vector<16xi32>], vector<16xf32>, vector<16xi1>
    %get3A_133 = arith.constant 112 : index
    %get3A_134 = tpu.vector_load %arg5[%get3A_133] {strides = array<i32>} : memref<128xi32, #tpu.memory_space<vmem>>, vector<16xi32>,
    %broadcast_in_dim3A_135 = arith.constant true
    %broadcast_in_dim3A_136 = vector.broadcast %broadcast_in_dim3A_135 : i1 to vector<16xi1>
    %unique3A_137, %unique3A_138 = tpu.scan_count mask(%broadcast_in_dim3A_136 : vector<16xi1>) value(%get3A_134 : vector<16xi32>) : vector<16xi1>, vector<16xi32>
    %convert_element_type3A_139 = arith.sitofp %unique3A_138 : vector<16xi32> to vector<16xf32>
    tpu.vector_store_idx %arg6[%get3A_134], %convert_element_type3A_139 masked %unique3A_137 {add = true} : memref<10240xf32, #tpu.memory_space<vmem>>[vector<16xi32>], vector<16xf32>, vector<16xi1>
    %mul3A_140 = arith.constant 16 : i32
    %mul3A_141 = arith.muli %arg0, %mul3A_140 : i32
    %add3A_142 = arith.addi %mul3A_141, %arg1 : i32
    %mul3A_143 = arith.constant 10240 : i32
    %mul3A_144 = arith.muli %add3A_142, %mul3A_143 : i32
    "tpu.region"() ({
      %run_scoped3A = tpu.sem_alloc : memref<!tpu.dma_semaphore, #tpu.memory_space<semaphore_mem>>
      %dma_start3A_145 = tpu.memref_slice %arg3[%mul3A_144] : memref<327680xf32, #tpu.memory_space<hbm>> -> memref<10240xf32, #tpu.memory_space<hbm>>
      %dma_start3A_146 = tpu.memref_slice %arg3[%mul3A_144] : memref<327680xf32, #tpu.memory_space<hbm>> -> memref<10240xf32, #tpu.memory_space<hbm>>
      tpu.enqueue_dma source(%arg6 : memref<10240xf32, #tpu.memory_space<vmem>>) target(%dma_start3A_146 : memref<10240xf32, #tpu.memory_space<hbm>>) target_semaphore(%run_scoped3A : memref<!tpu.dma_semaphore, #tpu.memory_space<semaphore_mem>>)
      %dma_wait3A_147 = tpu.memref_slice %arg3[%mul3A_144] : memref<327680xf32, #tpu.memory_space<hbm>> -> memref<10240xf32, #tpu.memory_space<hbm>>
      %dma_wait3A_148 = tpu.memref_slice %arg3[%mul3A_144] : memref<327680xf32, #tpu.memory_space<hbm>> -> memref<10240xf32, #tpu.memory_space<hbm>>
      tpu.wait_dma2 semaphore(%run_scoped3A : memref<!tpu.dma_semaphore, #tpu.memory_space<semaphore_mem>>) src(%arg6 : memref<10240xf32, #tpu.memory_space<vmem>>) dst(%dma_wait3A_148 : memref<10240xf32, #tpu.memory_space<hbm>>)
      tpu.yield
    }) : () -> ()
    return
  }
}

#map = affine_map<(d0, d1) -> (0, 0)>
#map1 = affine_map<(d0, d1) -> (0)>
module attributes {stable_mosaic.version = 14 : i64} {
  func.func @_stats_kernel(%arg0: i32, %arg1: i32, %arg2: memref<10240x128xf32, #tpu.memory_space<hbm>>, %arg3: memref<10240x128xf32, #tpu.memory_space<hbm>>, %arg4: memref<80x128xf32, #tpu.memory_space<hbm>>, %arg5: memref<10240xi32, #tpu.memory_space<hbm>>, %arg6: memref<32x128xf32, #tpu.memory_space<hbm>>, %arg7: memref<1024x128xf32, #tpu.memory_space<hbm>>, %arg8: memref<1024x128xf32, #tpu.memory_space<hbm>>, %arg9: memref<1024x128xf32, #tpu.memory_space<hbm>>, %arg10: memref<80xi32, #tpu.memory_space<vmem>>, %arg11: memref<80x128xf32, #tpu.memory_space<vmem>>, %arg12: memref<80x128xf32, #tpu.memory_space<vmem>>, %arg13: memref<80x128xf32, #tpu.memory_space<vmem>>, %arg14: memref<512x128xf32, #tpu.memory_space<vmem_shared>>, %arg15: memref<512x128xf32, #tpu.memory_space<vmem_shared>>, %arg16: memref<512x128xf32, #tpu.memory_space<vmem_shared>>) attributes {dimension_semantics = [#tpu.dimension_semantics<core_parallel>, #tpu.dimension_semantics<subcore_parallel>], iteration_bounds = array<i64: 2, 16>, scalar_prefetch = 0 : i64, scratch_operands = 7 : i64, tpu.core_type = #tpu.core_type<sc_vector_subcore>, window_params = [{transform_indices = #map}, {transform_indices = #map}, {transform_indices = #map}, {transform_indices = #map1}, {transform_indices = #map}, {transform_indices = #map}, {transform_indices = #map}, {transform_indices = #map}]} {
    %mul3A = arith.constant 32 : i32
    %mul3A_0 = arith.muli %arg1, %mul3A : i32
    "tpu.region"() ({
      %run_scoped3A = tpu.sem_alloc : memref<!tpu.dma_semaphore, #tpu.memory_space<semaphore_mem>>
      %dma_start3A = arith.constant 0 : i32
      %dma_start3A_23 = tpu.memref_slice %arg14[%mul3A_0, %dma_start3A] : memref<512x128xf32, #tpu.memory_space<vmem_shared>> -> memref<32x128xf32, #tpu.memory_space<vmem_shared>>
      tpu.enqueue_dma source(%arg6 : memref<32x128xf32, #tpu.memory_space<hbm>>) target(%dma_start3A_23 : memref<32x128xf32, #tpu.memory_space<vmem_shared>>) target_semaphore(%run_scoped3A : memref<!tpu.dma_semaphore, #tpu.memory_space<semaphore_mem>>)
      %dma_wait3A = arith.constant 0 : i32
      %dma_wait3A_24 = tpu.memref_slice %arg14[%mul3A_0, %dma_wait3A] : memref<512x128xf32, #tpu.memory_space<vmem_shared>> -> memref<32x128xf32, #tpu.memory_space<vmem_shared>>
      tpu.wait_dma2 semaphore(%run_scoped3A : memref<!tpu.dma_semaphore, #tpu.memory_space<semaphore_mem>>) src(%arg6 : memref<32x128xf32, #tpu.memory_space<hbm>>) dst(%dma_wait3A_24 : memref<32x128xf32, #tpu.memory_space<vmem_shared>>)
      tpu.yield
    }) : () -> ()
    %mul3A_1 = arith.constant 32 : i32
    %mul3A_2 = arith.muli %arg1, %mul3A_1 : i32
    "tpu.region"() ({
      %run_scoped3A = tpu.sem_alloc : memref<!tpu.dma_semaphore, #tpu.memory_space<semaphore_mem>>
      %dma_start3A = arith.constant 0 : i32
      %dma_start3A_23 = tpu.memref_slice %arg15[%mul3A_2, %dma_start3A] : memref<512x128xf32, #tpu.memory_space<vmem_shared>> -> memref<32x128xf32, #tpu.memory_space<vmem_shared>>
      tpu.enqueue_dma source(%arg6 : memref<32x128xf32, #tpu.memory_space<hbm>>) target(%dma_start3A_23 : memref<32x128xf32, #tpu.memory_space<vmem_shared>>) target_semaphore(%run_scoped3A : memref<!tpu.dma_semaphore, #tpu.memory_space<semaphore_mem>>)
      %dma_wait3A = arith.constant 0 : i32
      %dma_wait3A_24 = tpu.memref_slice %arg15[%mul3A_2, %dma_wait3A] : memref<512x128xf32, #tpu.memory_space<vmem_shared>> -> memref<32x128xf32, #tpu.memory_space<vmem_shared>>
      tpu.wait_dma2 semaphore(%run_scoped3A : memref<!tpu.dma_semaphore, #tpu.memory_space<semaphore_mem>>) src(%arg6 : memref<32x128xf32, #tpu.memory_space<hbm>>) dst(%dma_wait3A_24 : memref<32x128xf32, #tpu.memory_space<vmem_shared>>)
      tpu.yield
    }) : () -> ()
    %mul3A_3 = arith.constant 32 : i32
    %mul3A_4 = arith.muli %arg1, %mul3A_3 : i32
    "tpu.region"() ({
      %run_scoped3A = tpu.sem_alloc : memref<!tpu.dma_semaphore, #tpu.memory_space<semaphore_mem>>
      %dma_start3A = arith.constant 0 : i32
      %dma_start3A_23 = tpu.memref_slice %arg16[%mul3A_4, %dma_start3A] : memref<512x128xf32, #tpu.memory_space<vmem_shared>> -> memref<32x128xf32, #tpu.memory_space<vmem_shared>>
      tpu.enqueue_dma source(%arg6 : memref<32x128xf32, #tpu.memory_space<hbm>>) target(%dma_start3A_23 : memref<32x128xf32, #tpu.memory_space<vmem_shared>>) target_semaphore(%run_scoped3A : memref<!tpu.dma_semaphore, #tpu.memory_space<semaphore_mem>>)
      %dma_wait3A = arith.constant 0 : i32
      %dma_wait3A_24 = tpu.memref_slice %arg16[%mul3A_4, %dma_wait3A] : memref<512x128xf32, #tpu.memory_space<vmem_shared>> -> memref<32x128xf32, #tpu.memory_space<vmem_shared>>
      tpu.wait_dma2 semaphore(%run_scoped3A : memref<!tpu.dma_semaphore, #tpu.memory_space<semaphore_mem>>) src(%arg6 : memref<32x128xf32, #tpu.memory_space<hbm>>) dst(%dma_wait3A_24 : memref<32x128xf32, #tpu.memory_space<vmem_shared>>)
      tpu.yield
    }) : () -> ()
    "tpu.region"() ({
      %run_scoped3A = tpu.sem_alloc : memref<!tpu.dma_semaphore, #tpu.memory_space<semaphore_mem>>
      tpu.enqueue_dma source(%arg4 : memref<80x128xf32, #tpu.memory_space<hbm>>) target(%arg13 : memref<80x128xf32, #tpu.memory_space<vmem>>) target_semaphore(%run_scoped3A : memref<!tpu.dma_semaphore, #tpu.memory_space<semaphore_mem>>)
      tpu.wait_dma2 semaphore(%run_scoped3A : memref<!tpu.dma_semaphore, #tpu.memory_space<semaphore_mem>>) src(%arg4 : memref<80x128xf32, #tpu.memory_space<hbm>>) dst(%arg13 : memref<80x128xf32, #tpu.memory_space<vmem>>)
      tpu.yield
    }) : () -> ()
    %barrier3A = arith.constant 0 : index
    tpu.barrier barrier_id(%barrier3A)
    %mul3A_5 = arith.constant 16 : i32
    %mul3A_6 = arith.muli %arg0, %mul3A_5 : i32
    %add3A = arith.addi %mul3A_6, %arg1 : i32
    %mul3A_7 = arith.constant 320 : i32
    %mul3A_8 = arith.muli %add3A, %mul3A_7 : i32
    %scan3A = arith.constant 0 : i32
    %scan3A_9 = arith.constant 0 : i32
    %scan3A_10 = arith.constant 4 : i32
    %scan3A_11 = arith.addi %scan3A_9, %scan3A_10 : i32
    %scan3A_12 = arith.constant 1 : i32
    %scan3A_13 = scf.for %scan3A_23 = %scan3A_9 to %scan3A_11 step %scan3A_12 iter_args(%scan3A_24 = %scan3A) -> (i32)  : i32 {
      %mul3A_25 = arith.constant 80 : i32
      %mul3A_26 = arith.muli %scan3A_23, %mul3A_25 : i32
      %add3A_27 = arith.addi %mul3A_8, %mul3A_26 : i32
      "tpu.region"() ({
        %run_scoped3A = tpu.sem_alloc : memref<!tpu.dma_semaphore, #tpu.memory_space<semaphore_mem>>
        %dma_start3A = tpu.memref_slice %arg5[%add3A_27] : memref<10240xi32, #tpu.memory_space<hbm>> -> memref<80xi32, #tpu.memory_space<hbm>>
        %dma_start3A_29 = tpu.memref_slice %arg5[%add3A_27] : memref<10240xi32, #tpu.memory_space<hbm>> -> memref<80xi32, #tpu.memory_space<hbm>>
        tpu.enqueue_dma source(%dma_start3A_29 : memref<80xi32, #tpu.memory_space<hbm>>) target(%arg10 : memref<80xi32, #tpu.memory_space<vmem>>) target_semaphore(%run_scoped3A : memref<!tpu.dma_semaphore, #tpu.memory_space<semaphore_mem>>)
        %dma_wait3A = tpu.memref_slice %arg5[%add3A_27] : memref<10240xi32, #tpu.memory_space<hbm>> -> memref<80xi32, #tpu.memory_space<hbm>>
        %dma_wait3A_30 = tpu.memref_slice %arg5[%add3A_27] : memref<10240xi32, #tpu.memory_space<hbm>> -> memref<80xi32, #tpu.memory_space<hbm>>
        tpu.wait_dma2 semaphore(%run_scoped3A : memref<!tpu.dma_semaphore, #tpu.memory_space<semaphore_mem>>) src(%dma_wait3A_30 : memref<80xi32, #tpu.memory_space<hbm>>) dst(%arg10 : memref<80xi32, #tpu.memory_space<vmem>>)
        tpu.yield
      }) : () -> ()
      "tpu.region"() ({
        %run_scoped3A = tpu.sem_alloc : memref<!tpu.dma_semaphore, #tpu.memory_space<semaphore_mem>>
        %dma_start3A = arith.constant 0 : i32
        %dma_start3A_29 = tpu.memref_slice %arg2[%add3A_27, %dma_start3A] : memref<10240x128xf32, #tpu.memory_space<hbm>> -> memref<80x128xf32, #tpu.memory_space<hbm>>
        %dma_start3A_30 = arith.constant 0 : i32
        %dma_start3A_31 = tpu.memref_slice %arg2[%add3A_27, %dma_start3A_30] : memref<10240x128xf32, #tpu.memory_space<hbm>> -> memref<80x128xf32, #tpu.memory_space<hbm>>
        tpu.enqueue_dma source(%dma_start3A_31 : memref<80x128xf32, #tpu.memory_space<hbm>>) target(%arg11 : memref<80x128xf32, #tpu.memory_space<vmem>>) target_semaphore(%run_scoped3A : memref<!tpu.dma_semaphore, #tpu.memory_space<semaphore_mem>>)
        %dma_wait3A = arith.constant 0 : i32
        %dma_wait3A_32 = tpu.memref_slice %arg2[%add3A_27, %dma_wait3A] : memref<10240x128xf32, #tpu.memory_space<hbm>> -> memref<80x128xf32, #tpu.memory_space<hbm>>
        %dma_wait3A_33 = arith.constant 0 : i32
        %dma_wait3A_34 = tpu.memref_slice %arg2[%add3A_27, %dma_wait3A_33] : memref<10240x128xf32, #tpu.memory_space<hbm>> -> memref<80x128xf32, #tpu.memory_space<hbm>>
        tpu.wait_dma2 semaphore(%run_scoped3A : memref<!tpu.dma_semaphore, #tpu.memory_space<semaphore_mem>>) src(%dma_wait3A_34 : memref<80x128xf32, #tpu.memory_space<hbm>>) dst(%arg11 : memref<80x128xf32, #tpu.memory_space<vmem>>)
        tpu.yield
      }) : () -> ()
      "tpu.region"() ({
        %run_scoped3A = tpu.sem_alloc : memref<!tpu.dma_semaphore, #tpu.memory_space<semaphore_mem>>
        %dma_start3A = arith.constant 0 : i32
        %dma_start3A_29 = tpu.memref_slice %arg3[%add3A_27, %dma_start3A] : memref<10240x128xf32, #tpu.memory_space<hbm>> -> memref<80x128xf32, #tpu.memory_space<hbm>>
        %dma_start3A_30 = arith.constant 0 : i32
        %dma_start3A_31 = tpu.memref_slice %arg3[%add3A_27, %dma_start3A_30] : memref<10240x128xf32, #tpu.memory_space<hbm>> -> memref<80x128xf32, #tpu.memory_space<hbm>>
        tpu.enqueue_dma source(%dma_start3A_31 : memref<80x128xf32, #tpu.memory_space<hbm>>) target(%arg12 : memref<80x128xf32, #tpu.memory_space<vmem>>) target_semaphore(%run_scoped3A : memref<!tpu.dma_semaphore, #tpu.memory_space<semaphore_mem>>)
        %dma_wait3A = arith.constant 0 : i32
        %dma_wait3A_32 = tpu.memref_slice %arg3[%add3A_27, %dma_wait3A] : memref<10240x128xf32, #tpu.memory_space<hbm>> -> memref<80x128xf32, #tpu.memory_space<hbm>>
        %dma_wait3A_33 = arith.constant 0 : i32
        %dma_wait3A_34 = tpu.memref_slice %arg3[%add3A_27, %dma_wait3A_33] : memref<10240x128xf32, #tpu.memory_space<hbm>> -> memref<80x128xf32, #tpu.memory_space<hbm>>
        tpu.wait_dma2 semaphore(%run_scoped3A : memref<!tpu.dma_semaphore, #tpu.memory_space<semaphore_mem>>) src(%dma_wait3A_34 : memref<80x128xf32, #tpu.memory_space<hbm>>) dst(%arg12 : memref<80x128xf32, #tpu.memory_space<vmem>>)
        tpu.yield
      }) : () -> ()
      "tpu.region"() ({
        %run_scoped3A = tpu.sem_alloc : memref<!tpu.dma_semaphore, #tpu.memory_space<semaphore_mem>>
        %dma_start3A = arith.constant 0 : i32
        %dma_start3A_29 = arith.constant 0 : i32
        %dma_start3A_30 = tpu.memref_slice %arg14[%dma_start3A, %dma_start3A_29] : memref<512x128xf32, #tpu.memory_space<vmem_shared>> -> memref<512x128xf32, #tpu.memory_space<vmem_shared>>
        tpu.enqueue_indirect_dma source(%arg11 : memref<80x128xf32, #tpu.memory_space<vmem>>) target(%dma_start3A_30 : memref<512x128xf32, #tpu.memory_space<vmem_shared>>) offsets(%arg10 : memref<80xi32, #tpu.memory_space<vmem>>) semaphore(%run_scoped3A : memref<!tpu.dma_semaphore, #tpu.memory_space<semaphore_mem>>) {add = true}
        %dma_wait3A = arith.constant 0 : i32
        %dma_wait3A_31 = arith.constant 0 : i32
        %dma_wait3A_32 = tpu.memref_slice %arg14[%dma_wait3A, %dma_wait3A_31] : memref<512x128xf32, #tpu.memory_space<vmem_shared>> -> memref<512x128xf32, #tpu.memory_space<vmem_shared>>
        tpu.wait_indirect_dma semaphore(%run_scoped3A : memref<!tpu.dma_semaphore, #tpu.memory_space<semaphore_mem>>) src(%arg11 : memref<80x128xf32, #tpu.memory_space<vmem>>) dst(%dma_wait3A_32 : memref<512x128xf32, #tpu.memory_space<vmem_shared>>)
        tpu.yield
      }) : () -> ()
      "tpu.region"() ({
        %run_scoped3A = tpu.sem_alloc : memref<!tpu.dma_semaphore, #tpu.memory_space<semaphore_mem>>
        %dma_start3A = arith.constant 0 : i32
        %dma_start3A_29 = arith.constant 0 : i32
        %dma_start3A_30 = tpu.memref_slice %arg15[%dma_start3A, %dma_start3A_29] : memref<512x128xf32, #tpu.memory_space<vmem_shared>> -> memref<512x128xf32, #tpu.memory_space<vmem_shared>>
        tpu.enqueue_indirect_dma source(%arg12 : memref<80x128xf32, #tpu.memory_space<vmem>>) target(%dma_start3A_30 : memref<512x128xf32, #tpu.memory_space<vmem_shared>>) offsets(%arg10 : memref<80xi32, #tpu.memory_space<vmem>>) semaphore(%run_scoped3A : memref<!tpu.dma_semaphore, #tpu.memory_space<semaphore_mem>>) {add = true}
        %dma_wait3A = arith.constant 0 : i32
        %dma_wait3A_31 = arith.constant 0 : i32
        %dma_wait3A_32 = tpu.memref_slice %arg15[%dma_wait3A, %dma_wait3A_31] : memref<512x128xf32, #tpu.memory_space<vmem_shared>> -> memref<512x128xf32, #tpu.memory_space<vmem_shared>>
        tpu.wait_indirect_dma semaphore(%run_scoped3A : memref<!tpu.dma_semaphore, #tpu.memory_space<semaphore_mem>>) src(%arg12 : memref<80x128xf32, #tpu.memory_space<vmem>>) dst(%dma_wait3A_32 : memref<512x128xf32, #tpu.memory_space<vmem_shared>>)
        tpu.yield
      }) : () -> ()
      "tpu.region"() ({
        %run_scoped3A = tpu.sem_alloc : memref<!tpu.dma_semaphore, #tpu.memory_space<semaphore_mem>>
        %dma_start3A = arith.constant 0 : i32
        %dma_start3A_29 = arith.constant 0 : i32
        %dma_start3A_30 = tpu.memref_slice %arg16[%dma_start3A, %dma_start3A_29] : memref<512x128xf32, #tpu.memory_space<vmem_shared>> -> memref<512x128xf32, #tpu.memory_space<vmem_shared>>
        tpu.enqueue_indirect_dma source(%arg13 : memref<80x128xf32, #tpu.memory_space<vmem>>) target(%dma_start3A_30 : memref<512x128xf32, #tpu.memory_space<vmem_shared>>) offsets(%arg10 : memref<80xi32, #tpu.memory_space<vmem>>) semaphore(%run_scoped3A : memref<!tpu.dma_semaphore, #tpu.memory_space<semaphore_mem>>) {add = true}
        %dma_wait3A = arith.constant 0 : i32
        %dma_wait3A_31 = arith.constant 0 : i32
        %dma_wait3A_32 = tpu.memref_slice %arg16[%dma_wait3A, %dma_wait3A_31] : memref<512x128xf32, #tpu.memory_space<vmem_shared>> -> memref<512x128xf32, #tpu.memory_space<vmem_shared>>
        tpu.wait_indirect_dma semaphore(%run_scoped3A : memref<!tpu.dma_semaphore, #tpu.memory_space<semaphore_mem>>) src(%arg13 : memref<80x128xf32, #tpu.memory_space<vmem>>) dst(%dma_wait3A_32 : memref<512x128xf32, #tpu.memory_space<vmem_shared>>)
        tpu.yield
      }) : () -> ()
      %scan3A_28 = arith.constant 0 : i32
      scf.yield %scan3A_28 : i32
    }
    %scan3A_14 = arith.constant 4 : i32
    %barrier3A_15 = arith.constant 0 : index
    tpu.barrier barrier_id(%barrier3A_15)
    %mul3A_16 = arith.constant 32 : i32
    %mul3A_17 = arith.muli %arg1, %mul3A_16 : i32
    %mul3A_18 = arith.constant 512 : i32
    %mul3A_19 = arith.muli %arg0, %mul3A_18 : i32
    %mul3A_20 = arith.constant 32 : i32
    %mul3A_21 = arith.muli %arg1, %mul3A_20 : i32
    %add3A_22 = arith.addi %mul3A_19, %mul3A_21 : i32
    "tpu.region"() ({
      %run_scoped3A = tpu.sem_alloc : memref<!tpu.dma_semaphore, #tpu.memory_space<semaphore_mem>>
      %dma_start3A = arith.constant 0 : i32
      %dma_start3A_23 = tpu.memref_slice %arg7[%add3A_22, %dma_start3A] : memref<1024x128xf32, #tpu.memory_space<hbm>> -> memref<32x128xf32, #tpu.memory_space<hbm>>
      %dma_start3A_24 = arith.constant 0 : i32
      %dma_start3A_25 = tpu.memref_slice %arg14[%mul3A_17, %dma_start3A_24] : memref<512x128xf32, #tpu.memory_space<vmem_shared>> -> memref<32x128xf32, #tpu.memory_space<vmem_shared>>
      tpu.enqueue_dma source(%dma_start3A_25 : memref<32x128xf32, #tpu.memory_space<vmem_shared>>) target(%dma_start3A_23 : memref<32x128xf32, #tpu.memory_space<hbm>>) target_semaphore(%run_scoped3A : memref<!tpu.dma_semaphore, #tpu.memory_space<semaphore_mem>>)
      %dma_wait3A = arith.constant 0 : i32
      %dma_wait3A_26 = tpu.memref_slice %arg7[%add3A_22, %dma_wait3A] : memref<1024x128xf32, #tpu.memory_space<hbm>> -> memref<32x128xf32, #tpu.memory_space<hbm>>
      %dma_wait3A_27 = arith.constant 0 : i32
      %dma_wait3A_28 = tpu.memref_slice %arg14[%mul3A_17, %dma_wait3A_27] : memref<512x128xf32, #tpu.memory_space<vmem_shared>> -> memref<32x128xf32, #tpu.memory_space<vmem_shared>>
      tpu.wait_dma2 semaphore(%run_scoped3A : memref<!tpu.dma_semaphore, #tpu.memory_space<semaphore_mem>>) src(%dma_wait3A_28 : memref<32x128xf32, #tpu.memory_space<vmem_shared>>) dst(%dma_wait3A_26 : memref<32x128xf32, #tpu.memory_space<hbm>>)
      tpu.yield
    }) : () -> ()
    "tpu.region"() ({
      %run_scoped3A = tpu.sem_alloc : memref<!tpu.dma_semaphore, #tpu.memory_space<semaphore_mem>>
      %dma_start3A = arith.constant 0 : i32
      %dma_start3A_23 = tpu.memref_slice %arg8[%add3A_22, %dma_start3A] : memref<1024x128xf32, #tpu.memory_space<hbm>> -> memref<32x128xf32, #tpu.memory_space<hbm>>
      %dma_start3A_24 = arith.constant 0 : i32
      %dma_start3A_25 = tpu.memref_slice %arg15[%mul3A_17, %dma_start3A_24] : memref<512x128xf32, #tpu.memory_space<vmem_shared>> -> memref<32x128xf32, #tpu.memory_space<vmem_shared>>
      tpu.enqueue_dma source(%dma_start3A_25 : memref<32x128xf32, #tpu.memory_space<vmem_shared>>) target(%dma_start3A_23 : memref<32x128xf32, #tpu.memory_space<hbm>>) target_semaphore(%run_scoped3A : memref<!tpu.dma_semaphore, #tpu.memory_space<semaphore_mem>>)
      %dma_wait3A = arith.constant 0 : i32
      %dma_wait3A_26 = tpu.memref_slice %arg8[%add3A_22, %dma_wait3A] : memref<1024x128xf32, #tpu.memory_space<hbm>> -> memref<32x128xf32, #tpu.memory_space<hbm>>
      %dma_wait3A_27 = arith.constant 0 : i32
      %dma_wait3A_28 = tpu.memref_slice %arg15[%mul3A_17, %dma_wait3A_27] : memref<512x128xf32, #tpu.memory_space<vmem_shared>> -> memref<32x128xf32, #tpu.memory_space<vmem_shared>>
      tpu.wait_dma2 semaphore(%run_scoped3A : memref<!tpu.dma_semaphore, #tpu.memory_space<semaphore_mem>>) src(%dma_wait3A_28 : memref<32x128xf32, #tpu.memory_space<vmem_shared>>) dst(%dma_wait3A_26 : memref<32x128xf32, #tpu.memory_space<hbm>>)
      tpu.yield
    }) : () -> ()
    "tpu.region"() ({
      %run_scoped3A = tpu.sem_alloc : memref<!tpu.dma_semaphore, #tpu.memory_space<semaphore_mem>>
      %dma_start3A = arith.constant 0 : i32
      %dma_start3A_23 = tpu.memref_slice %arg9[%add3A_22, %dma_start3A] : memref<1024x128xf32, #tpu.memory_space<hbm>> -> memref<32x128xf32, #tpu.memory_space<hbm>>
      %dma_start3A_24 = arith.constant 0 : i32
      %dma_start3A_25 = tpu.memref_slice %arg16[%mul3A_17, %dma_start3A_24] : memref<512x128xf32, #tpu.memory_space<vmem_shared>> -> memref<32x128xf32, #tpu.memory_space<vmem_shared>>
      tpu.enqueue_dma source(%dma_start3A_25 : memref<32x128xf32, #tpu.memory_space<vmem_shared>>) target(%dma_start3A_23 : memref<32x128xf32, #tpu.memory_space<hbm>>) target_semaphore(%run_scoped3A : memref<!tpu.dma_semaphore, #tpu.memory_space<semaphore_mem>>)
      %dma_wait3A = arith.constant 0 : i32
      %dma_wait3A_26 = tpu.memref_slice %arg9[%add3A_22, %dma_wait3A] : memref<1024x128xf32, #tpu.memory_space<hbm>> -> memref<32x128xf32, #tpu.memory_space<hbm>>
      %dma_wait3A_27 = arith.constant 0 : i32
      %dma_wait3A_28 = tpu.memref_slice %arg16[%mul3A_17, %dma_wait3A_27] : memref<512x128xf32, #tpu.memory_space<vmem_shared>> -> memref<32x128xf32, #tpu.memory_space<vmem_shared>>
      tpu.wait_dma2 semaphore(%run_scoped3A : memref<!tpu.dma_semaphore, #tpu.memory_space<semaphore_mem>>) src(%dma_wait3A_28 : memref<32x128xf32, #tpu.memory_space<vmem_shared>>) dst(%dma_wait3A_26 : memref<32x128xf32, #tpu.memory_space<hbm>>)
      tpu.yield
    }) : () -> ()
    return
  }
}

#map = affine_map<(d0, d1) -> (0, 0)>
#map1 = affine_map<(d0, d1) -> (0)>
module attributes {stable_mosaic.version = 14 : i64} {
  func.func @_hop_kernel(%arg0: i32, %arg1: i32, %arg2: memref<10240x128xf32, #tpu.memory_space<hbm>>, %arg3: memref<327680xi32, #tpu.memory_space<hbm>>, %arg4: memref<327680xi32, #tpu.memory_space<hbm>>, %arg5: memref<640x128xf32, #tpu.memory_space<hbm>>, %arg6: memref<20480x128xf32, #tpu.memory_space<hbm>>, %arg7: memref<128xi32, #tpu.memory_space<vmem>>, %arg8: memref<128xi32, #tpu.memory_space<vmem>>, %arg9: memref<128xi32, #tpu.memory_space<vmem>>, %arg10: memref<128xi32, #tpu.memory_space<vmem>>, %arg11: memref<128x128xf32, #tpu.memory_space<vmem>>, %arg12: memref<128x128xf32, #tpu.memory_space<vmem>>, %arg13: memref<10240x128xf32, #tpu.memory_space<vmem_shared>>, %arg14: memref<!tpu.dma_semaphore, #tpu.memory_space<semaphore_mem>>, %arg15: memref<!tpu.dma_semaphore, #tpu.memory_space<semaphore_mem>>, %arg16: memref<!tpu.dma_semaphore, #tpu.memory_space<semaphore_mem>>, %arg17: memref<!tpu.dma_semaphore, #tpu.memory_space<semaphore_mem>>, %arg18: memref<!tpu.dma_semaphore, #tpu.memory_space<semaphore_mem>>, %arg19: memref<!tpu.dma_semaphore, #tpu.memory_space<semaphore_mem>>) attributes {dimension_semantics = [#tpu.dimension_semantics<core_parallel>, #tpu.dimension_semantics<subcore_parallel>], iteration_bounds = array<i64: 2, 16>, scalar_prefetch = 0 : i64, scratch_operands = 13 : i64, tpu.core_type = #tpu.core_type<sc_vector_subcore>, window_params = [{transform_indices = #map}, {transform_indices = #map1}, {transform_indices = #map1}, {transform_indices = #map}, {transform_indices = #map}]} {
    %mul3A = arith.constant 16 : i32
    %mul3A_0 = arith.muli %arg0, %mul3A : i32
    %add3A = arith.addi %mul3A_0, %arg1 : i32
    %mul3A_1 = arith.constant 10240 : i32
    %mul3A_2 = arith.muli %add3A, %mul3A_1 : i32
    %mul3A_3 = arith.constant 640 : i32
    %mul3A_4 = arith.muli %arg1, %mul3A_3 : i32
    "tpu.region"() ({
      %run_scoped3A = tpu.sem_alloc : memref<!tpu.dma_semaphore, #tpu.memory_space<semaphore_mem>>
      %dma_start3A_61 = arith.constant 0 : i32
      %dma_start3A_62 = tpu.memref_slice %arg13[%mul3A_4, %dma_start3A_61] : memref<10240x128xf32, #tpu.memory_space<vmem_shared>> -> memref<640x128xf32, #tpu.memory_space<vmem_shared>>
      tpu.enqueue_dma source(%arg5 : memref<640x128xf32, #tpu.memory_space<hbm>>) target(%dma_start3A_62 : memref<640x128xf32, #tpu.memory_space<vmem_shared>>) target_semaphore(%run_scoped3A : memref<!tpu.dma_semaphore, #tpu.memory_space<semaphore_mem>>)
      %dma_wait3A_63 = arith.constant 0 : i32
      %dma_wait3A_64 = tpu.memref_slice %arg13[%mul3A_4, %dma_wait3A_63] : memref<10240x128xf32, #tpu.memory_space<vmem_shared>> -> memref<640x128xf32, #tpu.memory_space<vmem_shared>>
      tpu.wait_dma2 semaphore(%run_scoped3A : memref<!tpu.dma_semaphore, #tpu.memory_space<semaphore_mem>>) src(%arg5 : memref<640x128xf32, #tpu.memory_space<hbm>>) dst(%dma_wait3A_64 : memref<640x128xf32, #tpu.memory_space<vmem_shared>>)
      tpu.yield
    }) : () -> ()
    %barrier3A = arith.constant 0 : index
    tpu.barrier barrier_id(%barrier3A)
    %add3A_5 = arith.constant 0 : i32
    %add3A_6 = arith.addi %mul3A_2, %add3A_5 : i32
    %dma_start3A = tpu.memref_slice %arg3[%add3A_6] : memref<327680xi32, #tpu.memory_space<hbm>> -> memref<128xi32, #tpu.memory_space<hbm>>
    %dma_start3A_7 = tpu.memref_slice %arg3[%add3A_6] : memref<327680xi32, #tpu.memory_space<hbm>> -> memref<128xi32, #tpu.memory_space<hbm>>
    tpu.enqueue_dma source(%dma_start3A_7 : memref<128xi32, #tpu.memory_space<hbm>>) target(%arg7 : memref<128xi32, #tpu.memory_space<vmem>>) target_semaphore(%arg14 : memref<!tpu.dma_semaphore, #tpu.memory_space<semaphore_mem>>)
    %add3A_8 = arith.constant 0 : i32
    %add3A_9 = arith.addi %mul3A_2, %add3A_8 : i32
    %dma_start3A_10 = tpu.memref_slice %arg4[%add3A_9] : memref<327680xi32, #tpu.memory_space<hbm>> -> memref<128xi32, #tpu.memory_space<hbm>>
    %dma_start3A_11 = tpu.memref_slice %arg4[%add3A_9] : memref<327680xi32, #tpu.memory_space<hbm>> -> memref<128xi32, #tpu.memory_space<hbm>>
    tpu.enqueue_dma source(%dma_start3A_11 : memref<128xi32, #tpu.memory_space<hbm>>) target(%arg9 : memref<128xi32, #tpu.memory_space<vmem>>) target_semaphore(%arg16 : memref<!tpu.dma_semaphore, #tpu.memory_space<semaphore_mem>>)
    %add3A_12 = arith.constant 128 : i32
    %add3A_13 = arith.addi %mul3A_2, %add3A_12 : i32
    %dma_start3A_14 = tpu.memref_slice %arg3[%add3A_13] : memref<327680xi32, #tpu.memory_space<hbm>> -> memref<128xi32, #tpu.memory_space<hbm>>
    %dma_start3A_15 = tpu.memref_slice %arg3[%add3A_13] : memref<327680xi32, #tpu.memory_space<hbm>> -> memref<128xi32, #tpu.memory_space<hbm>>
    tpu.enqueue_dma source(%dma_start3A_15 : memref<128xi32, #tpu.memory_space<hbm>>) target(%arg8 : memref<128xi32, #tpu.memory_space<vmem>>) target_semaphore(%arg15 : memref<!tpu.dma_semaphore, #tpu.memory_space<semaphore_mem>>)
    %add3A_16 = arith.constant 128 : i32
    %add3A_17 = arith.addi %mul3A_2, %add3A_16 : i32
    %dma_start3A_18 = tpu.memref_slice %arg4[%add3A_17] : memref<327680xi32, #tpu.memory_space<hbm>> -> memref<128xi32, #tpu.memory_space<hbm>>
    %dma_start3A_19 = tpu.memref_slice %arg4[%add3A_17] : memref<327680xi32, #tpu.memory_space<hbm>> -> memref<128xi32, #tpu.memory_space<hbm>>
    tpu.enqueue_dma source(%dma_start3A_19 : memref<128xi32, #tpu.memory_space<hbm>>) target(%arg10 : memref<128xi32, #tpu.memory_space<vmem>>) target_semaphore(%arg17 : memref<!tpu.dma_semaphore, #tpu.memory_space<semaphore_mem>>)
    %add3A_20 = arith.constant 0 : i32
    %add3A_21 = arith.addi %mul3A_2, %add3A_20 : i32
    %dma_wait3A = tpu.memref_slice %arg3[%add3A_21] : memref<327680xi32, #tpu.memory_space<hbm>> -> memref<128xi32, #tpu.memory_space<hbm>>
    %dma_wait3A_22 = tpu.memref_slice %arg3[%add3A_21] : memref<327680xi32, #tpu.memory_space<hbm>> -> memref<128xi32, #tpu.memory_space<hbm>>
    tpu.wait_dma2 semaphore(%arg14 : memref<!tpu.dma_semaphore, #tpu.memory_space<semaphore_mem>>) src(%dma_wait3A_22 : memref<128xi32, #tpu.memory_space<hbm>>) dst(%arg7 : memref<128xi32, #tpu.memory_space<vmem>>)
    %dma_start3A_23 = arith.constant 0 : i32
    %dma_start3A_24 = arith.constant 0 : i32
    %dma_start3A_25 = tpu.memref_slice %arg2[%dma_start3A_23, %dma_start3A_24] : memref<10240x128xf32, #tpu.memory_space<hbm>> -> memref<10240x128xf32, #tpu.memory_space<hbm>>
    tpu.enqueue_indirect_dma source(%dma_start3A_25 : memref<10240x128xf32, #tpu.memory_space<hbm>>) target(%arg11 : memref<128x128xf32, #tpu.memory_space<vmem>>) offsets(%arg7 : memref<128xi32, #tpu.memory_space<vmem>>) semaphore(%arg18 : memref<!tpu.dma_semaphore, #tpu.memory_space<semaphore_mem>>)
    %add3A_26 = arith.constant 128 : i32
    %add3A_27 = arith.addi %mul3A_2, %add3A_26 : i32
    %dma_wait3A_28 = tpu.memref_slice %arg3[%add3A_27] : memref<327680xi32, #tpu.memory_space<hbm>> -> memref<128xi32, #tpu.memory_space<hbm>>
    %dma_wait3A_29 = tpu.memref_slice %arg3[%add3A_27] : memref<327680xi32, #tpu.memory_space<hbm>> -> memref<128xi32, #tpu.memory_space<hbm>>
    tpu.wait_dma2 semaphore(%arg15 : memref<!tpu.dma_semaphore, #tpu.memory_space<semaphore_mem>>) src(%dma_wait3A_29 : memref<128xi32, #tpu.memory_space<hbm>>) dst(%arg8 : memref<128xi32, #tpu.memory_space<vmem>>)
    %dma_start3A_30 = arith.constant 0 : i32
    %dma_start3A_31 = arith.constant 0 : i32
    %dma_start3A_32 = tpu.memref_slice %arg2[%dma_start3A_30, %dma_start3A_31] : memref<10240x128xf32, #tpu.memory_space<hbm>> -> memref<10240x128xf32, #tpu.memory_space<hbm>>
    tpu.enqueue_indirect_dma source(%dma_start3A_32 : memref<10240x128xf32, #tpu.memory_space<hbm>>) target(%arg12 : memref<128x128xf32, #tpu.memory_space<vmem>>) offsets(%arg8 : memref<128xi32, #tpu.memory_space<vmem>>) semaphore(%arg19 : memref<!tpu.dma_semaphore, #tpu.memory_space<semaphore_mem>>)
    %scan3A = arith.constant 0 : i32
    %scan3A_33 = arith.constant 0 : i32
    %scan3A_34 = arith.constant 39 : i32
    %scan3A_35 = arith.addi %scan3A_33, %scan3A_34 : i32
    %scan3A_36 = arith.constant 1 : i32
    %scan3A_37 = scf.for %scan3A_61 = %scan3A_33 to %scan3A_35 step %scan3A_36 iter_args(%scan3A_62 = %scan3A) -> (i32)  : i32 {
      %mul3A_63 = arith.constant 2 : i32
      %mul3A_64 = arith.muli %mul3A_63, %scan3A_61 : i32
      %dma_wait3A_65 = arith.constant 0 : i32
      %dma_wait3A_66 = arith.constant 0 : i32
      %dma_wait3A_67 = tpu.memref_slice %arg2[%dma_wait3A_65, %dma_wait3A_66] : memref<10240x128xf32, #tpu.memory_space<hbm>> -> memref<10240x128xf32, #tpu.memory_space<hbm>>
      tpu.wait_indirect_dma semaphore(%arg18 : memref<!tpu.dma_semaphore, #tpu.memory_space<semaphore_mem>>) src(%dma_wait3A_67 : memref<10240x128xf32, #tpu.memory_space<hbm>>) dst(%arg11 : memref<128x128xf32, #tpu.memory_space<vmem>>)
      %add3A_68 = arith.constant 2 : i32
      %add3A_69 = arith.addi %mul3A_64, %add3A_68 : i32
      %mul3A_70 = arith.constant 128 : i32
      %mul3A_71 = arith.muli %add3A_69, %mul3A_70 : i32
      %add3A_72 = arith.addi %mul3A_2, %mul3A_71 : i32
      %dma_start3A_73 = tpu.memref_slice %arg3[%add3A_72] : memref<327680xi32, #tpu.memory_space<hbm>> -> memref<128xi32, #tpu.memory_space<hbm>>
      %dma_start3A_74 = tpu.memref_slice %arg3[%add3A_72] : memref<327680xi32, #tpu.memory_space<hbm>> -> memref<128xi32, #tpu.memory_space<hbm>>
      tpu.enqueue_dma source(%dma_start3A_74 : memref<128xi32, #tpu.memory_space<hbm>>) target(%arg7 : memref<128xi32, #tpu.memory_space<vmem>>) target_semaphore(%arg14 : memref<!tpu.dma_semaphore, #tpu.memory_space<semaphore_mem>>)
      %mul3A_75 = arith.constant 128 : i32
      %mul3A_76 = arith.muli %mul3A_64, %mul3A_75 : i32
      %add3A_77 = arith.addi %mul3A_2, %mul3A_76 : i32
      %dma_wait3A_78 = tpu.memref_slice %arg4[%add3A_77] : memref<327680xi32, #tpu.memory_space<hbm>> -> memref<128xi32, #tpu.memory_space<hbm>>
      %dma_wait3A_79 = tpu.memref_slice %arg4[%add3A_77] : memref<327680xi32, #tpu.memory_space<hbm>> -> memref<128xi32, #tpu.memory_space<hbm>>
      tpu.wait_dma2 semaphore(%arg16 : memref<!tpu.dma_semaphore, #tpu.memory_space<semaphore_mem>>) src(%dma_wait3A_79 : memref<128xi32, #tpu.memory_space<hbm>>) dst(%arg9 : memref<128xi32, #tpu.memory_space<vmem>>)
      "tpu.region"() ({
        %run_scoped3A = tpu.sem_alloc : memref<!tpu.dma_semaphore, #tpu.memory_space<semaphore_mem>>
        %dma_start3A_132 = arith.constant 0 : i32
        %dma_start3A_133 = arith.constant 0 : i32
        %dma_start3A_134 = tpu.memref_slice %arg13[%dma_start3A_132, %dma_start3A_133] : memref<10240x128xf32, #tpu.memory_space<vmem_shared>> -> memref<10240x128xf32, #tpu.memory_space<vmem_shared>>
        tpu.enqueue_indirect_dma source(%arg11 : memref<128x128xf32, #tpu.memory_space<vmem>>) target(%dma_start3A_134 : memref<10240x128xf32, #tpu.memory_space<vmem_shared>>) offsets(%arg9 : memref<128xi32, #tpu.memory_space<vmem>>) semaphore(%run_scoped3A : memref<!tpu.dma_semaphore, #tpu.memory_space<semaphore_mem>>) {add = true}
        %dma_wait3A_135 = arith.constant 0 : i32
        %dma_wait3A_136 = arith.constant 0 : i32
        %dma_wait3A_137 = tpu.memref_slice %arg13[%dma_wait3A_135, %dma_wait3A_136] : memref<10240x128xf32, #tpu.memory_space<vmem_shared>> -> memref<10240x128xf32, #tpu.memory_space<vmem_shared>>
        tpu.wait_indirect_dma semaphore(%run_scoped3A : memref<!tpu.dma_semaphore, #tpu.memory_space<semaphore_mem>>) src(%arg11 : memref<128x128xf32, #tpu.memory_space<vmem>>) dst(%dma_wait3A_137 : memref<10240x128xf32, #tpu.memory_space<vmem_shared>>)
        tpu.yield
      }) : () -> ()
      %add3A_80 = arith.constant 2 : i32
      %add3A_81 = arith.addi %mul3A_64, %add3A_80 : i32
      %mul3A_82 = arith.constant 128 : i32
      %mul3A_83 = arith.muli %add3A_81, %mul3A_82 : i32
      %add3A_84 = arith.addi %mul3A_2, %mul3A_83 : i32
      %dma_start3A_85 = tpu.memref_slice %arg4[%add3A_84] : memref<327680xi32, #tpu.memory_space<hbm>> -> memref<128xi32, #tpu.memory_space<hbm>>
      %dma_start3A_86 = tpu.memref_slice %arg4[%add3A_84] : memref<327680xi32, #tpu.memory_space<hbm>> -> memref<128xi32, #tpu.memory_space<hbm>>
      tpu.enqueue_dma source(%dma_start3A_86 : memref<128xi32, #tpu.memory_space<hbm>>) target(%arg9 : memref<128xi32, #tpu.memory_space<vmem>>) target_semaphore(%arg16 : memref<!tpu.dma_semaphore, #tpu.memory_space<semaphore_mem>>)
      %add3A_87 = arith.constant 2 : i32
      %add3A_88 = arith.addi %mul3A_64, %add3A_87 : i32
      %mul3A_89 = arith.constant 128 : i32
      %mul3A_90 = arith.muli %add3A_88, %mul3A_89 : i32
      %add3A_91 = arith.addi %mul3A_2, %mul3A_90 : i32
      %dma_wait3A_92 = tpu.memref_slice %arg3[%add3A_91] : memref<327680xi32, #tpu.memory_space<hbm>> -> memref<128xi32, #tpu.memory_space<hbm>>
      %dma_wait3A_93 = tpu.memref_slice %arg3[%add3A_91] : memref<327680xi32, #tpu.memory_space<hbm>> -> memref<128xi32, #tpu.memory_space<hbm>>
      tpu.wait_dma2 semaphore(%arg14 : memref<!tpu.dma_semaphore, #tpu.memory_space<semaphore_mem>>) src(%dma_wait3A_93 : memref<128xi32, #tpu.memory_space<hbm>>) dst(%arg7 : memref<128xi32, #tpu.memory_space<vmem>>)
      %dma_start3A_94 = arith.constant 0 : i32
      %dma_start3A_95 = arith.constant 0 : i32
      %dma_start3A_96 = tpu.memref_slice %arg2[%dma_start3A_94, %dma_start3A_95] : memref<10240x128xf32, #tpu.memory_space<hbm>> -> memref<10240x128xf32, #tpu.memory_space<hbm>>
      tpu.enqueue_indirect_dma source(%dma_start3A_96 : memref<10240x128xf32, #tpu.memory_space<hbm>>) target(%arg11 : memref<128x128xf32, #tpu.memory_space<vmem>>) offsets(%arg7 : memref<128xi32, #tpu.memory_space<vmem>>) semaphore(%arg18 : memref<!tpu.dma_semaphore, #tpu.memory_space<semaphore_mem>>)
      %add3A_97 = arith.constant 1 : i32
      %add3A_98 = arith.addi %mul3A_64, %add3A_97 : i32
      %dma_wait3A_99 = arith.constant 0 : i32
      %dma_wait3A_100 = arith.constant 0 : i32
      %dma_wait3A_101 = tpu.memref_slice %arg2[%dma_wait3A_99, %dma_wait3A_100] : memref<10240x128xf32, #tpu.memory_space<hbm>> -> memref<10240x128xf32, #tpu.memory_space<hbm>>
      tpu.wait_indirect_dma semaphore(%arg19 : memref<!tpu.dma_semaphore, #tpu.memory_space<semaphore_mem>>) src(%dma_wait3A_101 : memref<10240x128xf32, #tpu.memory_space<hbm>>) dst(%arg12 : memref<128x128xf32, #tpu.memory_space<vmem>>)
      %add3A_102 = arith.constant 2 : i32
      %add3A_103 = arith.addi %add3A_98, %add3A_102 : i32
      %mul3A_104 = arith.constant 128 : i32
      %mul3A_105 = arith.muli %add3A_103, %mul3A_104 : i32
      %add3A_106 = arith.addi %mul3A_2, %mul3A_105 : i32
      %dma_start3A_107 = tpu.memref_slice %arg3[%add3A_106] : memref<327680xi32, #tpu.memory_space<hbm>> -> memref<128xi32, #tpu.memory_space<hbm>>
      %dma_start3A_108 = tpu.memref_slice %arg3[%add3A_106] : memref<327680xi32, #tpu.memory_space<hbm>> -> memref<128xi32, #tpu.memory_space<hbm>>
      tpu.enqueue_dma source(%dma_start3A_108 : memref<128xi32, #tpu.memory_space<hbm>>) target(%arg8 : memref<128xi32, #tpu.memory_space<vmem>>) target_semaphore(%arg15 : memref<!tpu.dma_semaphore, #tpu.memory_space<semaphore_mem>>)
      %mul3A_109 = arith.constant 128 : i32
      %mul3A_110 = arith.muli %add3A_98, %mul3A_109 : i32
      %add3A_111 = arith.addi %mul3A_2, %mul3A_110 : i32
      %dma_wait3A_112 = tpu.memref_slice %arg4[%add3A_111] : memref<327680xi32, #tpu.memory_space<hbm>> -> memref<128xi32, #tpu.memory_space<hbm>>
      %dma_wait3A_113 = tpu.memref_slice %arg4[%add3A_111] : memref<327680xi32, #tpu.memory_space<hbm>> -> memref<128xi32, #tpu.memory_space<hbm>>
      tpu.wait_dma2 semaphore(%arg17 : memref<!tpu.dma_semaphore, #tpu.memory_space<semaphore_mem>>) src(%dma_wait3A_113 : memref<128xi32, #tpu.memory_space<hbm>>) dst(%arg10 : memref<128xi32, #tpu.memory_space<vmem>>)
      "tpu.region"() ({
        %run_scoped3A = tpu.sem_alloc : memref<!tpu.dma_semaphore, #tpu.memory_space<semaphore_mem>>
        %dma_start3A_132 = arith.constant 0 : i32
        %dma_start3A_133 = arith.constant 0 : i32
        %dma_start3A_134 = tpu.memref_slice %arg13[%dma_start3A_132, %dma_start3A_133] : memref<10240x128xf32, #tpu.memory_space<vmem_shared>> -> memref<10240x128xf32, #tpu.memory_space<vmem_shared>>
        tpu.enqueue_indirect_dma source(%arg12 : memref<128x128xf32, #tpu.memory_space<vmem>>) target(%dma_start3A_134 : memref<10240x128xf32, #tpu.memory_space<vmem_shared>>) offsets(%arg10 : memref<128xi32, #tpu.memory_space<vmem>>) semaphore(%run_scoped3A : memref<!tpu.dma_semaphore, #tpu.memory_space<semaphore_mem>>) {add = true}
        %dma_wait3A_135 = arith.constant 0 : i32
        %dma_wait3A_136 = arith.constant 0 : i32
        %dma_wait3A_137 = tpu.memref_slice %arg13[%dma_wait3A_135, %dma_wait3A_136] : memref<10240x128xf32, #tpu.memory_space<vmem_shared>> -> memref<10240x128xf32, #tpu.memory_space<vmem_shared>>
        tpu.wait_indirect_dma semaphore(%run_scoped3A : memref<!tpu.dma_semaphore, #tpu.memory_space<semaphore_mem>>) src(%arg12 : memref<128x128xf32, #tpu.memory_space<vmem>>) dst(%dma_wait3A_137 : memref<10240x128xf32, #tpu.memory_space<vmem_shared>>)
        tpu.yield
      }) : () -> ()
      %add3A_114 = arith.constant 2 : i32
      %add3A_115 = arith.addi %add3A_98, %add3A_114 : i32
      %mul3A_116 = arith.constant 128 : i32
      %mul3A_117 = arith.muli %add3A_115, %mul3A_116 : i32
      %add3A_118 = arith.addi %mul3A_2, %mul3A_117 : i32
      %dma_start3A_119 = tpu.memref_slice %arg4[%add3A_118] : memref<327680xi32, #tpu.memory_space<hbm>> -> memref<128xi32, #tpu.memory_space<hbm>>
      %dma_start3A_120 = tpu.memref_slice %arg4[%add3A_118] : memref<327680xi32, #tpu.memory_space<hbm>> -> memref<128xi32, #tpu.memory_space<hbm>>
      tpu.enqueue_dma source(%dma_start3A_120 : memref<128xi32, #tpu.memory_space<hbm>>) target(%arg10 : memref<128xi32, #tpu.memory_space<vmem>>) target_semaphore(%arg17 : memref<!tpu.dma_semaphore, #tpu.memory_space<semaphore_mem>>)
      %add3A_121 = arith.constant 2 : i32
      %add3A_122 = arith.addi %add3A_98, %add3A_121 : i32
      %mul3A_123 = arith.constant 128 : i32
      %mul3A_124 = arith.muli %add3A_122, %mul3A_123 : i32
      %add3A_125 = arith.addi %mul3A_2, %mul3A_124 : i32
      %dma_wait3A_126 = tpu.memref_slice %arg3[%add3A_125] : memref<327680xi32, #tpu.memory_space<hbm>> -> memref<128xi32, #tpu.memory_space<hbm>>
      %dma_wait3A_127 = tpu.memref_slice %arg3[%add3A_125] : memref<327680xi32, #tpu.memory_space<hbm>> -> memref<128xi32, #tpu.memory_space<hbm>>
      tpu.wait_dma2 semaphore(%arg15 : memref<!tpu.dma_semaphore, #tpu.memory_space<semaphore_mem>>) src(%dma_wait3A_127 : memref<128xi32, #tpu.memory_space<hbm>>) dst(%arg8 : memref<128xi32, #tpu.memory_space<vmem>>)
      %dma_start3A_128 = arith.constant 0 : i32
      %dma_start3A_129 = arith.constant 0 : i32
      %dma_start3A_130 = tpu.memref_slice %arg2[%dma_start3A_128, %dma_start3A_129] : memref<10240x128xf32, #tpu.memory_space<hbm>> -> memref<10240x128xf32, #tpu.memory_space<hbm>>
      tpu.enqueue_indirect_dma source(%dma_start3A_130 : memref<10240x128xf32, #tpu.memory_space<hbm>>) target(%arg12 : memref<128x128xf32, #tpu.memory_space<vmem>>) offsets(%arg8 : memref<128xi32, #tpu.memory_space<vmem>>) semaphore(%arg19 : memref<!tpu.dma_semaphore, #tpu.memory_space<semaphore_mem>>)
      %scan3A_131 = arith.constant 0 : i32
      scf.yield %scan3A_131 : i32
    }
    %scan3A_38 = arith.constant 39 : i32
    %dma_wait3A_39 = arith.constant 0 : i32
    %dma_wait3A_40 = arith.constant 0 : i32
    %dma_wait3A_41 = tpu.memref_slice %arg2[%dma_wait3A_39, %dma_wait3A_40] : memref<10240x128xf32, #tpu.memory_space<hbm>> -> memref<10240x128xf32, #tpu.memory_space<hbm>>
    tpu.wait_indirect_dma semaphore(%arg18 : memref<!tpu.dma_semaphore, #tpu.memory_space<semaphore_mem>>) src(%dma_wait3A_41 : memref<10240x128xf32, #tpu.memory_space<hbm>>) dst(%arg11 : memref<128x128xf32, #tpu.memory_space<vmem>>)
    %add3A_42 = arith.constant 9984 : i32
    %add3A_43 = arith.addi %mul3A_2, %add3A_42 : i32
    %dma_wait3A_44 = tpu.memref_slice %arg4[%add3A_43] : memref<327680xi32, #tpu.memory_space<hbm>> -> memref<128xi32, #tpu.memory_space<hbm>>
    %dma_wait3A_45 = tpu.memref_slice %arg4[%add3A_43] : memref<327680xi32, #tpu.memory_space<hbm>> -> memref<128xi32, #tpu.memory_space<hbm>>
    tpu.wait_dma2 semaphore(%arg16 : memref<!tpu.dma_semaphore, #tpu.memory_space<semaphore_mem>>) src(%dma_wait3A_45 : memref<128xi32, #tpu.memory_space<hbm>>) dst(%arg9 : memref<128xi32, #tpu.memory_space<vmem>>)
    "tpu.region"() ({
      %run_scoped3A = tpu.sem_alloc : memref<!tpu.dma_semaphore, #tpu.memory_space<semaphore_mem>>
      %dma_start3A_61 = arith.constant 0 : i32
      %dma_start3A_62 = arith.constant 0 : i32
      %dma_start3A_63 = tpu.memref_slice %arg13[%dma_start3A_61, %dma_start3A_62] : memref<10240x128xf32, #tpu.memory_space<vmem_shared>> -> memref<10240x128xf32, #tpu.memory_space<vmem_shared>>
      tpu.enqueue_indirect_dma source(%arg11 : memref<128x128xf32, #tpu.memory_space<vmem>>) target(%dma_start3A_63 : memref<10240x128xf32, #tpu.memory_space<vmem_shared>>) offsets(%arg9 : memref<128xi32, #tpu.memory_space<vmem>>) semaphore(%run_scoped3A : memref<!tpu.dma_semaphore, #tpu.memory_space<semaphore_mem>>) {add = true}
      %dma_wait3A_64 = arith.constant 0 : i32
      %dma_wait3A_65 = arith.constant 0 : i32
      %dma_wait3A_66 = tpu.memref_slice %arg13[%dma_wait3A_64, %dma_wait3A_65] : memref<10240x128xf32, #tpu.memory_space<vmem_shared>> -> memref<10240x128xf32, #tpu.memory_space<vmem_shared>>
      tpu.wait_indirect_dma semaphore(%run_scoped3A : memref<!tpu.dma_semaphore, #tpu.memory_space<semaphore_mem>>) src(%arg11 : memref<128x128xf32, #tpu.memory_space<vmem>>) dst(%dma_wait3A_66 : memref<10240x128xf32, #tpu.memory_space<vmem_shared>>)
      tpu.yield
    }) : () -> ()
    %dma_wait3A_46 = arith.constant 0 : i32
    %dma_wait3A_47 = arith.constant 0 : i32
    %dma_wait3A_48 = tpu.memref_slice %arg2[%dma_wait3A_46, %dma_wait3A_47] : memref<10240x128xf32, #tpu.memory_space<hbm>> -> memref<10240x128xf32, #tpu.memory_space<hbm>>
    tpu.wait_indirect_dma semaphore(%arg19 : memref<!tpu.dma_semaphore, #tpu.memory_space<semaphore_mem>>) src(%dma_wait3A_48 : memref<10240x128xf32, #tpu.memory_space<hbm>>) dst(%arg12 : memref<128x128xf32, #tpu.memory_space<vmem>>)
    %add3A_49 = arith.constant 10112 : i32
    %add3A_50 = arith.addi %mul3A_2, %add3A_49 : i32
    %dma_wait3A_51 = tpu.memref_slice %arg4[%add3A_50] : memref<327680xi32, #tpu.memory_space<hbm>> -> memref<128xi32, #tpu.memory_space<hbm>>
    %dma_wait3A_52 = tpu.memref_slice %arg4[%add3A_50] : memref<327680xi32, #tpu.memory_space<hbm>> -> memref<128xi32, #tpu.memory_space<hbm>>
    tpu.wait_dma2 semaphore(%arg17 : memref<!tpu.dma_semaphore, #tpu.memory_space<semaphore_mem>>) src(%dma_wait3A_52 : memref<128xi32, #tpu.memory_space<hbm>>) dst(%arg10 : memref<128xi32, #tpu.memory_space<vmem>>)
    "tpu.region"() ({
      %run_scoped3A = tpu.sem_alloc : memref<!tpu.dma_semaphore, #tpu.memory_space<semaphore_mem>>
      %dma_start3A_61 = arith.constant 0 : i32
      %dma_start3A_62 = arith.constant 0 : i32
      %dma_start3A_63 = tpu.memref_slice %arg13[%dma_start3A_61, %dma_start3A_62] : memref<10240x128xf32, #tpu.memory_space<vmem_shared>> -> memref<10240x128xf32, #tpu.memory_space<vmem_shared>>
      tpu.enqueue_indirect_dma source(%arg12 : memref<128x128xf32, #tpu.memory_space<vmem>>) target(%dma_start3A_63 : memref<10240x128xf32, #tpu.memory_space<vmem_shared>>) offsets(%arg10 : memref<128xi32, #tpu.memory_space<vmem>>) semaphore(%run_scoped3A : memref<!tpu.dma_semaphore, #tpu.memory_space<semaphore_mem>>) {add = true}
      %dma_wait3A_64 = arith.constant 0 : i32
      %dma_wait3A_65 = arith.constant 0 : i32
      %dma_wait3A_66 = tpu.memref_slice %arg13[%dma_wait3A_64, %dma_wait3A_65] : memref<10240x128xf32, #tpu.memory_space<vmem_shared>> -> memref<10240x128xf32, #tpu.memory_space<vmem_shared>>
      tpu.wait_indirect_dma semaphore(%run_scoped3A : memref<!tpu.dma_semaphore, #tpu.memory_space<semaphore_mem>>) src(%arg12 : memref<128x128xf32, #tpu.memory_space<vmem>>) dst(%dma_wait3A_66 : memref<10240x128xf32, #tpu.memory_space<vmem_shared>>)
      tpu.yield
    }) : () -> ()
    %barrier3A_53 = arith.constant 0 : index
    tpu.barrier barrier_id(%barrier3A_53)
    %mul3A_54 = arith.constant 640 : i32
    %mul3A_55 = arith.muli %arg1, %mul3A_54 : i32
    %mul3A_56 = arith.constant 10240 : i32
    %mul3A_57 = arith.muli %arg0, %mul3A_56 : i32
    %mul3A_58 = arith.constant 640 : i32
    %mul3A_59 = arith.muli %arg1, %mul3A_58 : i32
    %add3A_60 = arith.addi %mul3A_57, %mul3A_59 : i32
    "tpu.region"() ({
      %run_scoped3A = tpu.sem_alloc : memref<!tpu.dma_semaphore, #tpu.memory_space<semaphore_mem>>
      %dma_start3A_61 = arith.constant 0 : i32
      %dma_start3A_62 = tpu.memref_slice %arg6[%add3A_60, %dma_start3A_61] : memref<20480x128xf32, #tpu.memory_space<hbm>> -> memref<640x128xf32, #tpu.memory_space<hbm>>
      %dma_start3A_63 = arith.constant 0 : i32
      %dma_start3A_64 = tpu.memref_slice %arg13[%mul3A_55, %dma_start3A_63] : memref<10240x128xf32, #tpu.memory_space<vmem_shared>> -> memref<640x128xf32, #tpu.memory_space<vmem_shared>>
      tpu.enqueue_dma source(%dma_start3A_64 : memref<640x128xf32, #tpu.memory_space<vmem_shared>>) target(%dma_start3A_62 : memref<640x128xf32, #tpu.memory_space<hbm>>) target_semaphore(%run_scoped3A : memref<!tpu.dma_semaphore, #tpu.memory_space<semaphore_mem>>)
      %dma_wait3A_65 = arith.constant 0 : i32
      %dma_wait3A_66 = tpu.memref_slice %arg6[%add3A_60, %dma_wait3A_65] : memref<20480x128xf32, #tpu.memory_space<hbm>> -> memref<640x128xf32, #tpu.memory_space<hbm>>
      %dma_wait3A_67 = arith.constant 0 : i32
      %dma_wait3A_68 = tpu.memref_slice %arg13[%mul3A_55, %dma_wait3A_67] : memref<10240x128xf32, #tpu.memory_space<vmem_shared>> -> memref<640x128xf32, #tpu.memory_space<vmem_shared>>
      tpu.wait_dma2 semaphore(%run_scoped3A : memref<!tpu.dma_semaphore, #tpu.memory_space<semaphore_mem>>) src(%dma_wait3A_68 : memref<640x128xf32, #tpu.memory_space<vmem_shared>>) dst(%dma_wait3A_66 : memref<640x128xf32, #tpu.memory_space<hbm>>)
      tpu.yield
    }) : () -> ()
    return
  }
}

#map = affine_map<(d0, d1) -> (0, 0)>
#map1 = affine_map<(d0, d1) -> (0)>
module attributes {stable_mosaic.version = 14 : i64} {
  func.func @_hop_kernel(%arg0: i32, %arg1: i32, %arg2: memref<10240x128xf32, #tpu.memory_space<hbm>>, %arg3: memref<327680xi32, #tpu.memory_space<hbm>>, %arg4: memref<327680xi32, #tpu.memory_space<hbm>>, %arg5: memref<640x128xf32, #tpu.memory_space<hbm>>, %arg6: memref<20480x128xf32, #tpu.memory_space<hbm>>, %arg7: memref<128xi32, #tpu.memory_space<vmem>>, %arg8: memref<128xi32, #tpu.memory_space<vmem>>, %arg9: memref<128xi32, #tpu.memory_space<vmem>>, %arg10: memref<128xi32, #tpu.memory_space<vmem>>, %arg11: memref<128x128xf32, #tpu.memory_space<vmem>>, %arg12: memref<128x128xf32, #tpu.memory_space<vmem>>, %arg13: memref<10240x128xf32, #tpu.memory_space<vmem_shared>>, %arg14: memref<!tpu.dma_semaphore, #tpu.memory_space<semaphore_mem>>, %arg15: memref<!tpu.dma_semaphore, #tpu.memory_space<semaphore_mem>>, %arg16: memref<!tpu.dma_semaphore, #tpu.memory_space<semaphore_mem>>, %arg17: memref<!tpu.dma_semaphore, #tpu.memory_space<semaphore_mem>>, %arg18: memref<!tpu.dma_semaphore, #tpu.memory_space<semaphore_mem>>, %arg19: memref<!tpu.dma_semaphore, #tpu.memory_space<semaphore_mem>>) attributes {dimension_semantics = [#tpu.dimension_semantics<core_parallel>, #tpu.dimension_semantics<subcore_parallel>], iteration_bounds = array<i64: 2, 16>, scalar_prefetch = 0 : i64, scratch_operands = 13 : i64, tpu.core_type = #tpu.core_type<sc_vector_subcore>, window_params = [{transform_indices = #map}, {transform_indices = #map1}, {transform_indices = #map1}, {transform_indices = #map}, {transform_indices = #map}]} {
    %mul3A = arith.constant 16 : i32
    %mul3A_0 = arith.muli %arg0, %mul3A : i32
    %add3A = arith.addi %mul3A_0, %arg1 : i32
    %mul3A_1 = arith.constant 10240 : i32
    %mul3A_2 = arith.muli %add3A, %mul3A_1 : i32
    %mul3A_3 = arith.constant 640 : i32
    %mul3A_4 = arith.muli %arg1, %mul3A_3 : i32
    "tpu.region"() ({
      %run_scoped3A = tpu.sem_alloc : memref<!tpu.dma_semaphore, #tpu.memory_space<semaphore_mem>>
      %dma_start3A_61 = arith.constant 0 : i32
      %dma_start3A_62 = tpu.memref_slice %arg13[%mul3A_4, %dma_start3A_61] : memref<10240x128xf32, #tpu.memory_space<vmem_shared>> -> memref<640x128xf32, #tpu.memory_space<vmem_shared>>
      tpu.enqueue_dma source(%arg5 : memref<640x128xf32, #tpu.memory_space<hbm>>) target(%dma_start3A_62 : memref<640x128xf32, #tpu.memory_space<vmem_shared>>) target_semaphore(%run_scoped3A : memref<!tpu.dma_semaphore, #tpu.memory_space<semaphore_mem>>)
      %dma_wait3A_63 = arith.constant 0 : i32
      %dma_wait3A_64 = tpu.memref_slice %arg13[%mul3A_4, %dma_wait3A_63] : memref<10240x128xf32, #tpu.memory_space<vmem_shared>> -> memref<640x128xf32, #tpu.memory_space<vmem_shared>>
      tpu.wait_dma2 semaphore(%run_scoped3A : memref<!tpu.dma_semaphore, #tpu.memory_space<semaphore_mem>>) src(%arg5 : memref<640x128xf32, #tpu.memory_space<hbm>>) dst(%dma_wait3A_64 : memref<640x128xf32, #tpu.memory_space<vmem_shared>>)
      tpu.yield
    }) : () -> ()
    %barrier3A = arith.constant 0 : index
    tpu.barrier barrier_id(%barrier3A)
    %add3A_5 = arith.constant 0 : i32
    %add3A_6 = arith.addi %mul3A_2, %add3A_5 : i32
    %dma_start3A = tpu.memref_slice %arg3[%add3A_6] : memref<327680xi32, #tpu.memory_space<hbm>> -> memref<128xi32, #tpu.memory_space<hbm>>
    %dma_start3A_7 = tpu.memref_slice %arg3[%add3A_6] : memref<327680xi32, #tpu.memory_space<hbm>> -> memref<128xi32, #tpu.memory_space<hbm>>
    tpu.enqueue_dma source(%dma_start3A_7 : memref<128xi32, #tpu.memory_space<hbm>>) target(%arg7 : memref<128xi32, #tpu.memory_space<vmem>>) target_semaphore(%arg14 : memref<!tpu.dma_semaphore, #tpu.memory_space<semaphore_mem>>)
    %add3A_8 = arith.constant 0 : i32
    %add3A_9 = arith.addi %mul3A_2, %add3A_8 : i32
    %dma_start3A_10 = tpu.memref_slice %arg4[%add3A_9] : memref<327680xi32, #tpu.memory_space<hbm>> -> memref<128xi32, #tpu.memory_space<hbm>>
    %dma_start3A_11 = tpu.memref_slice %arg4[%add3A_9] : memref<327680xi32, #tpu.memory_space<hbm>> -> memref<128xi32, #tpu.memory_space<hbm>>
    tpu.enqueue_dma source(%dma_start3A_11 : memref<128xi32, #tpu.memory_space<hbm>>) target(%arg9 : memref<128xi32, #tpu.memory_space<vmem>>) target_semaphore(%arg16 : memref<!tpu.dma_semaphore, #tpu.memory_space<semaphore_mem>>)
    %add3A_12 = arith.constant 128 : i32
    %add3A_13 = arith.addi %mul3A_2, %add3A_12 : i32
    %dma_start3A_14 = tpu.memref_slice %arg3[%add3A_13] : memref<327680xi32, #tpu.memory_space<hbm>> -> memref<128xi32, #tpu.memory_space<hbm>>
    %dma_start3A_15 = tpu.memref_slice %arg3[%add3A_13] : memref<327680xi32, #tpu.memory_space<hbm>> -> memref<128xi32, #tpu.memory_space<hbm>>
    tpu.enqueue_dma source(%dma_start3A_15 : memref<128xi32, #tpu.memory_space<hbm>>) target(%arg8 : memref<128xi32, #tpu.memory_space<vmem>>) target_semaphore(%arg15 : memref<!tpu.dma_semaphore, #tpu.memory_space<semaphore_mem>>)
    %add3A_16 = arith.constant 128 : i32
    %add3A_17 = arith.addi %mul3A_2, %add3A_16 : i32
    %dma_start3A_18 = tpu.memref_slice %arg4[%add3A_17] : memref<327680xi32, #tpu.memory_space<hbm>> -> memref<128xi32, #tpu.memory_space<hbm>>
    %dma_start3A_19 = tpu.memref_slice %arg4[%add3A_17] : memref<327680xi32, #tpu.memory_space<hbm>> -> memref<128xi32, #tpu.memory_space<hbm>>
    tpu.enqueue_dma source(%dma_start3A_19 : memref<128xi32, #tpu.memory_space<hbm>>) target(%arg10 : memref<128xi32, #tpu.memory_space<vmem>>) target_semaphore(%arg17 : memref<!tpu.dma_semaphore, #tpu.memory_space<semaphore_mem>>)
    %add3A_20 = arith.constant 0 : i32
    %add3A_21 = arith.addi %mul3A_2, %add3A_20 : i32
    %dma_wait3A = tpu.memref_slice %arg3[%add3A_21] : memref<327680xi32, #tpu.memory_space<hbm>> -> memref<128xi32, #tpu.memory_space<hbm>>
    %dma_wait3A_22 = tpu.memref_slice %arg3[%add3A_21] : memref<327680xi32, #tpu.memory_space<hbm>> -> memref<128xi32, #tpu.memory_space<hbm>>
    tpu.wait_dma2 semaphore(%arg14 : memref<!tpu.dma_semaphore, #tpu.memory_space<semaphore_mem>>) src(%dma_wait3A_22 : memref<128xi32, #tpu.memory_space<hbm>>) dst(%arg7 : memref<128xi32, #tpu.memory_space<vmem>>)
    %dma_start3A_23 = arith.constant 0 : i32
    %dma_start3A_24 = arith.constant 0 : i32
    %dma_start3A_25 = tpu.memref_slice %arg2[%dma_start3A_23, %dma_start3A_24] : memref<10240x128xf32, #tpu.memory_space<hbm>> -> memref<10240x128xf32, #tpu.memory_space<hbm>>
    tpu.enqueue_indirect_dma source(%dma_start3A_25 : memref<10240x128xf32, #tpu.memory_space<hbm>>) target(%arg11 : memref<128x128xf32, #tpu.memory_space<vmem>>) offsets(%arg7 : memref<128xi32, #tpu.memory_space<vmem>>) semaphore(%arg18 : memref<!tpu.dma_semaphore, #tpu.memory_space<semaphore_mem>>)
    %add3A_26 = arith.constant 128 : i32
    %add3A_27 = arith.addi %mul3A_2, %add3A_26 : i32
    %dma_wait3A_28 = tpu.memref_slice %arg3[%add3A_27] : memref<327680xi32, #tpu.memory_space<hbm>> -> memref<128xi32, #tpu.memory_space<hbm>>
    %dma_wait3A_29 = tpu.memref_slice %arg3[%add3A_27] : memref<327680xi32, #tpu.memory_space<hbm>> -> memref<128xi32, #tpu.memory_space<hbm>>
    tpu.wait_dma2 semaphore(%arg15 : memref<!tpu.dma_semaphore, #tpu.memory_space<semaphore_mem>>) src(%dma_wait3A_29 : memref<128xi32, #tpu.memory_space<hbm>>) dst(%arg8 : memref<128xi32, #tpu.memory_space<vmem>>)
    %dma_start3A_30 = arith.constant 0 : i32
    %dma_start3A_31 = arith.constant 0 : i32
    %dma_start3A_32 = tpu.memref_slice %arg2[%dma_start3A_30, %dma_start3A_31] : memref<10240x128xf32, #tpu.memory_space<hbm>> -> memref<10240x128xf32, #tpu.memory_space<hbm>>
    tpu.enqueue_indirect_dma source(%dma_start3A_32 : memref<10240x128xf32, #tpu.memory_space<hbm>>) target(%arg12 : memref<128x128xf32, #tpu.memory_space<vmem>>) offsets(%arg8 : memref<128xi32, #tpu.memory_space<vmem>>) semaphore(%arg19 : memref<!tpu.dma_semaphore, #tpu.memory_space<semaphore_mem>>)
    %scan3A = arith.constant 0 : i32
    %scan3A_33 = arith.constant 0 : i32
    %scan3A_34 = arith.constant 39 : i32
    %scan3A_35 = arith.addi %scan3A_33, %scan3A_34 : i32
    %scan3A_36 = arith.constant 1 : i32
    %scan3A_37 = scf.for %scan3A_61 = %scan3A_33 to %scan3A_35 step %scan3A_36 iter_args(%scan3A_62 = %scan3A) -> (i32)  : i32 {
      %mul3A_63 = arith.constant 2 : i32
      %mul3A_64 = arith.muli %mul3A_63, %scan3A_61 : i32
      %dma_wait3A_65 = arith.constant 0 : i32
      %dma_wait3A_66 = arith.constant 0 : i32
      %dma_wait3A_67 = tpu.memref_slice %arg2[%dma_wait3A_65, %dma_wait3A_66] : memref<10240x128xf32, #tpu.memory_space<hbm>> -> memref<10240x128xf32, #tpu.memory_space<hbm>>
      tpu.wait_indirect_dma semaphore(%arg18 : memref<!tpu.dma_semaphore, #tpu.memory_space<semaphore_mem>>) src(%dma_wait3A_67 : memref<10240x128xf32, #tpu.memory_space<hbm>>) dst(%arg11 : memref<128x128xf32, #tpu.memory_space<vmem>>)
      %add3A_68 = arith.constant 2 : i32
      %add3A_69 = arith.addi %mul3A_64, %add3A_68 : i32
      %mul3A_70 = arith.constant 128 : i32
      %mul3A_71 = arith.muli %add3A_69, %mul3A_70 : i32
      %add3A_72 = arith.addi %mul3A_2, %mul3A_71 : i32
      %dma_start3A_73 = tpu.memref_slice %arg3[%add3A_72] : memref<327680xi32, #tpu.memory_space<hbm>> -> memref<128xi32, #tpu.memory_space<hbm>>
      %dma_start3A_74 = tpu.memref_slice %arg3[%add3A_72] : memref<327680xi32, #tpu.memory_space<hbm>> -> memref<128xi32, #tpu.memory_space<hbm>>
      tpu.enqueue_dma source(%dma_start3A_74 : memref<128xi32, #tpu.memory_space<hbm>>) target(%arg7 : memref<128xi32, #tpu.memory_space<vmem>>) target_semaphore(%arg14 : memref<!tpu.dma_semaphore, #tpu.memory_space<semaphore_mem>>)
      %mul3A_75 = arith.constant 128 : i32
      %mul3A_76 = arith.muli %mul3A_64, %mul3A_75 : i32
      %add3A_77 = arith.addi %mul3A_2, %mul3A_76 : i32
      %dma_wait3A_78 = tpu.memref_slice %arg4[%add3A_77] : memref<327680xi32, #tpu.memory_space<hbm>> -> memref<128xi32, #tpu.memory_space<hbm>>
      %dma_wait3A_79 = tpu.memref_slice %arg4[%add3A_77] : memref<327680xi32, #tpu.memory_space<hbm>> -> memref<128xi32, #tpu.memory_space<hbm>>
      tpu.wait_dma2 semaphore(%arg16 : memref<!tpu.dma_semaphore, #tpu.memory_space<semaphore_mem>>) src(%dma_wait3A_79 : memref<128xi32, #tpu.memory_space<hbm>>) dst(%arg9 : memref<128xi32, #tpu.memory_space<vmem>>)
      "tpu.region"() ({
        %run_scoped3A = tpu.sem_alloc : memref<!tpu.dma_semaphore, #tpu.memory_space<semaphore_mem>>
        %dma_start3A_132 = arith.constant 0 : i32
        %dma_start3A_133 = arith.constant 0 : i32
        %dma_start3A_134 = tpu.memref_slice %arg13[%dma_start3A_132, %dma_start3A_133] : memref<10240x128xf32, #tpu.memory_space<vmem_shared>> -> memref<10240x128xf32, #tpu.memory_space<vmem_shared>>
        tpu.enqueue_indirect_dma source(%arg11 : memref<128x128xf32, #tpu.memory_space<vmem>>) target(%dma_start3A_134 : memref<10240x128xf32, #tpu.memory_space<vmem_shared>>) offsets(%arg9 : memref<128xi32, #tpu.memory_space<vmem>>) semaphore(%run_scoped3A : memref<!tpu.dma_semaphore, #tpu.memory_space<semaphore_mem>>) {add = true}
        %dma_wait3A_135 = arith.constant 0 : i32
        %dma_wait3A_136 = arith.constant 0 : i32
        %dma_wait3A_137 = tpu.memref_slice %arg13[%dma_wait3A_135, %dma_wait3A_136] : memref<10240x128xf32, #tpu.memory_space<vmem_shared>> -> memref<10240x128xf32, #tpu.memory_space<vmem_shared>>
        tpu.wait_indirect_dma semaphore(%run_scoped3A : memref<!tpu.dma_semaphore, #tpu.memory_space<semaphore_mem>>) src(%arg11 : memref<128x128xf32, #tpu.memory_space<vmem>>) dst(%dma_wait3A_137 : memref<10240x128xf32, #tpu.memory_space<vmem_shared>>)
        tpu.yield
      }) : () -> ()
      %add3A_80 = arith.constant 2 : i32
      %add3A_81 = arith.addi %mul3A_64, %add3A_80 : i32
      %mul3A_82 = arith.constant 128 : i32
      %mul3A_83 = arith.muli %add3A_81, %mul3A_82 : i32
      %add3A_84 = arith.addi %mul3A_2, %mul3A_83 : i32
      %dma_start3A_85 = tpu.memref_slice %arg4[%add3A_84] : memref<327680xi32, #tpu.memory_space<hbm>> -> memref<128xi32, #tpu.memory_space<hbm>>
      %dma_start3A_86 = tpu.memref_slice %arg4[%add3A_84] : memref<327680xi32, #tpu.memory_space<hbm>> -> memref<128xi32, #tpu.memory_space<hbm>>
      tpu.enqueue_dma source(%dma_start3A_86 : memref<128xi32, #tpu.memory_space<hbm>>) target(%arg9 : memref<128xi32, #tpu.memory_space<vmem>>) target_semaphore(%arg16 : memref<!tpu.dma_semaphore, #tpu.memory_space<semaphore_mem>>)
      %add3A_87 = arith.constant 2 : i32
      %add3A_88 = arith.addi %mul3A_64, %add3A_87 : i32
      %mul3A_89 = arith.constant 128 : i32
      %mul3A_90 = arith.muli %add3A_88, %mul3A_89 : i32
      %add3A_91 = arith.addi %mul3A_2, %mul3A_90 : i32
      %dma_wait3A_92 = tpu.memref_slice %arg3[%add3A_91] : memref<327680xi32, #tpu.memory_space<hbm>> -> memref<128xi32, #tpu.memory_space<hbm>>
      %dma_wait3A_93 = tpu.memref_slice %arg3[%add3A_91] : memref<327680xi32, #tpu.memory_space<hbm>> -> memref<128xi32, #tpu.memory_space<hbm>>
      tpu.wait_dma2 semaphore(%arg14 : memref<!tpu.dma_semaphore, #tpu.memory_space<semaphore_mem>>) src(%dma_wait3A_93 : memref<128xi32, #tpu.memory_space<hbm>>) dst(%arg7 : memref<128xi32, #tpu.memory_space<vmem>>)
      %dma_start3A_94 = arith.constant 0 : i32
      %dma_start3A_95 = arith.constant 0 : i32
      %dma_start3A_96 = tpu.memref_slice %arg2[%dma_start3A_94, %dma_start3A_95] : memref<10240x128xf32, #tpu.memory_space<hbm>> -> memref<10240x128xf32, #tpu.memory_space<hbm>>
      tpu.enqueue_indirect_dma source(%dma_start3A_96 : memref<10240x128xf32, #tpu.memory_space<hbm>>) target(%arg11 : memref<128x128xf32, #tpu.memory_space<vmem>>) offsets(%arg7 : memref<128xi32, #tpu.memory_space<vmem>>) semaphore(%arg18 : memref<!tpu.dma_semaphore, #tpu.memory_space<semaphore_mem>>)
      %add3A_97 = arith.constant 1 : i32
      %add3A_98 = arith.addi %mul3A_64, %add3A_97 : i32
      %dma_wait3A_99 = arith.constant 0 : i32
      %dma_wait3A_100 = arith.constant 0 : i32
      %dma_wait3A_101 = tpu.memref_slice %arg2[%dma_wait3A_99, %dma_wait3A_100] : memref<10240x128xf32, #tpu.memory_space<hbm>> -> memref<10240x128xf32, #tpu.memory_space<hbm>>
      tpu.wait_indirect_dma semaphore(%arg19 : memref<!tpu.dma_semaphore, #tpu.memory_space<semaphore_mem>>) src(%dma_wait3A_101 : memref<10240x128xf32, #tpu.memory_space<hbm>>) dst(%arg12 : memref<128x128xf32, #tpu.memory_space<vmem>>)
      %add3A_102 = arith.constant 2 : i32
      %add3A_103 = arith.addi %add3A_98, %add3A_102 : i32
      %mul3A_104 = arith.constant 128 : i32
      %mul3A_105 = arith.muli %add3A_103, %mul3A_104 : i32
      %add3A_106 = arith.addi %mul3A_2, %mul3A_105 : i32
      %dma_start3A_107 = tpu.memref_slice %arg3[%add3A_106] : memref<327680xi32, #tpu.memory_space<hbm>> -> memref<128xi32, #tpu.memory_space<hbm>>
      %dma_start3A_108 = tpu.memref_slice %arg3[%add3A_106] : memref<327680xi32, #tpu.memory_space<hbm>> -> memref<128xi32, #tpu.memory_space<hbm>>
      tpu.enqueue_dma source(%dma_start3A_108 : memref<128xi32, #tpu.memory_space<hbm>>) target(%arg8 : memref<128xi32, #tpu.memory_space<vmem>>) target_semaphore(%arg15 : memref<!tpu.dma_semaphore, #tpu.memory_space<semaphore_mem>>)
      %mul3A_109 = arith.constant 128 : i32
      %mul3A_110 = arith.muli %add3A_98, %mul3A_109 : i32
      %add3A_111 = arith.addi %mul3A_2, %mul3A_110 : i32
      %dma_wait3A_112 = tpu.memref_slice %arg4[%add3A_111] : memref<327680xi32, #tpu.memory_space<hbm>> -> memref<128xi32, #tpu.memory_space<hbm>>
      %dma_wait3A_113 = tpu.memref_slice %arg4[%add3A_111] : memref<327680xi32, #tpu.memory_space<hbm>> -> memref<128xi32, #tpu.memory_space<hbm>>
      tpu.wait_dma2 semaphore(%arg17 : memref<!tpu.dma_semaphore, #tpu.memory_space<semaphore_mem>>) src(%dma_wait3A_113 : memref<128xi32, #tpu.memory_space<hbm>>) dst(%arg10 : memref<128xi32, #tpu.memory_space<vmem>>)
      "tpu.region"() ({
        %run_scoped3A = tpu.sem_alloc : memref<!tpu.dma_semaphore, #tpu.memory_space<semaphore_mem>>
        %dma_start3A_132 = arith.constant 0 : i32
        %dma_start3A_133 = arith.constant 0 : i32
        %dma_start3A_134 = tpu.memref_slice %arg13[%dma_start3A_132, %dma_start3A_133] : memref<10240x128xf32, #tpu.memory_space<vmem_shared>> -> memref<10240x128xf32, #tpu.memory_space<vmem_shared>>
        tpu.enqueue_indirect_dma source(%arg12 : memref<128x128xf32, #tpu.memory_space<vmem>>) target(%dma_start3A_134 : memref<10240x128xf32, #tpu.memory_space<vmem_shared>>) offsets(%arg10 : memref<128xi32, #tpu.memory_space<vmem>>) semaphore(%run_scoped3A : memref<!tpu.dma_semaphore, #tpu.memory_space<semaphore_mem>>) {add = true}
        %dma_wait3A_135 = arith.constant 0 : i32
        %dma_wait3A_136 = arith.constant 0 : i32
        %dma_wait3A_137 = tpu.memref_slice %arg13[%dma_wait3A_135, %dma_wait3A_136] : memref<10240x128xf32, #tpu.memory_space<vmem_shared>> -> memref<10240x128xf32, #tpu.memory_space<vmem_shared>>
        tpu.wait_indirect_dma semaphore(%run_scoped3A : memref<!tpu.dma_semaphore, #tpu.memory_space<semaphore_mem>>) src(%arg12 : memref<128x128xf32, #tpu.memory_space<vmem>>) dst(%dma_wait3A_137 : memref<10240x128xf32, #tpu.memory_space<vmem_shared>>)
        tpu.yield
      }) : () -> ()
      %add3A_114 = arith.constant 2 : i32
      %add3A_115 = arith.addi %add3A_98, %add3A_114 : i32
      %mul3A_116 = arith.constant 128 : i32
      %mul3A_117 = arith.muli %add3A_115, %mul3A_116 : i32
      %add3A_118 = arith.addi %mul3A_2, %mul3A_117 : i32
      %dma_start3A_119 = tpu.memref_slice %arg4[%add3A_118] : memref<327680xi32, #tpu.memory_space<hbm>> -> memref<128xi32, #tpu.memory_space<hbm>>
      %dma_start3A_120 = tpu.memref_slice %arg4[%add3A_118] : memref<327680xi32, #tpu.memory_space<hbm>> -> memref<128xi32, #tpu.memory_space<hbm>>
      tpu.enqueue_dma source(%dma_start3A_120 : memref<128xi32, #tpu.memory_space<hbm>>) target(%arg10 : memref<128xi32, #tpu.memory_space<vmem>>) target_semaphore(%arg17 : memref<!tpu.dma_semaphore, #tpu.memory_space<semaphore_mem>>)
      %add3A_121 = arith.constant 2 : i32
      %add3A_122 = arith.addi %add3A_98, %add3A_121 : i32
      %mul3A_123 = arith.constant 128 : i32
      %mul3A_124 = arith.muli %add3A_122, %mul3A_123 : i32
      %add3A_125 = arith.addi %mul3A_2, %mul3A_124 : i32
      %dma_wait3A_126 = tpu.memref_slice %arg3[%add3A_125] : memref<327680xi32, #tpu.memory_space<hbm>> -> memref<128xi32, #tpu.memory_space<hbm>>
      %dma_wait3A_127 = tpu.memref_slice %arg3[%add3A_125] : memref<327680xi32, #tpu.memory_space<hbm>> -> memref<128xi32, #tpu.memory_space<hbm>>
      tpu.wait_dma2 semaphore(%arg15 : memref<!tpu.dma_semaphore, #tpu.memory_space<semaphore_mem>>) src(%dma_wait3A_127 : memref<128xi32, #tpu.memory_space<hbm>>) dst(%arg8 : memref<128xi32, #tpu.memory_space<vmem>>)
      %dma_start3A_128 = arith.constant 0 : i32
      %dma_start3A_129 = arith.constant 0 : i32
      %dma_start3A_130 = tpu.memref_slice %arg2[%dma_start3A_128, %dma_start3A_129] : memref<10240x128xf32, #tpu.memory_space<hbm>> -> memref<10240x128xf32, #tpu.memory_space<hbm>>
      tpu.enqueue_indirect_dma source(%dma_start3A_130 : memref<10240x128xf32, #tpu.memory_space<hbm>>) target(%arg12 : memref<128x128xf32, #tpu.memory_space<vmem>>) offsets(%arg8 : memref<128xi32, #tpu.memory_space<vmem>>) semaphore(%arg19 : memref<!tpu.dma_semaphore, #tpu.memory_space<semaphore_mem>>)
      %scan3A_131 = arith.constant 0 : i32
      scf.yield %scan3A_131 : i32
    }
    %scan3A_38 = arith.constant 39 : i32
    %dma_wait3A_39 = arith.constant 0 : i32
    %dma_wait3A_40 = arith.constant 0 : i32
    %dma_wait3A_41 = tpu.memref_slice %arg2[%dma_wait3A_39, %dma_wait3A_40] : memref<10240x128xf32, #tpu.memory_space<hbm>> -> memref<10240x128xf32, #tpu.memory_space<hbm>>
    tpu.wait_indirect_dma semaphore(%arg18 : memref<!tpu.dma_semaphore, #tpu.memory_space<semaphore_mem>>) src(%dma_wait3A_41 : memref<10240x128xf32, #tpu.memory_space<hbm>>) dst(%arg11 : memref<128x128xf32, #tpu.memory_space<vmem>>)
    %add3A_42 = arith.constant 9984 : i32
    %add3A_43 = arith.addi %mul3A_2, %add3A_42 : i32
    %dma_wait3A_44 = tpu.memref_slice %arg4[%add3A_43] : memref<327680xi32, #tpu.memory_space<hbm>> -> memref<128xi32, #tpu.memory_space<hbm>>
    %dma_wait3A_45 = tpu.memref_slice %arg4[%add3A_43] : memref<327680xi32, #tpu.memory_space<hbm>> -> memref<128xi32, #tpu.memory_space<hbm>>
    tpu.wait_dma2 semaphore(%arg16 : memref<!tpu.dma_semaphore, #tpu.memory_space<semaphore_mem>>) src(%dma_wait3A_45 : memref<128xi32, #tpu.memory_space<hbm>>) dst(%arg9 : memref<128xi32, #tpu.memory_space<vmem>>)
    "tpu.region"() ({
      %run_scoped3A = tpu.sem_alloc : memref<!tpu.dma_semaphore, #tpu.memory_space<semaphore_mem>>
      %dma_start3A_61 = arith.constant 0 : i32
      %dma_start3A_62 = arith.constant 0 : i32
      %dma_start3A_63 = tpu.memref_slice %arg13[%dma_start3A_61, %dma_start3A_62] : memref<10240x128xf32, #tpu.memory_space<vmem_shared>> -> memref<10240x128xf32, #tpu.memory_space<vmem_shared>>
      tpu.enqueue_indirect_dma source(%arg11 : memref<128x128xf32, #tpu.memory_space<vmem>>) target(%dma_start3A_63 : memref<10240x128xf32, #tpu.memory_space<vmem_shared>>) offsets(%arg9 : memref<128xi32, #tpu.memory_space<vmem>>) semaphore(%run_scoped3A : memref<!tpu.dma_semaphore, #tpu.memory_space<semaphore_mem>>) {add = true}
      %dma_wait3A_64 = arith.constant 0 : i32
      %dma_wait3A_65 = arith.constant 0 : i32
      %dma_wait3A_66 = tpu.memref_slice %arg13[%dma_wait3A_64, %dma_wait3A_65] : memref<10240x128xf32, #tpu.memory_space<vmem_shared>> -> memref<10240x128xf32, #tpu.memory_space<vmem_shared>>
      tpu.wait_indirect_dma semaphore(%run_scoped3A : memref<!tpu.dma_semaphore, #tpu.memory_space<semaphore_mem>>) src(%arg11 : memref<128x128xf32, #tpu.memory_space<vmem>>) dst(%dma_wait3A_66 : memref<10240x128xf32, #tpu.memory_space<vmem_shared>>)
      tpu.yield
    }) : () -> ()
    %dma_wait3A_46 = arith.constant 0 : i32
    %dma_wait3A_47 = arith.constant 0 : i32
    %dma_wait3A_48 = tpu.memref_slice %arg2[%dma_wait3A_46, %dma_wait3A_47] : memref<10240x128xf32, #tpu.memory_space<hbm>> -> memref<10240x128xf32, #tpu.memory_space<hbm>>
    tpu.wait_indirect_dma semaphore(%arg19 : memref<!tpu.dma_semaphore, #tpu.memory_space<semaphore_mem>>) src(%dma_wait3A_48 : memref<10240x128xf32, #tpu.memory_space<hbm>>) dst(%arg12 : memref<128x128xf32, #tpu.memory_space<vmem>>)
    %add3A_49 = arith.constant 10112 : i32
    %add3A_50 = arith.addi %mul3A_2, %add3A_49 : i32
    %dma_wait3A_51 = tpu.memref_slice %arg4[%add3A_50] : memref<327680xi32, #tpu.memory_space<hbm>> -> memref<128xi32, #tpu.memory_space<hbm>>
    %dma_wait3A_52 = tpu.memref_slice %arg4[%add3A_50] : memref<327680xi32, #tpu.memory_space<hbm>> -> memref<128xi32, #tpu.memory_space<hbm>>
    tpu.wait_dma2 semaphore(%arg17 : memref<!tpu.dma_semaphore, #tpu.memory_space<semaphore_mem>>) src(%dma_wait3A_52 : memref<128xi32, #tpu.memory_space<hbm>>) dst(%arg10 : memref<128xi32, #tpu.memory_space<vmem>>)
    "tpu.region"() ({
      %run_scoped3A = tpu.sem_alloc : memref<!tpu.dma_semaphore, #tpu.memory_space<semaphore_mem>>
      %dma_start3A_61 = arith.constant 0 : i32
      %dma_start3A_62 = arith.constant 0 : i32
      %dma_start3A_63 = tpu.memref_slice %arg13[%dma_start3A_61, %dma_start3A_62] : memref<10240x128xf32, #tpu.memory_space<vmem_shared>> -> memref<10240x128xf32, #tpu.memory_space<vmem_shared>>
      tpu.enqueue_indirect_dma source(%arg12 : memref<128x128xf32, #tpu.memory_space<vmem>>) target(%dma_start3A_63 : memref<10240x128xf32, #tpu.memory_space<vmem_shared>>) offsets(%arg10 : memref<128xi32, #tpu.memory_space<vmem>>) semaphore(%run_scoped3A : memref<!tpu.dma_semaphore, #tpu.memory_space<semaphore_mem>>) {add = true}
      %dma_wait3A_64 = arith.constant 0 : i32
      %dma_wait3A_65 = arith.constant 0 : i32
      %dma_wait3A_66 = tpu.memref_slice %arg13[%dma_wait3A_64, %dma_wait3A_65] : memref<10240x128xf32, #tpu.memory_space<vmem_shared>> -> memref<10240x128xf32, #tpu.memory_space<vmem_shared>>
      tpu.wait_indirect_dma semaphore(%run_scoped3A : memref<!tpu.dma_semaphore, #tpu.memory_space<semaphore_mem>>) src(%arg12 : memref<128x128xf32, #tpu.memory_space<vmem>>) dst(%dma_wait3A_66 : memref<10240x128xf32, #tpu.memory_space<vmem_shared>>)
      tpu.yield
    }) : () -> ()
    %barrier3A_53 = arith.constant 0 : index
    tpu.barrier barrier_id(%barrier3A_53)
    %mul3A_54 = arith.constant 640 : i32
    %mul3A_55 = arith.muli %arg1, %mul3A_54 : i32
    %mul3A_56 = arith.constant 10240 : i32
    %mul3A_57 = arith.muli %arg0, %mul3A_56 : i32
    %mul3A_58 = arith.constant 640 : i32
    %mul3A_59 = arith.muli %arg1, %mul3A_58 : i32
    %add3A_60 = arith.addi %mul3A_57, %mul3A_59 : i32
    "tpu.region"() ({
      %run_scoped3A = tpu.sem_alloc : memref<!tpu.dma_semaphore, #tpu.memory_space<semaphore_mem>>
      %dma_start3A_61 = arith.constant 0 : i32
      %dma_start3A_62 = tpu.memref_slice %arg6[%add3A_60, %dma_start3A_61] : memref<20480x128xf32, #tpu.memory_space<hbm>> -> memref<640x128xf32, #tpu.memory_space<hbm>>
      %dma_start3A_63 = arith.constant 0 : i32
      %dma_start3A_64 = tpu.memref_slice %arg13[%mul3A_55, %dma_start3A_63] : memref<10240x128xf32, #tpu.memory_space<vmem_shared>> -> memref<640x128xf32, #tpu.memory_space<vmem_shared>>
      tpu.enqueue_dma source(%dma_start3A_64 : memref<640x128xf32, #tpu.memory_space<vmem_shared>>) target(%dma_start3A_62 : memref<640x128xf32, #tpu.memory_space<hbm>>) target_semaphore(%run_scoped3A : memref<!tpu.dma_semaphore, #tpu.memory_space<semaphore_mem>>)
      %dma_wait3A_65 = arith.constant 0 : i32
      %dma_wait3A_66 = tpu.memref_slice %arg6[%add3A_60, %dma_wait3A_65] : memref<20480x128xf32, #tpu.memory_space<hbm>> -> memref<640x128xf32, #tpu.memory_space<hbm>>
      %dma_wait3A_67 = arith.constant 0 : i32
      %dma_wait3A_68 = tpu.memref_slice %arg13[%mul3A_55, %dma_wait3A_67] : memref<10240x128xf32, #tpu.memory_space<vmem_shared>> -> memref<640x128xf32, #tpu.memory_space<vmem_shared>>
      tpu.wait_dma2 semaphore(%run_scoped3A : memref<!tpu.dma_semaphore, #tpu.memory_space<semaphore_mem>>) src(%dma_wait3A_68 : memref<640x128xf32, #tpu.memory_space<vmem_shared>>) dst(%dma_wait3A_66 : memref<640x128xf32, #tpu.memory_space<hbm>>)
      tpu.yield
    }) : () -> ()
    return
  }
}

#map = affine_map<(d0, d1) -> (0, 0)>
#map1 = affine_map<(d0, d1) -> (0)>
module attributes {stable_mosaic.version = 14 : i64} {
  func.func @_gather_kernel(%arg0: i32, %arg1: i32, %arg2: memref<512x128xf32, #tpu.memory_space<hbm>>, %arg3: memref<10240xi32, #tpu.memory_space<hbm>>, %arg4: memref<10240x128xf32, #tpu.memory_space<hbm>>, %arg5: memref<80xi32, #tpu.memory_space<vmem>>, %arg6: memref<80x128xf32, #tpu.memory_space<vmem>>, %arg7: memref<!tpu.dma_semaphore, #tpu.memory_space<semaphore_mem>>) attributes {dimension_semantics = [#tpu.dimension_semantics<core_parallel>, #tpu.dimension_semantics<subcore_parallel>], iteration_bounds = array<i64: 2, 16>, scalar_prefetch = 0 : i64, scratch_operands = 3 : i64, tpu.core_type = #tpu.core_type<sc_vector_subcore>, window_params = [{transform_indices = #map}, {transform_indices = #map1}, {transform_indices = #map}]} {
    %mul3A = arith.constant 16 : i32
    %mul3A_0 = arith.muli %arg0, %mul3A : i32
    %add3A = arith.addi %mul3A_0, %arg1 : i32
    %mul3A_1 = arith.constant 320 : i32
    %mul3A_2 = arith.muli %add3A, %mul3A_1 : i32
    %scan3A = arith.constant 0 : i32
    %scan3A_3 = arith.constant 0 : i32
    %scan3A_4 = arith.constant 4 : i32
    %scan3A_5 = arith.addi %scan3A_3, %scan3A_4 : i32
    %scan3A_6 = arith.constant 1 : i32
    %scan3A_7 = scf.for %scan3A_9 = %scan3A_3 to %scan3A_5 step %scan3A_6 iter_args(%scan3A_10 = %scan3A) -> (i32)  : i32 {
      %mul3A_11 = arith.constant 80 : i32
      %mul3A_12 = arith.muli %scan3A_9, %mul3A_11 : i32
      %add3A_13 = arith.addi %mul3A_2, %mul3A_12 : i32
      "tpu.region"() ({
        %run_scoped3A = tpu.sem_alloc : memref<!tpu.dma_semaphore, #tpu.memory_space<semaphore_mem>>
        %dma_start3A_19 = tpu.memref_slice %arg3[%add3A_13] : memref<10240xi32, #tpu.memory_space<hbm>> -> memref<80xi32, #tpu.memory_space<hbm>>
        %dma_start3A_20 = tpu.memref_slice %arg3[%add3A_13] : memref<10240xi32, #tpu.memory_space<hbm>> -> memref<80xi32, #tpu.memory_space<hbm>>
        tpu.enqueue_dma source(%dma_start3A_20 : memref<80xi32, #tpu.memory_space<hbm>>) target(%arg5 : memref<80xi32, #tpu.memory_space<vmem>>) target_semaphore(%run_scoped3A : memref<!tpu.dma_semaphore, #tpu.memory_space<semaphore_mem>>)
        %dma_wait3A_21 = tpu.memref_slice %arg3[%add3A_13] : memref<10240xi32, #tpu.memory_space<hbm>> -> memref<80xi32, #tpu.memory_space<hbm>>
        %dma_wait3A_22 = tpu.memref_slice %arg3[%add3A_13] : memref<10240xi32, #tpu.memory_space<hbm>> -> memref<80xi32, #tpu.memory_space<hbm>>
        tpu.wait_dma2 semaphore(%run_scoped3A : memref<!tpu.dma_semaphore, #tpu.memory_space<semaphore_mem>>) src(%dma_wait3A_22 : memref<80xi32, #tpu.memory_space<hbm>>) dst(%arg5 : memref<80xi32, #tpu.memory_space<vmem>>)
        tpu.yield
      }) : () -> ()
      %dma_start3A = arith.constant 0 : i32
      %dma_start3A_14 = arith.constant 0 : i32
      %dma_start3A_15 = tpu.memref_slice %arg2[%dma_start3A, %dma_start3A_14] : memref<512x128xf32, #tpu.memory_space<hbm>> -> memref<512x128xf32, #tpu.memory_space<hbm>>
      tpu.enqueue_indirect_dma source(%dma_start3A_15 : memref<512x128xf32, #tpu.memory_space<hbm>>) target(%arg6 : memref<80x128xf32, #tpu.memory_space<vmem>>) offsets(%arg5 : memref<80xi32, #tpu.memory_space<vmem>>) semaphore(%arg7 : memref<!tpu.dma_semaphore, #tpu.memory_space<semaphore_mem>>)
      %dma_wait3A = arith.constant 0 : i32
      %dma_wait3A_16 = arith.constant 0 : i32
      %dma_wait3A_17 = tpu.memref_slice %arg2[%dma_wait3A, %dma_wait3A_16] : memref<512x128xf32, #tpu.memory_space<hbm>> -> memref<512x128xf32, #tpu.memory_space<hbm>>
      tpu.wait_indirect_dma semaphore(%arg7 : memref<!tpu.dma_semaphore, #tpu.memory_space<semaphore_mem>>) src(%dma_wait3A_17 : memref<512x128xf32, #tpu.memory_space<hbm>>) dst(%arg6 : memref<80x128xf32, #tpu.memory_space<vmem>>)
      "tpu.region"() ({
        %run_scoped3A = tpu.sem_alloc : memref<!tpu.dma_semaphore, #tpu.memory_space<semaphore_mem>>
        %dma_start3A_19 = arith.constant 0 : i32
        %dma_start3A_20 = tpu.memref_slice %arg4[%add3A_13, %dma_start3A_19] : memref<10240x128xf32, #tpu.memory_space<hbm>> -> memref<80x128xf32, #tpu.memory_space<hbm>>
        %dma_start3A_21 = arith.constant 0 : i32
        %dma_start3A_22 = tpu.memref_slice %arg4[%add3A_13, %dma_start3A_21] : memref<10240x128xf32, #tpu.memory_space<hbm>> -> memref<80x128xf32, #tpu.memory_space<hbm>>
        tpu.enqueue_dma source(%arg6 : memref<80x128xf32, #tpu.memory_space<vmem>>) target(%dma_start3A_22 : memref<80x128xf32, #tpu.memory_space<hbm>>) target_semaphore(%run_scoped3A : memref<!tpu.dma_semaphore, #tpu.memory_space<semaphore_mem>>)
        %dma_wait3A_23 = arith.constant 0 : i32
        %dma_wait3A_24 = tpu.memref_slice %arg4[%add3A_13, %dma_wait3A_23] : memref<10240x128xf32, #tpu.memory_space<hbm>> -> memref<80x128xf32, #tpu.memory_space<hbm>>
        %dma_wait3A_25 = arith.constant 0 : i32
        %dma_wait3A_26 = tpu.memref_slice %arg4[%add3A_13, %dma_wait3A_25] : memref<10240x128xf32, #tpu.memory_space<hbm>> -> memref<80x128xf32, #tpu.memory_space<hbm>>
        tpu.wait_dma2 semaphore(%run_scoped3A : memref<!tpu.dma_semaphore, #tpu.memory_space<semaphore_mem>>) src(%arg6 : memref<80x128xf32, #tpu.memory_space<vmem>>) dst(%dma_wait3A_26 : memref<80x128xf32, #tpu.memory_space<hbm>>)
        tpu.yield
      }) : () -> ()
      %scan3A_18 = arith.constant 0 : i32
      scf.yield %scan3A_18 : i32
    }
    %scan3A_8 = arith.constant 4 : i32
    return
  }
}

module attributes {stable_mosaic.version = 14 : i64} {
  func.func @_final_body(%arg0: i32, %arg1: memref<256x128xf32, #tpu.memory_space<vmem>>, %arg2: memref<256x128xf32, #tpu.memory_space<vmem>>, %arg3: memref<256x1xf32, #tpu.memory_space<vmem>>, %arg4: memref<128x128xf32, #tpu.memory_space<vmem>>, %arg5: memref<1x128xf32, #tpu.memory_space<vmem>>, %arg6: memref<256x128xf32, #tpu.memory_space<vmem>>) attributes {dimension_semantics = [#tpu.dimension_semantics<arbitrary>], iteration_bounds = array<i64: 40>, scalar_prefetch = 0 : i64, scratch_operands = 0 : i64, tpu.core_type = #tpu.core_type<tc>, window_params = [{transform_indices = @transform_0, window_bounds = array<i64: 256, 128>}, {transform_indices = @transform_1, window_bounds = array<i64: 256, 128>}, {transform_indices = @transform_2, window_bounds = array<i64: 256, 1>}, {pipeline_mode = #tpu.pipeline_mode<synchronous>, transform_indices = @transform_3, window_bounds = array<i64: 128, 128>}, {pipeline_mode = #tpu.pipeline_mode<synchronous>, transform_indices = @transform_4, window_bounds = array<i64: 1, 128>}, {transform_indices = @transform_5, window_bounds = array<i64: 256, 128>}]} {
    %get3A = arith.constant 0 : index
    %get3A_0 = arith.constant 0 : index
    %get3A_1 = vector.load %arg3[%get3A, %get3A_0] : memref<256x1xf32, #tpu.memory_space<vmem>>, vector<256x1xf32>
    %get3A_2 = arith.constant 0 : index
    %get3A_3 = arith.constant 0 : index
    %get3A_4 = vector.load %arg1[%get3A_2, %get3A_3] : memref<256x128xf32, #tpu.memory_space<vmem>>, vector<256x128xf32>
    %mul3A = vector.broadcast %get3A_1 : vector<256x1xf32> to vector<256x128xf32>
    %mul3A_5 = arith.mulf %mul3A, %get3A_4 : vector<256x128xf32>
    %sub3A = arith.constant 1.000000e+00 : f32
    %sub3A_6 = vector.broadcast %sub3A : f32 to vector<256x1xf32>
    %sub3A_7 = arith.subf %sub3A_6, %get3A_1 : vector<256x1xf32>
    %get3A_8 = arith.constant 0 : index
    %get3A_9 = arith.constant 0 : index
    %get3A_10 = vector.load %arg2[%get3A_8, %get3A_9] : memref<256x128xf32, #tpu.memory_space<vmem>>, vector<256x128xf32>
    %mul3A_11 = vector.broadcast %sub3A_7 : vector<256x1xf32> to vector<256x128xf32>
    %mul3A_12 = arith.mulf %mul3A_11, %get3A_10 : vector<256x128xf32>
    %add3A = arith.addf %mul3A_5, %mul3A_12 : vector<256x128xf32>
    %get3A_13 = arith.constant 0 : index
    %get3A_14 = arith.constant 0 : index
    %get3A_15 = vector.load %arg4[%get3A_13, %get3A_14] : memref<128x128xf32, #tpu.memory_space<vmem>>, vector<128x128xf32>
    %dot_general3A = arith.constant dense<0.000000e+00> : vector<256x128xf32>
    %dot_general3A_16 = tpu.matmul %add3A, %get3A_15, %dot_general3A {dimension_numbers = #tpu.dot_dimension_numbers<[1], [0], [0], [1], [0, 0, 1, 1], [], []>, precision = #tpu.contract_precision<fp32>, transpose_lhs_hint = false} : vector<256x128xf32>, vector<128x128xf32>, vector<256x128xf32> -> vector<256x128xf32>
    %get3A_17 = arith.constant 0 : index
    %get3A_18 = arith.constant 0 : index
    %get3A_19 = vector.load %arg5[%get3A_17, %get3A_18] : memref<1x128xf32, #tpu.memory_space<vmem>>, vector<1x128xf32>
    %add3A_20 = vector.broadcast %get3A_19 : vector<1x128xf32> to vector<256x128xf32>
    %add3A_21 = arith.addf %dot_general3A_16, %add3A_20 : vector<256x128xf32>
    %swap3A = arith.constant 0 : index
    %swap3A_22 = arith.constant 0 : index
    %swap3A_23 = vector.load %arg6[%swap3A, %swap3A_22] : memref<256x128xf32, #tpu.memory_space<vmem>>, vector<256x128xf32>
    tpu.vector_store %arg6[%swap3A, %swap3A_22], %add3A_21 {strides = array<i32>} : memref<256x128xf32, #tpu.memory_space<vmem>>, vector<256x128xf32>,
    return
  }
  func.func @transform_0(%arg0: i32) -> (i32, i32) {
    %c0_i32 = arith.constant 0 : i32
    %c0_i32_0 = arith.constant 0 : i32
    return %arg0, %c0_i32 : i32, i32
  }
  func.func @transform_1(%arg0: i32) -> (i32, i32) {
    %c0_i32 = arith.constant 0 : i32
    %c0_i32_0 = arith.constant 0 : i32
    return %arg0, %c0_i32 : i32, i32
  }
  func.func @transform_2(%arg0: i32) -> (i32, i32) {
    %c0_i32 = arith.constant 0 : i32
    %c0_i32_0 = arith.constant 0 : i32
    return %arg0, %c0_i32 : i32, i32
  }
  func.func @transform_3(%arg0: i32) -> (i32, i32) {
    %c0_i32 = arith.constant 0 : i32
    %c0_i32_0 = arith.constant 0 : i32
    %c0_i32_1 = arith.constant 0 : i32
    return %c0_i32, %c0_i32_0 : i32, i32
  }
  func.func @transform_4(%arg0: i32) -> (i32, i32) {
    %c0_i32 = arith.constant 0 : i32
    %c0_i32_0 = arith.constant 0 : i32
    %c0_i32_1 = arith.constant 0 : i32
    return %c0_i32, %c0_i32_0 : i32, i32
  }
  func.func @transform_5(%arg0: i32) -> (i32, i32) {
    %c0_i32 = arith.constant 0 : i32
    %c0_i32_0 = arith.constant 0 : i32
    return %arg0, %c0_i32 : i32, i32
  }
}

</mosaic_0001>

<sc_bundles>
// kernel: kernel.11.cloned.1.call-start
scs
__scs_entry_jumppad:
0x0: {  	(pc) =	sbr.rel $0x88, $3  }
0x1: {  	(tag) =	ssettag $0x0;
	lr =	simm.s32 $0x1  }
0x2: {  	[smem:$0x3F9B] =	sst lr;
	_ =	strace $0xD0000000  }
0x3: {  	_ = 	snop  }
0x4: {  	_ = 	snop  }
0x5: {  	_ = 	snop  }
0x6: {  	_ = 	snop  }
0x7: {  	_ = 	snop  }
__scs_overlays_trampoline_lowered:
0x8: {  	[smem:$0x3FAA] =	sst s0  }
0x9: {  	[smem:$0x3FAB] =	sst s1  }
0xa: {  	[smem:$0x3FAC] =	sst s2  }
0xb: {  	[smem:$0x3FAD] =	sst s3  }
0xc: {  	[smem:$0x3FAE] =	sst s4  }
0xd: {  	[smem:$0x3FAF] =	sst s5  }
0xe: {  	[smem:$0x3FB0] =	sst s6  }
0xf: {  	[smem:$0x3FB1] =	sst s7  }
0x10: {  	[smem:$0x3FB2] =	sst s8  }
0x11: {  	[smem:$0x3FB3] =	sst s9;
	s0 =	simm.s32 @!p0 $0x0  }
0x12: {  	s1 =	sld [smem:$0x3F99];
	s0 =	simm.s32 @p0 $0x1  }
0x13: {  	[smem:$0x3FB4] =	sst s0;
	s0 =	simm.s32 @!p1 $0x0  }
0x14: {  	s2 =	sld [smem:$0x3F98];
	s0 =	simm.s32 @p1 $0x1  }
0x15: {  	[smem:$0x3FB5] =	sst s0;
	s0 =	simm.s32 @!p2 $0x0  }
0x16: {  	s3 =	sld [smem:$0x3FDB];
	s0 =	simm.s32 @p2 $0x1  }
0x17: {  	s4 =	simm.s32 $0x1BF5;
	[smem:$0x3FB7] =	sst s0  }
0x18: {  	s0 =	sld [smem:$0x3F9A];
	_ =	swait.ge [sflag:s4], $0x0  }
0x19: {  	s7 =	sld [smem:$0x3F9B]  }
0x1a: {  	s8 =	sadd.s32 $0xFFFFE003, lr  }
0x1b: {  	s9 =	sadd.s32 $0xFFFFFEF7, lr;
	s5 =	simm.s32 $0xFFFFFFFF;
	p2 =	slt.u32 s8, $0xFFFFF086  }
0x1c: {  	p1 =	slt.u32 s9, $0xF7A;
	s5 =	simm.s32 @!p2 $0x0  }
0x1d: {  	s5 =	simm.s32 @p1 $0x1;
	p0 =	seq.s32 s7, s2  }
0x1e: {  	s7 =	smul.u32 @!p0 $0xF7A, s2;
	p2 =	seq.s32 @!p0 s5, $0x0  }
0x1f: {  	s9 =	smul.u32 $0xF7A, s1;
	s8 =	simm.s32 @!p0 $0x1BF5;
	p2 =	por !p2, p0  }
0x20: {  	[sflag:s8] =	ssyncset.s32 @!p0 $0xFFFFF086;
	s6 =	sadd.s32 @!p0 s3, s7;
	s7 =	simm.s32 @!p0 $0x108  }
0x21: {  	s3 =	sadd.s32 s3, s9;
	s6 =	sadd.s32 @!p0 $0x88, s6;
	s7 =	simm.s32 @p2 $0x1082  }
0x22: {  	[simem:s7], [sflag:s8] =	dma.local @!p0 [hbm:s6], $0xF7A  }
0x23: {  	s9 =	sor.u32 $0xD0000000, s2;
	s6 =	simm.s32 $0x108;
	_ =	swait.ge @!p0 [sflag:s8], $0x0  }
0x24: {  	s3 =	sadd.s32 $0x88, s3;
	s6 =	simm.s32 @!p1 $0x1082;
	[sflag:s4] =	ssyncset.s32 $0xFFFFF086  }
0x25: {  	[simem:s6], [sflag:s4] =	dma.local [hbm:s3], $0xF7A  }
0x26: {  	[smem:$0x3F9B] =	sst s1;
	(tag) =	ssettag s2;
	_ =	strace s9  }
0x27: {  	s1 =	sld [smem:$0x3FAB]  }
0x28: {  	s2 =	sld [smem:$0x3FAC]  }
0x29: {  	s4 =	sld [smem:$0x3FAE]  }
0x2a: {  	p0 =	seq.s32 s5, $0x0;
	s5 =	sld [smem:$0x3FAF]  }
0x2b: {  	s6 =	sld [smem:$0x3FB0]  }
0x2c: {  	s7 =	sld [smem:$0x3FB1]  }
0x2d: {  	s3 =	simm.s32 $0x108;
	s8 =	sld [smem:$0x3FB2]  }
0x2e: {  	s3 =	simm.s32 @!p0 $0x1082;
	s9 =	sld [smem:$0x3FB3]  }
0x2f: {  	lr =	sadd.s32 s0, s3;
	s0 =	sld [smem:$0x3FAA]  }
0x30: {  	s3 =	sld [smem:$0x3FAD]  }
0x31: {  	[smem:$0x3FB6] =	sst s10  }
0x32: {  	s10 =	sld [smem:$0x3FB4];
	_ =	sdelay $0x3  }
0x33: {  	p0 =	seq.s32 s10, $0x1;
	s10 =	sld [smem:$0x3FB6];
	_ =	sdelay $0x3  }
0x34: {  	[smem:$0x3FB6] =	sst s10  }
0x35: {  	s10 =	sld [smem:$0x3FB5];
	_ =	sdelay $0x3  }
0x36: {  	p1 =	seq.s32 s10, $0x1;
	s10 =	sld [smem:$0x3FB6];
	_ =	sdelay $0x3  }
0x37: {  	[smem:$0x3FB6] =	sst s10  }
0x38: {  	s10 =	sld [smem:$0x3FB7]  }
0x39: {  	_ = 	snop;
	(pc) =	sbr.ind lr, $3  }
0x3a: {  	_ = 	snop  }
0x3b: {  	_ = 	snop  }
0x3c: {  	p2 =	seq.s32 s10, $0x1;
	s10 =	sld [smem:$0x3FB6]  }
0x3d: {  	_ =	shalt  }
0x3e: {  	_ =	shalt  }
0x3f: {  	_ =	shalt  }
0x40: {  	_ =	shalt  }
0x41: {  	_ =	shalt  }
0x42: {  	_ =	shalt  }
0x43: {  	_ =	shalt  }
0x44: {  	_ =	shalt  }
0x45: {  	_ =	shalt  }
0x46: {  	_ =	shalt  }
0x47: {  	_ =	shalt  }
0x48: {  	_ =	shalt  }
0x49: {  	_ =	shalt  }
0x4a: {  	_ =	shalt  }
0x4b: {  	_ =	shalt  }
0x4c: {  	_ =	shalt  }
0x4d: {  	_ =	shalt  }
0x4e: {  	_ =	shalt  }
0x4f: {  	_ =	shalt  }
0x50: {  	_ =	shalt  }
0x51: {  	_ =	shalt  }
0x52: {  	_ =	shalt  }
0x53: {  	_ =	shalt  }
0x54: {  	_ =	shalt  }
0x55: {  	_ =	shalt  }
0x56: {  	_ =	shalt  }
0x57: {  	_ =	shalt  }
0x58: {  	_ =	shalt  }
0x59: {  	_ =	shalt  }
0x5a: {  	_ =	shalt  }
0x5b: {  	_ =	shalt  }
0x5c: {  	_ =	shalt  }
0x5d: {  	_ =	shalt  }
0x5e: {  	_ =	shalt  }
0x5f: {  	_ =	shalt  }
0x60: {  	_ =	shalt  }
0x61: {  	_ =	shalt  }
0x62: {  	_ =	shalt  }
0x63: {  	_ =	shalt  }
0x64: {  	_ =	shalt  }
0x65: {  	_ =	shalt  }
0x66: {  	_ =	shalt  }
0x67: {  	_ =	shalt  }
0x68: {  	_ =	shalt  }
0x69: {  	_ =	shalt  }
0x6a: {  	_ =	shalt  }
0x6b: {  	_ =	shalt  }
0x6c: {  	_ =	shalt  }
0x6d: {  	_ =	shalt  }
0x6e: {  	_ =	shalt  }
0x6f: {  	_ =	shalt  }
0x70: {  	_ =	shalt  }
0x71: {  	_ =	shalt  }
0x72: {  	_ =	shalt  }
0x73: {  	_ =	shalt  }
0x74: {  	_ =	shalt  }
0x75: {  	_ =	shalt  }
0x76: {  	_ =	shalt  }
0x77: {  	_ =	shalt  }
0x78: {  	_ =	shalt  }
0x79: {  	_ =	shalt  }
0x7a: {  	_ =	shalt  }
0x7b: {  	_ =	shalt  }
0x7c: {  	_ =	shalt  }
0x7d: {  	_ =	shalt  }
0x7e: {  	_ =	shalt  }
0x7f: {  	_ =	shalt  }
0x80: {  	_ =	shalt  }
0x81: {  	_ =	shalt  }
0x82: {  	_ =	shalt  }
0x83: {  	_ =	shalt  }
0x84: {  	_ =	shalt  }
0x85: {  	_ =	shalt  }
0x86: {  	_ =	shalt  }
0x87: {  	_ =	shalt  }
.Lfunc_end0:
.L_simem_size_0:
called_computation.1_lowered:
.L_overlay_start_0:
0x88: {  	s2 =	sld [smem:$0x3FD9]  }
0x89: {  	s3 =	sld [smem:$0x3FFE];
	_ =	sdelay $0x1  }
0x8a: {  	s1 =	srdreg.scid  }
0x8b: {  	s0 =	sand.u32 $0x1, s1  }
0x8c: {  	s17 =	sshll.u32 s0, $0xA;
	s2 =	sadd.s32 s3, s2  }
0x8d: {  	s2 =	sadd.s32 s2, s17  }
0x8e: {  	[smem:$0x3FC2] =	sst s2  }
0x8f: {  	_ = 	snop  }
0x90: {  	s2 =	sld [smem:$0x3FD0];
	(tm) =	ssettm $0x1  }
0x91: {  	s18 =	sld [smem:$0x3FFB];
	_ =	sdelay $0x3  }
0x92: {  	_ =	strace s18  }
0x93: {  	s3 =	sld [smem:$0x3FFC];
	_ =	sdelay $0x3  }
0x94: {  	_ =	strace s3  }
0x95: {  	s3 =	sld [smem:$0x3FFD];
	_ =	sdelay $0x3  }
0x96: {  	_ =	strace s3  }
0x97: {  	_ =	strace $0x8FFFFFFF  }
0x98: {  	s19 =	sld [smem:$0x3FDB];
	_ =	sdelay $0x1  }
0x99: {  	s4 =	simm.s32 $_scs_section_size  }
0x9a: {  	s5 =	simm.s32 $_size__tile_overlayer_lowered;
	s6 =	simm.s32 $_tile_overlayer_lowered  }
0x9b: {  	s22 =	simm.s32 $0x1BFF;
	s21 =	sshll.u32 s6, $0x1;
	s3 =	sadd.s32 s4, s19  }
0x9c: {  	s7 =	simm.s32 $0x0;
	s20 =	sshll.u32 s5, $0x1;
	s5 =	sadd.s32 s21, s3  }
0x9d: {  	[timem:s7], [sflag:s22] =	dma.local [hbm:s5], s20  }
0x9e: {  	_ =	swait.ge [sflag:s22], s20  }
0x9f: {  	s4 =	ssub.s32 $0x0, s20;
	[sflag:s22] =	ssyncset.done $0x0  }
0xa0: {  	[sflag:s22] =	ssyncadd.s32 s4;
	_ =	sdelay $0x1  }
0xa1: {  	s23 =	simm.s32 $0x1B8B  }
0xa2: {  	_ =	swait.ge [sflag:s23], $0x1  }
0xa3: {  	[sflag:s23] =	ssyncset.done $0x0  }
0xa4: {  	s25 =	simm.s32 $0x1B8E;
	s24 =	sld [smem:$0x3FFE];
	[sflag:s23] =	ssyncadd.s32 $0xFFFFFFFF  }
0xa5: {  	s26 =	simm.s32 $execute0_lowered;
	[smem:$0x3FD2] =	sst s25  }
0xa6: {  	s5 =	sshll.u32 s26, $0x1;
	_ =	strace $0x80000049;
	[dreg:$0x1] =	wrdreg $0xFFFFFFFF  }
0xa7: {  	s28 =	simm.s32 $_size_execute0_lowered;
	s3 =	sadd.s32 s3, s5;
	[dreg:$0x0] =	wrdreg $0x0  }
0xa8: {  	s5 =	sshll.u32 s28, $0x1;
	[dreg:$0x2] =	wrdreg s3  }
0xa9: {  	[dreg:$0x3] =	wrdreg s5  }
0xaa: {  	[dreg:$0x4] =	wrdreg $0xC0  }
0xab: {  	_ =	task [dreg:s7], $0x5FFFF  }
0xac: {  	[dreg:$0x1] =	wrdreg $0xFFFFFFFF  }
0xad: {  	[dreg:$0x0] =	wrdreg $0x60  }
0xae: {  	[dreg:$0x2] =	wrdreg s24  }
0xaf: {  	[dreg:$0x3] =	wrdreg s2  }
0xb0: {  	[dreg:$0x4] =	wrdreg $0x82000  }
0xb1: {  	[dreg:$0x5] =	wrdreg $0x9  }
0xb2: {  	_ =	task.clear_ibuf [dreg:s7], $0x6FFFF;
	_ =	strace $0x90000049  }
0xb3: {  	s29 =	simm.s32 $0x9;
	_ =	strace $0x8000004B  }
0xb4: {  	_ =	swait.ge [sflag:s29], $0x1  }
0xb5: {  	[sflag:s29] =	ssyncadd.s32 $0xFFFFFFFF  }
0xb6: {  	_ =	strace $0x9000004B  }
0xb7: {  	_ =	sfence  }
0xb8: {  	s30 =	sld [smem:$0x0];
	_ =	sdelay $0x2  }
0xb9: {  	s31 =	sshll.u32 s1, $0xD;
	s1 =	sshrl.u32 s1, $0x2  }
0xba: {  	s3 =	sand.u32 $0x4000, s31;
	s1 =	sadd.s32 s1, s30  }
0xbb: {  	s0 =	sor.u32 s3, s0;
	s1 =	sshll.u32 s1, $0x11  }
0xbc: {  	s0 =	sor.u32 s1, s0  }
0xbd: {  	s0 =	sadd.s32 $0x8F2B, s0  }
0xbe: {  	[sflag:s0] =	ssyncadd.remote.s32 $0x1  }
0xbf: {  	_ =	sfence.sel $0xFFFF  }
0xc0: {  	[dreg:$0x0] =	wrdreg $0xFFFFFFFF;
	(pc) =	sbr.abs _section_cstart, $3  }
0xc1: {  	[dreg:$0x1] =	wrdreg $0xFFFFFFFF  }
0xc2: {  	_ =	task.clear_ibuf [dreg:s7], $0x2FFFF;
	_ =	strace $0x9FFFFFFF  }
0xc3: {  	(tm) =	ssettm $0x7FFFFFFF  }
tec
execute0_lowered:
.L_overlay_start_1:
0x0: {  	(tag) =	ssettag $0x1  }
0x1: {  	s0 =	rddreg [dreg:$0x0]  }
0x2: {  	s16 =	rddreg [dreg:$0x1]  }
0x3: {  	s1 =	rddreg [dreg:$0x2]  }
0x4: {  	s3 =	simm.s32 $0x0;
	s5 =	srdreg.scid;
	s2 =	stileid.u32  }
0x5: {  	s19 =	simm.s32 $0x100;
	s20 =	simm.s32 $0x80;
	s28 =	simm.s32 $0x3  }
0x6: {  	s29 =	simm.s32 $0x6;
	s30 =	simm.s32 $0x4;
	s31 =	simm.s32 $0x0  }
0x7: {  	[smem:$0x7FF] =	sst s3;
	s4 =	sadd.s32 $0xA000, s0;
	s7 =	smul.u32 $0x2800, s2  }
0x8: {  	s6 =	sand.u32 $0x1, s5;
	s21 =	sadd.s32 $0x32000, s0;
	s10 =	smul.u32 $0x50000, s2  }
0x9: {  	s25 =	sshll.u32 s2, $0x6;
	_ =	strace $0x8000004A;
	[dreg:$0x4] =	wrdreg s21  }
0xa: {  	s8 =	smul.u32 $0x28000, s6;
	s9 =	sshll.u32 s6, $0x4;
	s6 =	ssub.s32 $0x2, s6  }
0xb: {  	s21 =	simm.s32 $0x180;
	s9 =	sor.u32 s2, s9;
	s22 =	sshrl.u32 s6, $0x1  }
0xc: {  	s24 =	sshrl.u32 s10, $0x2;
	s12 =	sadd.s32 s7, s8;
	s23 =	smul.u32 $0x2800, s9  }
0xd: {  	s13 =	ssub.s32 s6, s22;
	s17 =	sadd.s32 s24, s1;
	s6 =	sor.u32 $0x1C07, s25  }
0xe: {  	s22 =	simm.s32 $0x1;
	s24 =	simm.s32 $0x2;
	s25 =	simm.s32 $0x4200  }
0xf: {  	s11 =	sadd.s32 s12, s0;
	s14 =	sor.u32 $0x180, s12;
	s15 =	sor.u32 $0x100, s12  }
0x10: {  	s12 =	smax.u32 s13, $0x1;
	s17 =	sshrl.u32 s17, $0x3;
	s8 =	sshrl.u32 s23, $0x3  }
0x11: {  	s11 =	sadd.s32 $0x34800, s11;
	s14 =	sshrl.u32 s14, $0x3;
	s18 =	sshrl.u32 s15, $0x3  }
0x12: {  	s23 =	simm.s32 $0x200;
	s7 =	sadd.s32 s16, s8;
	s26 =	sor.u32 $0x10, s8  }
0x13: {  	s8 =	sadd.s32 s0, s8;
	s13 =	sadd.s32 s14, s0;
	s14 =	sadd.s32 s14, s16  }
0x14: {  	s15 =	sadd.s32 s18, s0;
	s9 =	sadd.s32 s16, s26;
	s10 =	sadd.s32 s0, s26  }
0x15: {  	s16 =	sadd.s32 s18, s16;
	s18 =	simm.s32 $0x7;
	s26 =	simm.s32 $0x5  }
.LBB2_1:
0x16: {  	s0 =	rddreg [dreg:$0x4]  }
0x17: {  	[spmem:s17], [sflag:s6] =	dma.local [hbm:s0], $0x2800  }
0x18: {  	_ =	swait.ge [sflag:s18], $0x2800  }
0x19: {  	[sflag:s18] =	ssyncset.done $0x0  }
0x1a: {  	[sflag:s18] =	ssyncadd.s32 $0xFFFFD800  }
0x1b: {  	[bflag:$0x0] =	sbarrier.arrive $0xFFFF  }
0x1c: {  	[tilespmem:s3], [sflag:$0x1] =	stream.linear.gather [hbm4b:s7+s3], $0x80, $0x38;
	[tilespmem:$0x1C200] =	vst v63  }
0x1d: {  	_ = 	snop  }
0x1e: {  	[tilespmem:s19], [sflag:$0x3] =	stream.linear.gather [hbm4b:s8+s3], $0x80, $0x38;
	[tilespmem:$0x1C200] =	vst v63  }
0x1f: {  	_ = 	snop  }
0x20: {  	[tilespmem:s20], [sflag:$0x2] =	stream.linear.gather [hbm4b:s9+s3], $0x80, $0x38;
	[tilespmem:$0x1C200] =	vst v63  }
0x21: {  	_ = 	snop  }
0x22: {  	[tilespmem:s21], [sflag:$0x4] =	stream.linear.gather [hbm4b:s10+s3], $0x80, $0x38;
	[tilespmem:$0x1C200] =	vst v63  }
0x23: {  	_ =	swait.ge [sflag:s22], $0x80  }
0x24: {  	[sflag:s22] =	ssyncset.done $0x0  }
0x25: {  	[sflag:s22] =	ssyncadd.s32 $0xFFFFFF80  }
0x26: {  	[tilespmem:s23], [sflag:$0x5] =	stream.indirect.gather [hbm4b:s4+s20], $0x80, s3, s20, $0xb8;
	[tilespmem:$0x1C200] =	vst v63  }
0x27: {  	_ =	swait.ge [sflag:s24], $0x80  }
0x28: {  	[sflag:s24] =	ssyncset.done $0x0  }
0x29: {  	[sflag:s24] =	ssyncadd.s32 $0xFFFFFF80  }
0x2a: {  	[tilespmem:s25], [sflag:$0x6] =	stream.indirect.gather [hbm4b:s4+s20], $0x80, s20, s20, $0xb8;
	[tilespmem:$0x1C200] =	vst v63  }
0x2b: {  	_ =	swait.ge [sflag:s26], $0x4000  }
0x2c: {  	[sflag:s26] =	ssyncset.done $0x0  }
0x2d: {  	s2 =	sadd.s32 $0x0, s16;
	[sflag:s26] =	ssyncadd.s32 $0xFFFFC000  }
0x2e: {  	[tilespmem:s3], [sflag:$0x1] =	stream.linear.gather [hbm4b:s2+s3], $0x80, $0x38;
	[tilespmem:$0x1C200] =	vst v63  }
0x2f: {  	_ =	swait.ge [sflag:s28], $0x80  }
0x30: {  	[sflag:s28] =	ssyncset.done $0x0  }
0x31: {  	[sflag:s28] =	ssyncadd.s32 $0xFFFFFF80  }
0x32: {  	[spmem:s1] =	stream.indirect.scatter.add.f32 [tilespmem:s23], [sflag:$0x7], $0x80, s19, s20, $0xb8;
	[tilespmem:$0x1C200] =	vst v63  }
0x33: {  	_ =	swait.ge [sflag:s18], $0x4000  }
0x34: {  	[sflag:s18] =	ssyncset.done $0x0  }
0x35: {  	s5 =	sadd.s32 $0x0, s15;
	[sflag:s18] =	ssyncadd.s32 $0xFFFFC000  }
0x36: {  	[tilespmem:s19], [sflag:$0x3] =	stream.linear.gather [hbm4b:s5+s3], $0x80, $0x38;
	[tilespmem:$0x1C200] =	vst v63  }
0x37: {  	_ =	swait.ge [sflag:s22], $0x80  }
0x38: {  	[sflag:s22] =	ssyncset.done $0x0  }
0x39: {  	[sflag:s22] =	ssyncadd.s32 $0xFFFFFF80  }
0x3a: {  	[tilespmem:s23], [sflag:$0x5] =	stream.indirect.gather [hbm4b:s4+s20], $0x80, s3, s20, $0xb8;
	[tilespmem:$0x1C200] =	vst v63  }
0x3b: {  	_ =	swait.ge [sflag:s29], $0x4000  }
0x3c: {  	[sflag:s29] =	ssyncset.done $0x0  }
0x3d: {  	s2 =	sadd.s32 $0x0, s14;
	[sflag:s29] =	ssyncadd.s32 $0xFFFFC000  }
0x3e: {  	[tilespmem:s20], [sflag:$0x2] =	stream.linear.gather [hbm4b:s2+s3], $0x80, $0x38;
	[tilespmem:$0x1C200] =	vst v63  }
0x3f: {  	_ =	swait.ge [sflag:s30], $0x80  }
0x40: {  	[sflag:s30] =	ssyncset.done $0x0  }
0x41: {  	[sflag:s30] =	ssyncadd.s32 $0xFFFFFF80  }
0x42: {  	[spmem:s1] =	stream.indirect.scatter.add.f32 [tilespmem:s25], [sflag:$0x7], $0x80, s21, s20, $0xb8;
	[tilespmem:$0x1C200] =	vst v63  }
0x43: {  	_ =	swait.ge [sflag:s18], $0x4000  }
0x44: {  	[sflag:s18] =	ssyncset.done $0x0  }
0x45: {  	s5 =	sadd.s32 $0x0, s13;
	[sflag:s18] =	ssyncadd.s32 $0xFFFFC000  }
0x46: {  	[tilespmem:s21], [sflag:$0x4] =	stream.linear.gather [hbm4b:s5+s3], $0x80, $0x38;
	[tilespmem:$0x1C200] =	vst v63  }
0x47: {  	_ =	swait.ge [sflag:s24], $0x80  }
0x48: {  	[sflag:s24] =	ssyncset.done $0x0  }
0x49: {  	s0 =	simm.s32 $0x20;
	[sflag:s24] =	ssyncadd.s32 $0xFFFFFF80  }
.LBB2_2:
0x4a: {  	[tilespmem:s25], [sflag:$0x6] =	stream.indirect.gather [hbm4b:s4+s20], $0x80, s20, s20, $0xb8;
	[tilespmem:$0x1C200] =	vst v63  }
0x4b: {  	s2 =	smov.u32 s0  }
0x4c: {  	p0 =	sne.s32 s0, $0x4C0;
	s0 =	sadd.s32 $0x20, s0;
	_ =	swait.ge [sflag:s26], $0x4000  }
0x4d: {  	[sflag:s26] =	ssyncset.done $0x0  }
0x4e: {  	s5 =	sadd.s32 s2, s16;
	[sflag:s26] =	ssyncadd.s32 $0xFFFFC000  }
0x4f: {  	[tilespmem:s3], [sflag:$0x1] =	stream.linear.gather [hbm4b:s5+s3], $0x80, $0x38;
	[tilespmem:$0x1C200] =	vst v63  }
0x50: {  	_ =	swait.ge [sflag:s28], $0x80  }
0x51: {  	[sflag:s28] =	ssyncset.done $0x0  }
0x52: {  	[sflag:s28] =	ssyncadd.s32 $0xFFFFFF80  }
0x53: {  	[spmem:s1] =	stream.indirect.scatter.add.f32 [tilespmem:s23], [sflag:$0x7], $0x80, s19, s20, $0xb8;
	[tilespmem:$0x1C200] =	vst v63  }
0x54: {  	_ =	swait.ge [sflag:s18], $0x4000  }
0x55: {  	[sflag:s18] =	ssyncset.done $0x0  }
0x56: {  	s5 =	sadd.s32 s2, s15;
	[sflag:s18] =	ssyncadd.s32 $0xFFFFC000  }
0x57: {  	[tilespmem:s19], [sflag:$0x3] =	stream.linear.gather [hbm4b:s5+s3], $0x80, $0x38;
	[tilespmem:$0x1C200] =	vst v63  }
0x58: {  	_ =	swait.ge [sflag:s22], $0x80  }
0x59: {  	[sflag:s22] =	ssyncset.done $0x0  }
0x5a: {  	[sflag:s22] =	ssyncadd.s32 $0xFFFFFF80  }
0x5b: {  	[tilespmem:s23], [sflag:$0x5] =	stream.indirect.gather [hbm4b:s4+s20], $0x80, s3, s20, $0xb8;
	[tilespmem:$0x1C200] =	vst v63  }
0x5c: {  	_ =	swait.ge [sflag:s29], $0x4000  }
0x5d: {  	[sflag:s29] =	ssyncset.done $0x0  }
0x5e: {  	s5 =	sadd.s32 s2, s14;
	[sflag:s29] =	ssyncadd.s32 $0xFFFFC000  }
0x5f: {  	[tilespmem:s20], [sflag:$0x2] =	stream.linear.gather [hbm4b:s5+s3], $0x80, $0x38;
	[tilespmem:$0x1C200] =	vst v63  }
0x60: {  	_ =	swait.ge [sflag:s30], $0x80  }
0x61: {  	[sflag:s30] =	ssyncset.done $0x0  }
0x62: {  	[sflag:s30] =	ssyncadd.s32 $0xFFFFFF80  }
0x63: {  	[spmem:s1] =	stream.indirect.scatter.add.f32 [tilespmem:s25], [sflag:$0x7], $0x80, s21, s20, $0xb8;
	[tilespmem:$0x1C200] =	vst v63  }
0x64: {  	_ =	swait.ge [sflag:s18], $0x4000  }
0x65: {  	[sflag:s18] =	ssyncset.done $0x0  }
.Ltmp0:
0x66: {  	s2 =	sadd.s32 s2, s13;
	[sflag:s18] =	ssyncadd.s32 $0xFFFFC000;
	(pc) =	sbr.rel @p0 .LBB2_2-.Ltmp0, $4  }
0x67: {  	[tilespmem:s21], [sflag:$0x4] =	stream.linear.gather [hbm4b:s2+s3], $0x80, $0x38;
	[tilespmem:$0x1C200] =	vst v63  }
0x68: {  	_ =	swait.ge [sflag:s24], $0x80  }
0x69: {  	[sflag:s24] =	ssyncset.done $0x0  }
0x6a: {  	[sflag:s24] =	ssyncadd.s32 $0xFFFFFF80  }
0x6b: {  	[tilespmem:s25], [sflag:$0x6] =	stream.indirect.gather [hbm4b:s4+s20], $0x80, s20, s20, $0xb8;
	[tilespmem:$0x1C200] =	vst v63  }
0x6c: {  	_ =	swait.ge [sflag:s26], $0x4000  }
0x6d: {  	[sflag:s26] =	ssyncset.done $0x0  }
0x6e: {  	[sflag:s26] =	ssyncadd.s32 $0xFFFFC000  }
0x6f: {  	_ =	swait.ge [sflag:s28], $0x80  }
0x70: {  	[sflag:s28] =	ssyncset.done $0x0  }
0x71: {  	[sflag:s28] =	ssyncadd.s32 $0xFFFFFF80  }
0x72: {  	[spmem:s1] =	stream.indirect.scatter.add.f32 [tilespmem:s23], [sflag:$0x7], $0x80, s19, s20, $0xb8;
	[tilespmem:$0x1C200] =	vst v63  }
0x73: {  	_ =	swait.ge [sflag:s18], $0x4000  }
0x74: {  	[sflag:s18] =	ssyncset.done $0x0  }
0x75: {  	[sflag:s18] =	ssyncadd.s32 $0xFFFFC000  }
0x76: {  	_ =	swait.ge [sflag:s29], $0x4000  }
0x77: {  	[sflag:s29] =	ssyncset.done $0x0  }
0x78: {  	[sflag:s29] =	ssyncadd.s32 $0xFFFFC000  }
0x79: {  	_ =	swait.ge [sflag:s30], $0x80  }
0x7a: {  	[sflag:s30] =	ssyncset.done $0x0  }
0x7b: {  	[sflag:s30] =	ssyncadd.s32 $0xFFFFFF80  }
0x7c: {  	[spmem:s1] =	stream.indirect.scatter.add.f32 [tilespmem:s25], [sflag:$0x7], $0x80, s21, s20, $0xb8;
	[tilespmem:$0x1C200] =	vst v63  }
0x7d: {  	_ =	swait.ge [sflag:s18], $0x4000  }
0x7e: {  	s31 =	sadd.s32 $0x1, s31;
	[sflag:s18] =	ssyncset.done $0x0  }
0x7f: {  	p0 =	sne.s32 s31, s12;
	[sflag:s18] =	ssyncadd.s32 $0xFFFFC000  }
.Ltmp1:
0x80: {  	[bflag:$0x0] =	sbarrier.arrive $0xFFFF;
	(pc) =	sbr.rel @p0 .LBB2_1-.Ltmp1, $4  }
0x81: {  	[hbm:s11], [sflag:s6] =	dma.local [spmem:s17], $0x2800  }
0x82: {  	_ =	swait.ge [sflag:s18], $0x2800  }
0x83: {  	[sflag:s18] =	ssyncset.done $0x0  }
0x84: {  	[sflag:s18] =	ssyncadd.s32 $0xFFFFD800  }
0x85: {  	_ =	sfence.sel $0x180000  }
0x86: {  	[bflag:$0x0] =	sbarrier.arrive $0xFFFF  }
0x87: {  	_ =	strace $0x9000004A  }
0x88: {  	s0 =	stileid.u32;
	[bflag:$0x2] =	sbarrier.arrive $0xFFFF  }
0x89: {  	p0 =	sne.s32 s0, $0x0;
	s0 =	rddreg [dreg:$0x3]  }
0x8a: {  	s0 =	sadd.s32 @!p0 $0x100000, s0  }
0x8b: {  	[sflag:s0] =	ssyncadd.tile.s32 @!p0 $0x1;
	_ =	shalt  }
.Lfunc_end2:
_tile_overlayer_lowered:
.L_overlay_start_2:
0x8c: {  	(tag) =	ssettag $0x2  }
0x8d: {  	s0 =	rddreg [dreg:$0x0];
	s2 =	stileid.u32  }
0x8e: {  	s1 =	rddreg [dreg:$0x1];
	p0 =	sne.s32 s2, $0x0  }
0x8f: {  	s3 =	rddreg [dreg:$0x2];
	[bflag:$0x3] =	sbarrier.arrive $0xFFFF;
	s2 =	simm.s32 @!p0 $0x1C07  }
0x90: {  	[timem:s3], [sflag:s2] =	dma.local @!p0 [hbm:s0], s1  }
0x91: {  	s0 =	simm.s32 @!p0 $0x7  }
0x92: {  	_ =	swait.ge @!p0 [sflag:s0], s1  }
0x93: {  	s1 =	ssub.s32 @!p0 $0x0, s1;
	[sflag:s0] =	ssyncset.done @!p0 $0x0  }
0x94: {  	[sflag:s0] =	ssyncadd.s32 @!p0 s1  }
0x95: {  	[bflag:$0x3] =	sbarrier.arrive $0xFFFF  }
0x96: {  	_ =	shalt  }

// kernel: kernel.14.cloned.1.call-start
scs
__scs_entry_jumppad:
0x0: {  	(pc) =	sbr.rel $0x88, $3  }
0x1: {  	(tag) =	ssettag $0x0;
	lr =	simm.s32 $0x1  }
0x2: {  	[smem:$0x3F9B] =	sst lr;
	_ =	strace $0xD0000000  }
0x3: {  	_ = 	snop  }
0x4: {  	_ = 	snop  }
0x5: {  	_ = 	snop  }
0x6: {  	_ = 	snop  }
0x7: {  	_ = 	snop  }
__scs_overlays_trampoline_lowered:
0x8: {  	[smem:$0x3FAA] =	sst s0  }
0x9: {  	[smem:$0x3FAB] =	sst s1  }
0xa: {  	[smem:$0x3FAC] =	sst s2  }
0xb: {  	[smem:$0x3FAD] =	sst s3  }
0xc: {  	[smem:$0x3FAE] =	sst s4  }
0xd: {  	[smem:$0x3FAF] =	sst s5  }
0xe: {  	[smem:$0x3FB0] =	sst s6  }
0xf: {  	[smem:$0x3FB1] =	sst s7  }
0x10: {  	[smem:$0x3FB2] =	sst s8  }
0x11: {  	[smem:$0x3FB3] =	sst s9;
	s0 =	simm.s32 @!p0 $0x0  }
0x12: {  	s1 =	sld [smem:$0x3F99];
	s0 =	simm.s32 @p0 $0x1  }
0x13: {  	[smem:$0x3FB4] =	sst s0;
	s0 =	simm.s32 @!p1 $0x0  }
0x14: {  	s2 =	sld [smem:$0x3F98];
	s0 =	simm.s32 @p1 $0x1  }
0x15: {  	[smem:$0x3FB5] =	sst s0;
	s0 =	simm.s32 @!p2 $0x0  }
0x16: {  	s3 =	sld [smem:$0x3FDB];
	s0 =	simm.s32 @p2 $0x1  }
0x17: {  	s4 =	simm.s32 $0x1BF5;
	[smem:$0x3FB7] =	sst s0  }
0x18: {  	s0 =	sld [smem:$0x3F9A];
	_ =	swait.ge [sflag:s4], $0x0  }
0x19: {  	s7 =	sld [smem:$0x3F9B]  }
0x1a: {  	s8 =	sadd.s32 $0xFFFFE003, lr  }
0x1b: {  	s9 =	sadd.s32 $0xFFFFFEF7, lr;
	s5 =	simm.s32 $0xFFFFFFFF;
	p2 =	slt.u32 s8, $0xFFFFF086  }
0x1c: {  	p1 =	slt.u32 s9, $0xF7A;
	s5 =	simm.s32 @!p2 $0x0  }
0x1d: {  	s5 =	simm.s32 @p1 $0x1;
	p0 =	seq.s32 s7, s2  }
0x1e: {  	s7 =	smul.u32 @!p0 $0xF7A, s2;
	p2 =	seq.s32 @!p0 s5, $0x0  }
0x1f: {  	s9 =	smul.u32 $0xF7A, s1;
	s8 =	simm.s32 @!p0 $0x1BF5;
	p2 =	por !p2, p0  }
0x20: {  	[sflag:s8] =	ssyncset.s32 @!p0 $0xFFFFF086;
	s6 =	sadd.s32 @!p0 s3, s7;
	s7 =	simm.s32 @!p0 $0x108  }
0x21: {  	s3 =	sadd.s32 s3, s9;
	s6 =	sadd.s32 @!p0 $0x88, s6;
	s7 =	simm.s32 @p2 $0x1082  }
0x22: {  	[simem:s7], [sflag:s8] =	dma.local @!p0 [hbm:s6], $0xF7A  }
0x23: {  	s9 =	sor.u32 $0xD0000000, s2;
	s6 =	simm.s32 $0x108;
	_ =	swait.ge @!p0 [sflag:s8], $0x0  }
0x24: {  	s3 =	sadd.s32 $0x88, s3;
	s6 =	simm.s32 @!p1 $0x1082;
	[sflag:s4] =	ssyncset.s32 $0xFFFFF086  }
0x25: {  	[simem:s6], [sflag:s4] =	dma.local [hbm:s3], $0xF7A  }
0x26: {  	[smem:$0x3F9B] =	sst s1;
	(tag) =	ssettag s2;
	_ =	strace s9  }
0x27: {  	s1 =	sld [smem:$0x3FAB]  }
0x28: {  	s2 =	sld [smem:$0x3FAC]  }
0x29: {  	s4 =	sld [smem:$0x3FAE]  }
0x2a: {  	p0 =	seq.s32 s5, $0x0;
	s5 =	sld [smem:$0x3FAF]  }
0x2b: {  	s6 =	sld [smem:$0x3FB0]  }
0x2c: {  	s7 =	sld [smem:$0x3FB1]  }
0x2d: {  	s3 =	simm.s32 $0x108;
	s8 =	sld [smem:$0x3FB2]  }
0x2e: {  	s3 =	simm.s32 @!p0 $0x1082;
	s9 =	sld [smem:$0x3FB3]  }
0x2f: {  	lr =	sadd.s32 s0, s3;
	s0 =	sld [smem:$0x3FAA]  }
0x30: {  	s3 =	sld [smem:$0x3FAD]  }
0x31: {  	[smem:$0x3FB6] =	sst s10  }
0x32: {  	s10 =	sld [smem:$0x3FB4];
	_ =	sdelay $0x3  }
0x33: {  	p0 =	seq.s32 s10, $0x1;
	s10 =	sld [smem:$0x3FB6];
	_ =	sdelay $0x3  }
0x34: {  	[smem:$0x3FB6] =	sst s10  }
0x35: {  	s10 =	sld [smem:$0x3FB5];
	_ =	sdelay $0x3  }
0x36: {  	p1 =	seq.s32 s10, $0x1;
	s10 =	sld [smem:$0x3FB6];
	_ =	sdelay $0x3  }
0x37: {  	[smem:$0x3FB6] =	sst s10  }
0x38: {  	s10 =	sld [smem:$0x3FB7]  }
0x39: {  	_ = 	snop;
	(pc) =	sbr.ind lr, $3  }
0x3a: {  	_ = 	snop  }
0x3b: {  	_ = 	snop  }
0x3c: {  	p2 =	seq.s32 s10, $0x1;
	s10 =	sld [smem:$0x3FB6]  }
0x3d: {  	_ =	shalt  }
0x3e: {  	_ =	shalt  }
0x3f: {  	_ =	shalt  }
0x40: {  	_ =	shalt  }
0x41: {  	_ =	shalt  }
0x42: {  	_ =	shalt  }
0x43: {  	_ =	shalt  }
0x44: {  	_ =	shalt  }
0x45: {  	_ =	shalt  }
0x46: {  	_ =	shalt  }
0x47: {  	_ =	shalt  }
0x48: {  	_ =	shalt  }
0x49: {  	_ =	shalt  }
0x4a: {  	_ =	shalt  }
0x4b: {  	_ =	shalt  }
0x4c: {  	_ =	shalt  }
0x4d: {  	_ =	shalt  }
0x4e: {  	_ =	shalt  }
0x4f: {  	_ =	shalt  }
0x50: {  	_ =	shalt  }
0x51: {  	_ =	shalt  }
0x52: {  	_ =	shalt  }
0x53: {  	_ =	shalt  }
0x54: {  	_ =	shalt  }
0x55: {  	_ =	shalt  }
0x56: {  	_ =	shalt  }
0x57: {  	_ =	shalt  }
0x58: {  	_ =	shalt  }
0x59: {  	_ =	shalt  }
0x5a: {  	_ =	shalt  }
0x5b: {  	_ =	shalt  }
0x5c: {  	_ =	shalt  }
0x5d: {  	_ =	shalt  }
0x5e: {  	_ =	shalt  }
0x5f: {  	_ =	shalt  }
0x60: {  	_ =	shalt  }
0x61: {  	_ =	shalt  }
0x62: {  	_ =	shalt  }
0x63: {  	_ =	shalt  }
0x64: {  	_ =	shalt  }
0x65: {  	_ =	shalt  }
0x66: {  	_ =	shalt  }
0x67: {  	_ =	shalt  }
0x68: {  	_ =	shalt  }
0x69: {  	_ =	shalt  }
0x6a: {  	_ =	shalt  }
0x6b: {  	_ =	shalt  }
0x6c: {  	_ =	shalt  }
0x6d: {  	_ =	shalt  }
0x6e: {  	_ =	shalt  }
0x6f: {  	_ =	shalt  }
0x70: {  	_ =	shalt  }
0x71: {  	_ =	shalt  }
0x72: {  	_ =	shalt  }
0x73: {  	_ =	shalt  }
0x74: {  	_ =	shalt  }
0x75: {  	_ =	shalt  }
0x76: {  	_ =	shalt  }
0x77: {  	_ =	shalt  }
0x78: {  	_ =	shalt  }
0x79: {  	_ =	shalt  }
0x7a: {  	_ =	shalt  }
0x7b: {  	_ =	shalt  }
0x7c: {  	_ =	shalt  }
0x7d: {  	_ =	shalt  }
0x7e: {  	_ =	shalt  }
0x7f: {  	_ =	shalt  }
0x80: {  	_ =	shalt  }
0x81: {  	_ =	shalt  }
0x82: {  	_ =	shalt  }
0x83: {  	_ =	shalt  }
0x84: {  	_ =	shalt  }
0x85: {  	_ =	shalt  }
0x86: {  	_ =	shalt  }
0x87: {  	_ =	shalt  }
.Lfunc_end0:
.L_simem_size_0:
called_computation.2_lowered:
.L_overlay_start_0:
0x88: {  	s2 =	sld [smem:$0x3FD9]  }
0x89: {  	s3 =	sld [smem:$0x3FFE];
	_ =	sdelay $0x1  }
0x8a: {  	s1 =	srdreg.scid  }
0x8b: {  	s0 =	sand.u32 $0x1, s1  }
0x8c: {  	s17 =	sshll.u32 s0, $0xA;
	s2 =	sadd.s32 s3, s2  }
0x8d: {  	s2 =	sadd.s32 s2, s17  }
0x8e: {  	[smem:$0x3FC2] =	sst s2  }
0x8f: {  	_ = 	snop  }
0x90: {  	s2 =	sld [smem:$0x3FD0];
	(tm) =	ssettm $0x1  }
0x91: {  	s18 =	sld [smem:$0x3FFB];
	_ =	sdelay $0x3  }
0x92: {  	_ =	strace s18  }
0x93: {  	s3 =	sld [smem:$0x3FFC];
	_ =	sdelay $0x3  }
0x94: {  	_ =	strace s3  }
0x95: {  	s3 =	sld [smem:$0x3FFD];
	_ =	sdelay $0x3  }
0x96: {  	_ =	strace s3  }
0x97: {  	_ =	strace $0x8FFFFFFF  }
0x98: {  	s19 =	sld [smem:$0x3FDB];
	_ =	sdelay $0x1  }
0x99: {  	s4 =	simm.s32 $_scs_section_size  }
0x9a: {  	s5 =	simm.s32 $_size__tile_overlayer_lowered;
	s6 =	simm.s32 $_tile_overlayer_lowered  }
0x9b: {  	s22 =	simm.s32 $0x1BFF;
	s21 =	sshll.u32 s6, $0x1;
	s3 =	sadd.s32 s4, s19  }
0x9c: {  	s7 =	simm.s32 $0x0;
	s20 =	sshll.u32 s5, $0x1;
	s5 =	sadd.s32 s21, s3  }
0x9d: {  	[timem:s7], [sflag:s22] =	dma.local [hbm:s5], s20  }
0x9e: {  	_ =	swait.ge [sflag:s22], s20  }
0x9f: {  	s4 =	ssub.s32 $0x0, s20;
	[sflag:s22] =	ssyncset.done $0x0  }
0xa0: {  	[sflag:s22] =	ssyncadd.s32 s4;
	_ =	sdelay $0x1  }
0xa1: {  	s23 =	simm.s32 $0x1B8B  }
0xa2: {  	_ =	swait.ge [sflag:s23], $0x1  }
0xa3: {  	[sflag:s23] =	ssyncset.done $0x0  }
0xa4: {  	s25 =	simm.s32 $0x1B8E;
	s24 =	sld [smem:$0x3FFE];
	[sflag:s23] =	ssyncadd.s32 $0xFFFFFFFF  }
0xa5: {  	s26 =	simm.s32 $execute0_lowered;
	[smem:$0x3FD2] =	sst s25  }
0xa6: {  	s5 =	sshll.u32 s26, $0x1;
	_ =	strace $0x8000004C;
	[dreg:$0x1] =	wrdreg $0xFFFFFFFF  }
0xa7: {  	s28 =	simm.s32 $_size_execute0_lowered;
	s3 =	sadd.s32 s3, s5;
	[dreg:$0x0] =	wrdreg $0x0  }
0xa8: {  	s5 =	sshll.u32 s28, $0x1;
	[dreg:$0x2] =	wrdreg s3  }
0xa9: {  	[dreg:$0x3] =	wrdreg s5  }
0xaa: {  	[dreg:$0x4] =	wrdreg $0xC0  }
0xab: {  	_ =	task [dreg:s7], $0x5FFFF  }
0xac: {  	[dreg:$0x1] =	wrdreg $0xFFFFFFFF  }
0xad: {  	[dreg:$0x0] =	wrdreg $0x60  }
0xae: {  	[dreg:$0x2] =	wrdreg s24  }
0xaf: {  	[dreg:$0x3] =	wrdreg s2  }
0xb0: {  	[dreg:$0x4] =	wrdreg $0x82000  }
0xb1: {  	[dreg:$0x5] =	wrdreg $0x9  }
0xb2: {  	_ =	task.clear_ibuf [dreg:s7], $0x6FFFF;
	_ =	strace $0x9000004C  }
0xb3: {  	s29 =	simm.s32 $0x9;
	_ =	strace $0x8000004E  }
0xb4: {  	_ =	swait.ge [sflag:s29], $0x1  }
0xb5: {  	[sflag:s29] =	ssyncadd.s32 $0xFFFFFFFF  }
0xb6: {  	_ =	strace $0x9000004E  }
0xb7: {  	_ =	sfence  }
0xb8: {  	s30 =	sld [smem:$0x0];
	_ =	sdelay $0x2  }
0xb9: {  	s31 =	sshll.u32 s1, $0xD;
	s1 =	sshrl.u32 s1, $0x2  }
0xba: {  	s3 =	sand.u32 $0x4000, s31;
	s1 =	sadd.s32 s1, s30  }
0xbb: {  	s0 =	sor.u32 s3, s0;
	s1 =	sshll.u32 s1, $0x11  }
0xbc: {  	s0 =	sor.u32 s1, s0  }
0xbd: {  	s0 =	sadd.s32 $0x8F2B, s0  }
0xbe: {  	[sflag:s0] =	ssyncadd.remote.s32 $0x1  }
0xbf: {  	_ =	sfence.sel $0xFFFF  }
0xc0: {  	[dreg:$0x0] =	wrdreg $0xFFFFFFFF;
	(pc) =	sbr.abs _section_cstart, $3  }
0xc1: {  	[dreg:$0x1] =	wrdreg $0xFFFFFFFF  }
0xc2: {  	_ =	task.clear_ibuf [dreg:s7], $0x2FFFF;
	_ =	strace $0x9FFFFFFF  }
0xc3: {  	(tm) =	ssettm $0x7FFFFFFF  }
tec
execute0_lowered:
.L_overlay_start_1:
0x0: {  	(tag) =	ssettag $0x1  }
0x1: {  	s0 =	rddreg [dreg:$0x0]  }
0x2: {  	s16 =	rddreg [dreg:$0x1]  }
0x3: {  	s1 =	rddreg [dreg:$0x2]  }
0x4: {  	s3 =	simm.s32 $0x0;
	s5 =	srdreg.scid;
	s2 =	stileid.u32  }
0x5: {  	s19 =	simm.s32 $0x100;
	s20 =	simm.s32 $0x80;
	s28 =	simm.s32 $0x3  }
0x6: {  	s29 =	simm.s32 $0x6;
	s30 =	simm.s32 $0x4;
	s31 =	simm.s32 $0x0  }
0x7: {  	[smem:$0x7FF] =	sst s3;
	s4 =	sadd.s32 $0xA000, s0;
	s7 =	smul.u32 $0x2800, s2  }
0x8: {  	s6 =	sand.u32 $0x1, s5;
	s21 =	sadd.s32 $0x32000, s0;
	s10 =	smul.u32 $0x50000, s2  }
0x9: {  	s25 =	sshll.u32 s2, $0x6;
	_ =	strace $0x8000004D;
	[dreg:$0x4] =	wrdreg s21  }
0xa: {  	s8 =	smul.u32 $0x28000, s6;
	s9 =	sshll.u32 s6, $0x4;
	s6 =	ssub.s32 $0x2, s6  }
0xb: {  	s21 =	simm.s32 $0x180;
	s9 =	sor.u32 s2, s9;
	s22 =	sshrl.u32 s6, $0x1  }
0xc: {  	s24 =	sshrl.u32 s10, $0x2;
	s12 =	sadd.s32 s7, s8;
	s23 =	smul.u32 $0x2800, s9  }
0xd: {  	s13 =	ssub.s32 s6, s22;
	s17 =	sadd.s32 s24, s1;
	s6 =	sor.u32 $0x1C07, s25  }
0xe: {  	s22 =	simm.s32 $0x1;
	s24 =	simm.s32 $0x2;
	s25 =	simm.s32 $0x4200  }
0xf: {  	s11 =	sadd.s32 s12, s0;
	s14 =	sor.u32 $0x180, s12;
	s15 =	sor.u32 $0x100, s12  }
0x10: {  	s12 =	smax.u32 s13, $0x1;
	s17 =	sshrl.u32 s17, $0x3;
	s8 =	sshrl.u32 s23, $0x3  }
0x11: {  	s11 =	sadd.s32 $0x34800, s11;
	s14 =	sshrl.u32 s14, $0x3;
	s18 =	sshrl.u32 s15, $0x3  }
0x12: {  	s23 =	simm.s32 $0x200;
	s7 =	sadd.s32 s16, s8;
	s26 =	sor.u32 $0x10, s8  }
0x13: {  	s8 =	sadd.s32 s0, s8;
	s13 =	sadd.s32 s14, s0;
	s14 =	sadd.s32 s14, s16  }
0x14: {  	s15 =	sadd.s32 s18, s0;
	s9 =	sadd.s32 s16, s26;
	s10 =	sadd.s32 s0, s26  }
0x15: {  	s16 =	sadd.s32 s18, s16;
	s18 =	simm.s32 $0x7;
	s26 =	simm.s32 $0x5  }
.LBB2_1:
0x16: {  	s0 =	rddreg [dreg:$0x4]  }
0x17: {  	[spmem:s17], [sflag:s6] =	dma.local [hbm:s0], $0x2800  }
0x18: {  	_ =	swait.ge [sflag:s18], $0x2800  }
0x19: {  	[sflag:s18] =	ssyncset.done $0x0  }
0x1a: {  	[sflag:s18] =	ssyncadd.s32 $0xFFFFD800  }
0x1b: {  	[bflag:$0x0] =	sbarrier.arrive $0xFFFF  }
0x1c: {  	[tilespmem:s3], [sflag:$0x1] =	stream.linear.gather [hbm4b:s7+s3], $0x80, $0x38;
	[tilespmem:$0x1C200] =	vst v63  }
0x1d: {  	_ = 	snop  }
0x1e: {  	[tilespmem:s19], [sflag:$0x3] =	stream.linear.gather [hbm4b:s8+s3], $0x80, $0x38;
	[tilespmem:$0x1C200] =	vst v63  }
0x1f: {  	_ = 	snop  }
0x20: {  	[tilespmem:s20], [sflag:$0x2] =	stream.linear.gather [hbm4b:s9+s3], $0x80, $0x38;
	[tilespmem:$0x1C200] =	vst v63  }
0x21: {  	_ = 	snop  }
0x22: {  	[tilespmem:s21], [sflag:$0x4] =	stream.linear.gather [hbm4b:s10+s3], $0x80, $0x38;
	[tilespmem:$0x1C200] =	vst v63  }
0x23: {  	_ =	swait.ge [sflag:s22], $0x80  }
0x24: {  	[sflag:s22] =	ssyncset.done $0x0  }
0x25: {  	[sflag:s22] =	ssyncadd.s32 $0xFFFFFF80  }
0x26: {  	[tilespmem:s23], [sflag:$0x5] =	stream.indirect.gather [hbm4b:s4+s20], $0x80, s3, s20, $0xb8;
	[tilespmem:$0x1C200] =	vst v63  }
0x27: {  	_ =	swait.ge [sflag:s24], $0x80  }
0x28: {  	[sflag:s24] =	ssyncset.done $0x0  }
0x29: {  	[sflag:s24] =	ssyncadd.s32 $0xFFFFFF80  }
0x2a: {  	[tilespmem:s25], [sflag:$0x6] =	stream.indirect.gather [hbm4b:s4+s20], $0x80, s20, s20, $0xb8;
	[tilespmem:$0x1C200] =	vst v63  }
0x2b: {  	_ =	swait.ge [sflag:s26], $0x4000  }
0x2c: {  	[sflag:s26] =	ssyncset.done $0x0  }
0x2d: {  	s2 =	sadd.s32 $0x0, s16;
	[sflag:s26] =	ssyncadd.s32 $0xFFFFC000  }
0x2e: {  	[tilespmem:s3], [sflag:$0x1] =	stream.linear.gather [hbm4b:s2+s3], $0x80, $0x38;
	[tilespmem:$0x1C200] =	vst v63  }
0x2f: {  	_ =	swait.ge [sflag:s28], $0x80  }
0x30: {  	[sflag:s28] =	ssyncset.done $0x0  }
0x31: {  	[sflag:s28] =	ssyncadd.s32 $0xFFFFFF80  }
0x32: {  	[spmem:s1] =	stream.indirect.scatter.add.f32 [tilespmem:s23], [sflag:$0x7], $0x80, s19, s20, $0xb8;
	[tilespmem:$0x1C200] =	vst v63  }
0x33: {  	_ =	swait.ge [sflag:s18], $0x4000  }
0x34: {  	[sflag:s18] =	ssyncset.done $0x0  }
0x35: {  	s5 =	sadd.s32 $0x0, s15;
	[sflag:s18] =	ssyncadd.s32 $0xFFFFC000  }
0x36: {  	[tilespmem:s19], [sflag:$0x3] =	stream.linear.gather [hbm4b:s5+s3], $0x80, $0x38;
	[tilespmem:$0x1C200] =	vst v63  }
0x37: {  	_ =	swait.ge [sflag:s22], $0x80  }
0x38: {  	[sflag:s22] =	ssyncset.done $0x0  }
0x39: {  	[sflag:s22] =	ssyncadd.s32 $0xFFFFFF80  }
0x3a: {  	[tilespmem:s23], [sflag:$0x5] =	stream.indirect.gather [hbm4b:s4+s20], $0x80, s3, s20, $0xb8;
	[tilespmem:$0x1C200] =	vst v63  }
0x3b: {  	_ =	swait.ge [sflag:s29], $0x4000  }
0x3c: {  	[sflag:s29] =	ssyncset.done $0x0  }
0x3d: {  	s2 =	sadd.s32 $0x0, s14;
	[sflag:s29] =	ssyncadd.s32 $0xFFFFC000  }
0x3e: {  	[tilespmem:s20], [sflag:$0x2] =	stream.linear.gather [hbm4b:s2+s3], $0x80, $0x38;
	[tilespmem:$0x1C200] =	vst v63  }
0x3f: {  	_ =	swait.ge [sflag:s30], $0x80  }
0x40: {  	[sflag:s30] =	ssyncset.done $0x0  }
0x41: {  	[sflag:s30] =	ssyncadd.s32 $0xFFFFFF80  }
0x42: {  	[spmem:s1] =	stream.indirect.scatter.add.f32 [tilespmem:s25], [sflag:$0x7], $0x80, s21, s20, $0xb8;
	[tilespmem:$0x1C200] =	vst v63  }
0x43: {  	_ =	swait.ge [sflag:s18], $0x4000  }
0x44: {  	[sflag:s18] =	ssyncset.done $0x0  }
0x45: {  	s5 =	sadd.s32 $0x0, s13;
	[sflag:s18] =	ssyncadd.s32 $0xFFFFC000  }
0x46: {  	[tilespmem:s21], [sflag:$0x4] =	stream.linear.gather [hbm4b:s5+s3], $0x80, $0x38;
	[tilespmem:$0x1C200] =	vst v63  }
0x47: {  	_ =	swait.ge [sflag:s24], $0x80  }
0x48: {  	[sflag:s24] =	ssyncset.done $0x0  }
0x49: {  	s0 =	simm.s32 $0x20;
	[sflag:s24] =	ssyncadd.s32 $0xFFFFFF80  }
.LBB2_2:
0x4a: {  	[tilespmem:s25], [sflag:$0x6] =	stream.indirect.gather [hbm4b:s4+s20], $0x80, s20, s20, $0xb8;
	[tilespmem:$0x1C200] =	vst v63  }
0x4b: {  	s2 =	smov.u32 s0  }
0x4c: {  	p0 =	sne.s32 s0, $0x4C0;
	s0 =	sadd.s32 $0x20, s0;
	_ =	swait.ge [sflag:s26], $0x4000  }
0x4d: {  	[sflag:s26] =	ssyncset.done $0x0  }
0x4e: {  	s5 =	sadd.s32 s2, s16;
	[sflag:s26] =	ssyncadd.s32 $0xFFFFC000  }
0x4f: {  	[tilespmem:s3], [sflag:$0x1] =	stream.linear.gather [hbm4b:s5+s3], $0x80, $0x38;
	[tilespmem:$0x1C200] =	vst v63  }
0x50: {  	_ =	swait.ge [sflag:s28], $0x80  }
0x51: {  	[sflag:s28] =	ssyncset.done $0x0  }
0x52: {  	[sflag:s28] =	ssyncadd.s32 $0xFFFFFF80  }
0x53: {  	[spmem:s1] =	stream.indirect.scatter.add.f32 [tilespmem:s23], [sflag:$0x7], $0x80, s19, s20, $0xb8;
	[tilespmem:$0x1C200] =	vst v63  }
0x54: {  	_ =	swait.ge [sflag:s18], $0x4000  }
0x55: {  	[sflag:s18] =	ssyncset.done $0x0  }
0x56: {  	s5 =	sadd.s32 s2, s15;
	[sflag:s18] =	ssyncadd.s32 $0xFFFFC000  }
0x57: {  	[tilespmem:s19], [sflag:$0x3] =	stream.linear.gather [hbm4b:s5+s3], $0x80, $0x38;
	[tilespmem:$0x1C200] =	vst v63  }
0x58: {  	_ =	swait.ge [sflag:s22], $0x80  }
0x59: {  	[sflag:s22] =	ssyncset.done $0x0  }
0x5a: {  	[sflag:s22] =	ssyncadd.s32 $0xFFFFFF80  }
0x5b: {  	[tilespmem:s23], [sflag:$0x5] =	stream.indirect.gather [hbm4b:s4+s20], $0x80, s3, s20, $0xb8;
	[tilespmem:$0x1C200] =	vst v63  }
0x5c: {  	_ =	swait.ge [sflag:s29], $0x4000  }
0x5d: {  	[sflag:s29] =	ssyncset.done $0x0  }
0x5e: {  	s5 =	sadd.s32 s2, s14;
	[sflag:s29] =	ssyncadd.s32 $0xFFFFC000  }
0x5f: {  	[tilespmem:s20], [sflag:$0x2] =	stream.linear.gather [hbm4b:s5+s3], $0x80, $0x38;
	[tilespmem:$0x1C200] =	vst v63  }
0x60: {  	_ =	swait.ge [sflag:s30], $0x80  }
0x61: {  	[sflag:s30] =	ssyncset.done $0x0  }
0x62: {  	[sflag:s30] =	ssyncadd.s32 $0xFFFFFF80  }
0x63: {  	[spmem:s1] =	stream.indirect.scatter.add.f32 [tilespmem:s25], [sflag:$0x7], $0x80, s21, s20, $0xb8;
	[tilespmem:$0x1C200] =	vst v63  }
0x64: {  	_ =	swait.ge [sflag:s18], $0x4000  }
0x65: {  	[sflag:s18] =	ssyncset.done $0x0  }
.Ltmp0:
0x66: {  	s2 =	sadd.s32 s2, s13;
	[sflag:s18] =	ssyncadd.s32 $0xFFFFC000;
	(pc) =	sbr.rel @p0 .LBB2_2-.Ltmp0, $4  }
0x67: {  	[tilespmem:s21], [sflag:$0x4] =	stream.linear.gather [hbm4b:s2+s3], $0x80, $0x38;
	[tilespmem:$0x1C200] =	vst v63  }
0x68: {  	_ =	swait.ge [sflag:s24], $0x80  }
0x69: {  	[sflag:s24] =	ssyncset.done $0x0  }
0x6a: {  	[sflag:s24] =	ssyncadd.s32 $0xFFFFFF80  }
0x6b: {  	[tilespmem:s25], [sflag:$0x6] =	stream.indirect.gather [hbm4b:s4+s20], $0x80, s20, s20, $0xb8;
	[tilespmem:$0x1C200] =	vst v63  }
0x6c: {  	_ =	swait.ge [sflag:s26], $0x4000  }
0x6d: {  	[sflag:s26] =	ssyncset.done $0x0  }
0x6e: {  	[sflag:s26] =	ssyncadd.s32 $0xFFFFC000  }
0x6f: {  	_ =	swait.ge [sflag:s28], $0x80  }
0x70: {  	[sflag:s28] =	ssyncset.done $0x0  }
0x71: {  	[sflag:s28] =	ssyncadd.s32 $0xFFFFFF80  }
0x72: {  	[spmem:s1] =	stream.indirect.scatter.add.f32 [tilespmem:s23], [sflag:$0x7], $0x80, s19, s20, $0xb8;
	[tilespmem:$0x1C200] =	vst v63  }
0x73: {  	_ =	swait.ge [sflag:s18], $0x4000  }
0x74: {  	[sflag:s18] =	ssyncset.done $0x0  }
0x75: {  	[sflag:s18] =	ssyncadd.s32 $0xFFFFC000  }
0x76: {  	_ =	swait.ge [sflag:s29], $0x4000  }
0x77: {  	[sflag:s29] =	ssyncset.done $0x0  }
0x78: {  	[sflag:s29] =	ssyncadd.s32 $0xFFFFC000  }
0x79: {  	_ =	swait.ge [sflag:s30], $0x80  }
0x7a: {  	[sflag:s30] =	ssyncset.done $0x0  }
0x7b: {  	[sflag:s30] =	ssyncadd.s32 $0xFFFFFF80  }
0x7c: {  	[spmem:s1] =	stream.indirect.scatter.add.f32 [tilespmem:s25], [sflag:$0x7], $0x80, s21, s20, $0xb8;
	[tilespmem:$0x1C200] =	vst v63  }
0x7d: {  	_ =	swait.ge [sflag:s18], $0x4000  }
0x7e: {  	s31 =	sadd.s32 $0x1, s31;
	[sflag:s18] =	ssyncset.done $0x0  }
0x7f: {  	p0 =	sne.s32 s31, s12;
	[sflag:s18] =	ssyncadd.s32 $0xFFFFC000  }
.Ltmp1:
0x80: {  	[bflag:$0x0] =	sbarrier.arrive $0xFFFF;
	(pc) =	sbr.rel @p0 .LBB2_1-.Ltmp1, $4  }
0x81: {  	[hbm:s11], [sflag:s6] =	dma.local [spmem:s17], $0x2800  }
0x82: {  	_ =	swait.ge [sflag:s18], $0x2800  }
0x83: {  	[sflag:s18] =	ssyncset.done $0x0  }
0x84: {  	[sflag:s18] =	ssyncadd.s32 $0xFFFFD800  }
0x85: {  	_ =	sfence.sel $0x180000  }
0x86: {  	[bflag:$0x0] =	sbarrier.arrive $0xFFFF  }
0x87: {  	_ =	strace $0x9000004D  }
0x88: {  	s0 =	stileid.u32;
	[bflag:$0x2] =	sbarrier.arrive $0xFFFF  }
0x89: {  	p0 =	sne.s32 s0, $0x0;
	s0 =	rddreg [dreg:$0x3]  }
0x8a: {  	s0 =	sadd.s32 @!p0 $0x100000, s0  }
0x8b: {  	[sflag:s0] =	ssyncadd.tile.s32 @!p0 $0x1;
	_ =	shalt  }
.Lfunc_end2:
_tile_overlayer_lowered:
.L_overlay_start_2:
0x8c: {  	(tag) =	ssettag $0x2  }
0x8d: {  	s0 =	rddreg [dreg:$0x0];
	s2 =	stileid.u32  }
0x8e: {  	s1 =	rddreg [dreg:$0x1];
	p0 =	sne.s32 s2, $0x0  }
0x8f: {  	s3 =	rddreg [dreg:$0x2];
	[bflag:$0x3] =	sbarrier.arrive $0xFFFF;
	s2 =	simm.s32 @!p0 $0x1C07  }
0x90: {  	[timem:s3], [sflag:s2] =	dma.local @!p0 [hbm:s0], s1  }
0x91: {  	s0 =	simm.s32 @!p0 $0x7  }
0x92: {  	_ =	swait.ge @!p0 [sflag:s0], s1  }
0x93: {  	s1 =	ssub.s32 @!p0 $0x0, s1;
	[sflag:s0] =	ssyncset.done @!p0 $0x0  }
0x94: {  	[sflag:s0] =	ssyncadd.s32 @!p0 s1  }
0x95: {  	[bflag:$0x3] =	sbarrier.arrive $0xFFFF  }
0x96: {  	_ =	shalt  }

// kernel: kernel.17.cloned.1.call-start
scs
__scs_entry_jumppad:
0x0: {  	(pc) =	sbr.rel $0x88, $3  }
0x1: {  	(tag) =	ssettag $0x0;
	lr =	simm.s32 $0x1  }
0x2: {  	[smem:$0x3F9B] =	sst lr;
	_ =	strace $0xD0000000  }
0x3: {  	_ = 	snop  }
0x4: {  	_ = 	snop  }
0x5: {  	_ = 	snop  }
0x6: {  	_ = 	snop  }
0x7: {  	_ = 	snop  }
__scs_overlays_trampoline_lowered:
0x8: {  	[smem:$0x3FAA] =	sst s0  }
0x9: {  	[smem:$0x3FAB] =	sst s1  }
0xa: {  	[smem:$0x3FAC] =	sst s2  }
0xb: {  	[smem:$0x3FAD] =	sst s3  }
0xc: {  	[smem:$0x3FAE] =	sst s4  }
0xd: {  	[smem:$0x3FAF] =	sst s5  }
0xe: {  	[smem:$0x3FB0] =	sst s6  }
0xf: {  	[smem:$0x3FB1] =	sst s7  }
0x10: {  	[smem:$0x3FB2] =	sst s8  }
0x11: {  	[smem:$0x3FB3] =	sst s9;
	s0 =	simm.s32 @!p0 $0x0  }
0x12: {  	s1 =	sld [smem:$0x3F99];
	s0 =	simm.s32 @p0 $0x1  }
0x13: {  	[smem:$0x3FB4] =	sst s0;
	s0 =	simm.s32 @!p1 $0x0  }
0x14: {  	s2 =	sld [smem:$0x3F98];
	s0 =	simm.s32 @p1 $0x1  }
0x15: {  	[smem:$0x3FB5] =	sst s0;
	s0 =	simm.s32 @!p2 $0x0  }
0x16: {  	s3 =	sld [smem:$0x3FDB];
	s0 =	simm.s32 @p2 $0x1  }
0x17: {  	s4 =	simm.s32 $0x1BF5;
	[smem:$0x3FB7] =	sst s0  }
0x18: {  	s0 =	sld [smem:$0x3F9A];
	_ =	swait.ge [sflag:s4], $0x0  }
0x19: {  	s7 =	sld [smem:$0x3F9B]  }
0x1a: {  	s8 =	sadd.s32 $0xFFFFE003, lr  }
0x1b: {  	s9 =	sadd.s32 $0xFFFFFEF7, lr;
	s5 =	simm.s32 $0xFFFFFFFF;
	p2 =	slt.u32 s8, $0xFFFFF086  }
0x1c: {  	p1 =	slt.u32 s9, $0xF7A;
	s5 =	simm.s32 @!p2 $0x0  }
0x1d: {  	s5 =	simm.s32 @p1 $0x1;
	p0 =	seq.s32 s7, s2  }
0x1e: {  	s7 =	smul.u32 @!p0 $0xF7A, s2;
	p2 =	seq.s32 @!p0 s5, $0x0  }
0x1f: {  	s9 =	smul.u32 $0xF7A, s1;
	s8 =	simm.s32 @!p0 $0x1BF5;
	p2 =	por !p2, p0  }
0x20: {  	[sflag:s8] =	ssyncset.s32 @!p0 $0xFFFFF086;
	s6 =	sadd.s32 @!p0 s3, s7;
	s7 =	simm.s32 @!p0 $0x108  }
0x21: {  	s3 =	sadd.s32 s3, s9;
	s6 =	sadd.s32 @!p0 $0x88, s6;
	s7 =	simm.s32 @p2 $0x1082  }
0x22: {  	[simem:s7], [sflag:s8] =	dma.local @!p0 [hbm:s6], $0xF7A  }
0x23: {  	s9 =	sor.u32 $0xD0000000, s2;
	s6 =	simm.s32 $0x108;
	_ =	swait.ge @!p0 [sflag:s8], $0x0  }
0x24: {  	s3 =	sadd.s32 $0x88, s3;
	s6 =	simm.s32 @!p1 $0x1082;
	[sflag:s4] =	ssyncset.s32 $0xFFFFF086  }
0x25: {  	[simem:s6], [sflag:s4] =	dma.local [hbm:s3], $0xF7A  }
0x26: {  	[smem:$0x3F9B] =	sst s1;
	(tag) =	ssettag s2;
	_ =	strace s9  }
0x27: {  	s1 =	sld [smem:$0x3FAB]  }
0x28: {  	s2 =	sld [smem:$0x3FAC]  }
0x29: {  	s4 =	sld [smem:$0x3FAE]  }
0x2a: {  	p0 =	seq.s32 s5, $0x0;
	s5 =	sld [smem:$0x3FAF]  }
0x2b: {  	s6 =	sld [smem:$0x3FB0]  }
0x2c: {  	s7 =	sld [smem:$0x3FB1]  }
0x2d: {  	s3 =	simm.s32 $0x108;
	s8 =	sld [smem:$0x3FB2]  }
0x2e: {  	s3 =	simm.s32 @!p0 $0x1082;
	s9 =	sld [smem:$0x3FB3]  }
0x2f: {  	lr =	sadd.s32 s0, s3;
	s0 =	sld [smem:$0x3FAA]  }
0x30: {  	s3 =	sld [smem:$0x3FAD]  }
0x31: {  	[smem:$0x3FB6] =	sst s10  }
0x32: {  	s10 =	sld [smem:$0x3FB4];
	_ =	sdelay $0x3  }
0x33: {  	p0 =	seq.s32 s10, $0x1;
	s10 =	sld [smem:$0x3FB6];
	_ =	sdelay $0x3  }
0x34: {  	[smem:$0x3FB6] =	sst s10  }
0x35: {  	s10 =	sld [smem:$0x3FB5];
	_ =	sdelay $0x3  }
0x36: {  	p1 =	seq.s32 s10, $0x1;
	s10 =	sld [smem:$0x3FB6];
	_ =	sdelay $0x3  }
0x37: {  	[smem:$0x3FB6] =	sst s10  }
0x38: {  	s10 =	sld [smem:$0x3FB7]  }
0x39: {  	_ = 	snop;
	(pc) =	sbr.ind lr, $3  }
0x3a: {  	_ = 	snop  }
0x3b: {  	_ = 	snop  }
0x3c: {  	p2 =	seq.s32 s10, $0x1;
	s10 =	sld [smem:$0x3FB6]  }
0x3d: {  	_ =	shalt  }
0x3e: {  	_ =	shalt  }
0x3f: {  	_ =	shalt  }
0x40: {  	_ =	shalt  }
0x41: {  	_ =	shalt  }
0x42: {  	_ =	shalt  }
0x43: {  	_ =	shalt  }
0x44: {  	_ =	shalt  }
0x45: {  	_ =	shalt  }
0x46: {  	_ =	shalt  }
0x47: {  	_ =	shalt  }
0x48: {  	_ =	shalt  }
0x49: {  	_ =	shalt  }
0x4a: {  	_ =	shalt  }
0x4b: {  	_ =	shalt  }
0x4c: {  	_ =	shalt  }
0x4d: {  	_ =	shalt  }
0x4e: {  	_ =	shalt  }
0x4f: {  	_ =	shalt  }
0x50: {  	_ =	shalt  }
0x51: {  	_ =	shalt  }
0x52: {  	_ =	shalt  }
0x53: {  	_ =	shalt  }
0x54: {  	_ =	shalt  }
0x55: {  	_ =	shalt  }
0x56: {  	_ =	shalt  }
0x57: {  	_ =	shalt  }
0x58: {  	_ =	shalt  }
0x59: {  	_ =	shalt  }
0x5a: {  	_ =	shalt  }
0x5b: {  	_ =	shalt  }
0x5c: {  	_ =	shalt  }
0x5d: {  	_ =	shalt  }
0x5e: {  	_ =	shalt  }
0x5f: {  	_ =	shalt  }
0x60: {  	_ =	shalt  }
0x61: {  	_ =	shalt  }
0x62: {  	_ =	shalt  }
0x63: {  	_ =	shalt  }
0x64: {  	_ =	shalt  }
0x65: {  	_ =	shalt  }
0x66: {  	_ =	shalt  }
0x67: {  	_ =	shalt  }
0x68: {  	_ =	shalt  }
0x69: {  	_ =	shalt  }
0x6a: {  	_ =	shalt  }
0x6b: {  	_ =	shalt  }
0x6c: {  	_ =	shalt  }
0x6d: {  	_ =	shalt  }
0x6e: {  	_ =	shalt  }
0x6f: {  	_ =	shalt  }
0x70: {  	_ =	shalt  }
0x71: {  	_ =	shalt  }
0x72: {  	_ =	shalt  }
0x73: {  	_ =	shalt  }
0x74: {  	_ =	shalt  }
0x75: {  	_ =	shalt  }
0x76: {  	_ =	shalt  }
0x77: {  	_ =	shalt  }
0x78: {  	_ =	shalt  }
0x79: {  	_ =	shalt  }
0x7a: {  	_ =	shalt  }
0x7b: {  	_ =	shalt  }
0x7c: {  	_ =	shalt  }
0x7d: {  	_ =	shalt  }
0x7e: {  	_ =	shalt  }
0x7f: {  	_ =	shalt  }
0x80: {  	_ =	shalt  }
0x81: {  	_ =	shalt  }
0x82: {  	_ =	shalt  }
0x83: {  	_ =	shalt  }
0x84: {  	_ =	shalt  }
0x85: {  	_ =	shalt  }
0x86: {  	_ =	shalt  }
0x87: {  	_ =	shalt  }
.Lfunc_end0:
.L_simem_size_0:
called_computation.3_lowered:
.L_overlay_start_0:
0x88: {  	s2 =	sld [smem:$0x3FD9]  }
0x89: {  	s3 =	sld [smem:$0x3FFE];
	_ =	sdelay $0x1  }
0x8a: {  	s1 =	srdreg.scid  }
0x8b: {  	s0 =	sand.u32 $0x1, s1  }
0x8c: {  	s17 =	sshll.u32 s0, $0xA;
	s2 =	sadd.s32 s3, s2  }
0x8d: {  	s2 =	sadd.s32 s2, s17  }
0x8e: {  	[smem:$0x3FC2] =	sst s2  }
0x8f: {  	_ = 	snop  }
0x90: {  	s2 =	sld [smem:$0x3FD0];
	(tm) =	ssettm $0x1  }
0x91: {  	s18 =	sld [smem:$0x3FFB];
	_ =	sdelay $0x3  }
0x92: {  	_ =	strace s18  }
0x93: {  	s3 =	sld [smem:$0x3FFC];
	_ =	sdelay $0x3  }
0x94: {  	_ =	strace s3  }
0x95: {  	s3 =	sld [smem:$0x3FFD];
	_ =	sdelay $0x3  }
0x96: {  	_ =	strace s3  }
0x97: {  	_ =	strace $0x8FFFFFFF  }
0x98: {  	s19 =	sld [smem:$0x3FDB];
	_ =	sdelay $0x1  }
0x99: {  	s4 =	simm.s32 $_scs_section_size  }
0x9a: {  	s5 =	simm.s32 $_size__tile_overlayer_lowered;
	s6 =	simm.s32 $_tile_overlayer_lowered  }
0x9b: {  	s22 =	simm.s32 $0x1BFF;
	s21 =	sshll.u32 s6, $0x1;
	s3 =	sadd.s32 s4, s19  }
0x9c: {  	s7 =	simm.s32 $0x0;
	s20 =	sshll.u32 s5, $0x1;
	s5 =	sadd.s32 s21, s3  }
0x9d: {  	[timem:s7], [sflag:s22] =	dma.local [hbm:s5], s20  }
0x9e: {  	_ =	swait.ge [sflag:s22], s20  }
0x9f: {  	s4 =	ssub.s32 $0x0, s20;
	[sflag:s22] =	ssyncset.done $0x0  }
0xa0: {  	[sflag:s22] =	ssyncadd.s32 s4;
	_ =	sdelay $0x1  }
0xa1: {  	s23 =	simm.s32 $0x1B8B  }
0xa2: {  	_ =	swait.ge [sflag:s23], $0x1  }
0xa3: {  	[sflag:s23] =	ssyncset.done $0x0  }
0xa4: {  	s25 =	simm.s32 $0x1B8E;
	s24 =	sld [smem:$0x3FFE];
	[sflag:s23] =	ssyncadd.s32 $0xFFFFFFFF  }
0xa5: {  	s26 =	simm.s32 $execute0_lowered;
	[smem:$0x3FD2] =	sst s25  }
0xa6: {  	s5 =	sshll.u32 s26, $0x1;
	_ =	strace $0x8000004F;
	[dreg:$0x1] =	wrdreg $0xFFFFFFFF  }
0xa7: {  	s28 =	simm.s32 $_size_execute0_lowered;
	s3 =	sadd.s32 s3, s5;
	[dreg:$0x0] =	wrdreg $0x0  }
0xa8: {  	s5 =	sshll.u32 s28, $0x1;
	[dreg:$0x2] =	wrdreg s3  }
0xa9: {  	[dreg:$0x3] =	wrdreg s5  }
0xaa: {  	[dreg:$0x4] =	wrdreg $0xC0  }
0xab: {  	_ =	task [dreg:s7], $0x5FFFF  }
0xac: {  	[dreg:$0x1] =	wrdreg $0xFFFFFFFF  }
0xad: {  	[dreg:$0x0] =	wrdreg $0x60  }
0xae: {  	[dreg:$0x2] =	wrdreg s24  }
0xaf: {  	[dreg:$0x3] =	wrdreg s2  }
0xb0: {  	[dreg:$0x4] =	wrdreg $0x78800  }
0xb1: {  	[dreg:$0x5] =	wrdreg $0x88800  }
0xb2: {  	[dreg:$0x6] =	wrdreg $0x98800  }
0xb3: {  	[dreg:$0x7] =	wrdreg $0x9  }
0xb4: {  	_ =	task.clear_ibuf [dreg:s7], $0x8FFFF;
	_ =	strace $0x9000004F  }
0xb5: {  	s29 =	simm.s32 $0x9;
	_ =	strace $0x80000051  }
0xb6: {  	_ =	swait.ge [sflag:s29], $0x1  }
0xb7: {  	[sflag:s29] =	ssyncadd.s32 $0xFFFFFFFF  }
0xb8: {  	_ =	strace $0x90000051  }
0xb9: {  	_ =	sfence  }
0xba: {  	s30 =	sld [smem:$0x0];
	_ =	sdelay $0x2  }
0xbb: {  	s31 =	sshll.u32 s1, $0xD;
	s1 =	sshrl.u32 s1, $0x2  }
0xbc: {  	s3 =	sand.u32 $0x4000, s31;
	s1 =	sadd.s32 s1, s30  }
0xbd: {  	s0 =	sor.u32 s3, s0;
	s1 =	sshll.u32 s1, $0x11  }
0xbe: {  	s0 =	sor.u32 s1, s0  }
0xbf: {  	s0 =	sadd.s32 $0x8F2B, s0  }
0xc0: {  	[sflag:s0] =	ssyncadd.remote.s32 $0x1  }
0xc1: {  	_ =	sfence.sel $0xFFFF  }
0xc2: {  	[dreg:$0x0] =	wrdreg $0xFFFFFFFF;
	(pc) =	sbr.abs _section_cstart, $3  }
0xc3: {  	[dreg:$0x1] =	wrdreg $0xFFFFFFFF  }
0xc4: {  	_ =	task.clear_ibuf [dreg:s7], $0x2FFFF;
	_ =	strace $0x9FFFFFFF  }
0xc5: {  	(tm) =	ssettm $0x7FFFFFFF  }
tec
execute0_lowered:
.L_overlay_start_1:
0x0: {  	(tag) =	ssettag $0x1  }
0x1: {  	s0 =	rddreg [dreg:$0x0]  }
0x2: {  	s1 =	rddreg [dreg:$0x2]  }
0x3: {  	s2 =	rddreg [dreg:$0x3]  }
0x4: {  	s3 =	rddreg [dreg:$0x4];
	s5 =	simm.s32 $0x0  }
0x5: {  	s4 =	stileid.u32;
	[smem:$0x7FF] =	sst s5;
	s6 =	sadd.s32 $0x28000, s0  }
0x6: {  	s30 =	sshll.u32 s4, $0xC;
	s7 =	sshll.u32 s4, $0x6;
	_ =	strace $0x80000050  }
0x7: {  	[dreg:$0x6] =	wrdreg s6;
	s6 =	sadd.s32 $0x28600, s0;
	s8 =	sadd.s32 s30, s1  }
0x8: {  	s7 =	sor.u32 $0x1C01, s7;
	s9 =	sshrl.u32 s8, $0x3;
	s8 =	simm.s32 $0x1  }
0x9: {  	[spmem:s9], [sflag:s7] =	dma.local [hbm:s6], $0x200  }
0xa: {  	_ =	swait.ge [sflag:s8], $0x200  }
0xb: {  	s10 =	sadd.s32 s30, s2;
	[sflag:s8] =	ssyncset.done $0x0  }
0xc: {  	s10 =	sshrl.u32 s10, $0x3;
	[sflag:s8] =	ssyncadd.s32 $0xFFFFFE00  }
0xd: {  	[spmem:s10], [sflag:s7] =	dma.local [hbm:s6], $0x200  }
0xe: {  	_ =	swait.ge [sflag:s8], $0x200  }
0xf: {  	s12 =	srdreg.scid;
	s11 =	sadd.s32 s30, s3;
	[sflag:s8] =	ssyncset.done $0x0  }
0x10: {  	s31 =	sand.u32 $0x1, s12;
	s11 =	sshrl.u32 s11, $0x3;
	[sflag:s8] =	ssyncadd.s32 $0xFFFFFE00  }
0x11: {  	[spmem:s11], [sflag:s7] =	dma.local [hbm:s6], $0x200  }
0x12: {  	s12 =	sshll.u32 s31, $0x4;
	_ =	swait.ge [sflag:s8], $0x200  }
0x13: {  	s14 =	sor.u32 s4, s12;
	[sflag:s8] =	ssyncset.done $0x0  }
0x14: {  	s12 =	simm.s32 $0x5080;
	s13 =	rddreg [dreg:$0x6];
	[sflag:s8] =	ssyncadd.s32 $0xFFFFFE00  }
0x15: {  	[tilespmem:s12], [sflag:$0x1] =	stream.linear.gather [hbm4b:s13+s5], $0x2800, $0x38;
	[tilespmem:$0xA880] =	vst v63  }
0x16: {  	s26 =	smul.u32 $0x140, s14;
	_ =	swait.ge [sflag:s8], $0x2800  }
0x17: {  	[sflag:s8] =	ssyncset.done $0x0  }
0x18: {  	s25 =	sadd.s32 $0x84800, s0;
	s24 =	sshrl.u32 s26, $0x3;
	[sflag:s8] =	ssyncadd.s32 $0xFFFFD800  }
0x19: {  	s13 =	sadd.s32 s25, s24;
	[bflag:$0x0] =	sbarrier.arrive $0xFFFF  }
0x1a: {  	[tilespmem:s5], [sflag:$0x1] =	stream.linear.gather [hbm4b:s13+s5], $0x50, $0x38;
	[tilespmem:$0xA880] =	vst v63  }
0x1b: {  	s16 =	smul.u32 $0x1400, s14;
	_ =	swait.ge [sflag:s8], $0x50  }
0x1c: {  	s28 =	sadd.s32 $0x84E00, s0;
	[sflag:s8] =	ssyncset.done $0x0  }
0x1d: {  	s15 =	simm.s32 $0x80;
	s14 =	sadd.s32 s28, s16;
	[sflag:s8] =	ssyncadd.s32 $0xFFFFFFB0  }
0x1e: {  	[tilespmem:s15], [sflag:$0x1] =	stream.linear.gather [hbm4b:s14+s5], $0x2800, $0x38;
	[tilespmem:$0xA880] =	vst v63  }
0x1f: {  	_ =	swait.ge [sflag:s8], $0x2800  }
0x20: {  	[sflag:s8] =	ssyncset.done $0x0  }
0x21: {  	s17 =	simm.s32 $0x2880;
	s16 =	sadd.s32 s0, s16;
	[sflag:s8] =	ssyncadd.s32 $0xFFFFD800  }
0x22: {  	[tilespmem:s17], [sflag:$0x1] =	stream.linear.gather [hbm4b:s16+s5], $0x2800, $0x38;
	[tilespmem:$0xA880] =	vst v63  }
0x23: {  	_ =	swait.ge [sflag:s8], $0x2800  }
0x24: {  	[sflag:s8] =	ssyncset.done $0x0  }
0x25: {  	s18 =	simm.s32 $0x50;
	[sflag:s8] =	ssyncadd.s32 $0xFFFFD800  }
0x26: {  	[spmem:s1] =	stream.indirect.scatter.add.f32 [tilespmem:s15], [sflag:$0x1], $0x80, s5, s18, $0xb8;
	[tilespmem:$0xA880] =	vst v63  }
0x27: {  	_ =	swait.ge [sflag:s8], $0x2800  }
0x28: {  	[sflag:s8] =	ssyncset.done $0x0  }
0x29: {  	[sflag:s8] =	ssyncadd.s32 $0xFFFFD800  }
0x2a: {  	[spmem:s2] =	stream.indirect.scatter.add.f32 [tilespmem:s17], [sflag:$0x1], $0x80, s5, s18, $0xb8;
	[tilespmem:$0xA880] =	vst v63  }
0x2b: {  	_ =	swait.ge [sflag:s8], $0x2800  }
0x2c: {  	[sflag:s8] =	ssyncset.done $0x0  }
0x2d: {  	[sflag:s8] =	ssyncadd.s32 $0xFFFFD800  }
0x2e: {  	[spmem:s3] =	stream.indirect.scatter.add.f32 [tilespmem:s12], [sflag:$0x1], $0x80, s5, s18, $0xb8;
	[tilespmem:$0xA880] =	vst v63  }
0x2f: {  	s20 =	sadd.s32 $0x50, s26;
	_ =	swait.ge [sflag:s8], $0x2800  }
0x30: {  	s19 =	sshrl.u32 s20, $0x3;
	[sflag:s8] =	ssyncset.done $0x0  }
0x31: {  	s19 =	sadd.s32 s25, s19;
	[sflag:s8] =	ssyncadd.s32 $0xFFFFD800  }
0x32: {  	[tilespmem:s5], [sflag:$0x1] =	stream.linear.gather [hbm4b:s19+s5], $0x50, $0x38;
	[tilespmem:$0xA880] =	vst v63  }
0x33: {  	_ =	swait.ge [sflag:s8], $0x50  }
0x34: {  	s21 =	sshll.u32 s20, $0x4;
	[sflag:s8] =	ssyncset.done $0x0  }
0x35: {  	s20 =	sadd.s32 s28, s21;
	[sflag:s8] =	ssyncadd.s32 $0xFFFFFFB0  }
0x36: {  	[tilespmem:s15], [sflag:$0x1] =	stream.linear.gather [hbm4b:s20+s5], $0x2800, $0x38;
	[tilespmem:$0xA880] =	vst v63  }
0x37: {  	_ =	swait.ge [sflag:s8], $0x2800  }
0x38: {  	[sflag:s8] =	ssyncset.done $0x0  }
0x39: {  	s21 =	sadd.s32 s0, s21;
	[sflag:s8] =	ssyncadd.s32 $0xFFFFD800  }
0x3a: {  	[tilespmem:s17], [sflag:$0x1] =	stream.linear.gather [hbm4b:s21+s5], $0x2800, $0x38;
	[tilespmem:$0xA880] =	vst v63  }
0x3b: {  	_ =	swait.ge [sflag:s8], $0x2800  }
0x3c: {  	[sflag:s8] =	ssyncset.done $0x0  }
0x3d: {  	[sflag:s8] =	ssyncadd.s32 $0xFFFFD800  }
0x3e: {  	[spmem:s1] =	stream.indirect.scatter.add.f32 [tilespmem:s15], [sflag:$0x1], $0x80, s5, s18, $0xb8;
	[tilespmem:$0xA880] =	vst v63  }
0x3f: {  	_ =	swait.ge [sflag:s8], $0x2800  }
0x40: {  	[sflag:s8] =	ssyncset.done $0x0  }
0x41: {  	[sflag:s8] =	ssyncadd.s32 $0xFFFFD800  }
0x42: {  	[spmem:s2] =	stream.indirect.scatter.add.f32 [tilespmem:s17], [sflag:$0x1], $0x80, s5, s18, $0xb8;
	[tilespmem:$0xA880] =	vst v63  }
0x43: {  	_ =	swait.ge [sflag:s8], $0x2800  }
0x44: {  	[sflag:s8] =	ssyncset.done $0x0  }
0x45: {  	[sflag:s8] =	ssyncadd.s32 $0xFFFFD800  }
0x46: {  	[spmem:s3] =	stream.indirect.scatter.add.f32 [tilespmem:s12], [sflag:$0x1], $0x80, s5, s18, $0xb8;
	[tilespmem:$0xA880] =	vst v63  }
0x47: {  	s23 =	sadd.s32 $0xA0, s26;
	_ =	swait.ge [sflag:s8], $0x2800  }
0x48: {  	s22 =	sshrl.u32 s23, $0x3;
	[sflag:s8] =	ssyncset.done $0x0  }
0x49: {  	s22 =	sadd.s32 s25, s22;
	[sflag:s8] =	ssyncadd.s32 $0xFFFFD800  }
0x4a: {  	[tilespmem:s5], [sflag:$0x1] =	stream.linear.gather [hbm4b:s22+s5], $0x50, $0x38;
	[tilespmem:$0xA880] =	vst v63  }
0x4b: {  	_ =	swait.ge [sflag:s8], $0x50  }
0x4c: {  	s24 =	sshll.u32 s23, $0x4;
	[sflag:s8] =	ssyncset.done $0x0  }
0x4d: {  	s23 =	sadd.s32 s28, s24;
	[sflag:s8] =	ssyncadd.s32 $0xFFFFFFB0  }
0x4e: {  	[tilespmem:s15], [sflag:$0x1] =	stream.linear.gather [hbm4b:s23+s5], $0x2800, $0x38;
	[tilespmem:$0xA880] =	vst v63  }
0x4f: {  	_ =	swait.ge [sflag:s8], $0x2800  }
0x50: {  	[sflag:s8] =	ssyncset.done $0x0  }
0x51: {  	s24 =	sadd.s32 s0, s24;
	[sflag:s8] =	ssyncadd.s32 $0xFFFFD800  }
0x52: {  	[tilespmem:s17], [sflag:$0x1] =	stream.linear.gather [hbm4b:s24+s5], $0x2800, $0x38;
	[tilespmem:$0xA880] =	vst v63  }
0x53: {  	_ =	swait.ge [sflag:s8], $0x2800  }
0x54: {  	[sflag:s8] =	ssyncset.done $0x0  }
0x55: {  	[sflag:s8] =	ssyncadd.s32 $0xFFFFD800  }
0x56: {  	[spmem:s1] =	stream.indirect.scatter.add.f32 [tilespmem:s15], [sflag:$0x1], $0x80, s5, s18, $0xb8;
	[tilespmem:$0xA880] =	vst v63  }
0x57: {  	_ =	swait.ge [sflag:s8], $0x2800  }
0x58: {  	[sflag:s8] =	ssyncset.done $0x0  }
0x59: {  	[sflag:s8] =	ssyncadd.s32 $0xFFFFD800  }
0x5a: {  	[spmem:s2] =	stream.indirect.scatter.add.f32 [tilespmem:s17], [sflag:$0x1], $0x80, s5, s18, $0xb8;
	[tilespmem:$0xA880] =	vst v63  }
0x5b: {  	_ =	swait.ge [sflag:s8], $0x2800  }
0x5c: {  	[sflag:s8] =	ssyncset.done $0x0  }
0x5d: {  	[sflag:s8] =	ssyncadd.s32 $0xFFFFD800  }
0x5e: {  	[spmem:s3] =	stream.indirect.scatter.add.f32 [tilespmem:s12], [sflag:$0x1], $0x80, s5, s18, $0xb8;
	[tilespmem:$0xA880] =	vst v63  }
0x5f: {  	s26 =	sadd.s32 $0xF0, s26;
	_ =	swait.ge [sflag:s8], $0x2800  }
0x60: {  	s29 =	sshrl.u32 s26, $0x3;
	[sflag:s8] =	ssyncset.done $0x0  }
0x61: {  	s25 =	sadd.s32 s25, s29;
	[sflag:s8] =	ssyncadd.s32 $0xFFFFD800  }
0x62: {  	[tilespmem:s5], [sflag:$0x1] =	stream.linear.gather [hbm4b:s25+s5], $0x50, $0x38;
	[tilespmem:$0xA880] =	vst v63  }
0x63: {  	_ =	swait.ge [sflag:s8], $0x50  }
0x64: {  	s29 =	sshll.u32 s26, $0x4;
	[sflag:s8] =	ssyncset.done $0x0  }
0x65: {  	s26 =	sadd.s32 s28, s29;
	[sflag:s8] =	ssyncadd.s32 $0xFFFFFFB0  }
0x66: {  	[tilespmem:s15], [sflag:$0x1] =	stream.linear.gather [hbm4b:s26+s5], $0x2800, $0x38;
	[tilespmem:$0xA880] =	vst v63  }
0x67: {  	_ =	swait.ge [sflag:s8], $0x2800  }
0x68: {  	[sflag:s8] =	ssyncset.done $0x0  }
0x69: {  	s28 =	sadd.s32 s0, s29;
	[sflag:s8] =	ssyncadd.s32 $0xFFFFD800  }
0x6a: {  	[tilespmem:s17], [sflag:$0x1] =	stream.linear.gather [hbm4b:s28+s5], $0x2800, $0x38;
	[tilespmem:$0xA880] =	vst v63  }
0x6b: {  	_ =	swait.ge [sflag:s8], $0x2800  }
0x6c: {  	[sflag:s8] =	ssyncset.done $0x0  }
0x6d: {  	[sflag:s8] =	ssyncadd.s32 $0xFFFFD800  }
0x6e: {  	[spmem:s1] =	stream.indirect.scatter.add.f32 [tilespmem:s15], [sflag:$0x1], $0x80, s5, s18, $0xb8;
	[tilespmem:$0xA880] =	vst v63  }
0x6f: {  	_ =	swait.ge [sflag:s8], $0x2800  }
0x70: {  	[sflag:s8] =	ssyncset.done $0x0  }
0x71: {  	[sflag:s8] =	ssyncadd.s32 $0xFFFFD800  }
0x72: {  	[spmem:s2] =	stream.indirect.scatter.add.f32 [tilespmem:s17], [sflag:$0x1], $0x80, s5, s18, $0xb8;
	[tilespmem:$0xA880] =	vst v63  }
0x73: {  	_ =	swait.ge [sflag:s8], $0x2800  }
0x74: {  	[sflag:s8] =	ssyncset.done $0x0  }
0x75: {  	[sflag:s8] =	ssyncadd.s32 $0xFFFFD800  }
0x76: {  	[spmem:s3] =	stream.indirect.scatter.add.f32 [tilespmem:s12], [sflag:$0x1], $0x80, s5, s18, $0xb8;
	[tilespmem:$0xA880] =	vst v63  }
0x77: {  	_ =	swait.ge [sflag:s8], $0x2800  }
0x78: {  	s29 =	sshll.u32 s31, $0x10;
	[sflag:s8] =	ssyncset.done $0x0  }
0x79: {  	s29 =	sor.u32 s30, s29;
	[sflag:s8] =	ssyncadd.s32 $0xFFFFD800  }
0x7a: {  	s30 =	sshrl.u32 s29, $0x3;
	s4 =	rddreg [dreg:$0x1]  }
0x7b: {  	s31 =	ssub.s32 $0x2, s31;
	[bflag:$0x0] =	sbarrier.arrive $0xFFFF;
	s29 =	sadd.s32 s4, s30  }
0x7c: {  	[hbm:s29], [sflag:s7] =	dma.local [spmem:s9], $0x200  }
0x7d: {  	s4 =	sshrl.u32 s31, $0x1;
	_ =	swait.ge [sflag:s8], $0x200  }
0x7e: {  	s0 =	sadd.s32 s30, s0;
	s4 =	ssub.s32 s31, s4;
	[sflag:s8] =	ssyncset.done $0x0  }
0x7f: {  	s30 =	sadd.s32 $0x28800, s0;
	s4 =	smax.u32 s4, $0x1;
	[sflag:s8] =	ssyncadd.s32 $0xFFFFFE00  }
0x80: {  	[hbm:s30], [sflag:s7] =	dma.local [spmem:s10], $0x200  }
0x81: {  	p0 =	sne.s32 s4, $0x1;
	_ =	swait.ge [sflag:s8], $0x200  }
.Ltmp0:
0x82: {  	[sflag:s8] =	ssyncset.done $0x0;
	(pc) =	sbr.rel @!p0 .LBB2_2-.Ltmp0, $4  }
0x83: {  	s31 =	sadd.s32 $0x2C800, s0;
	[sflag:s8] =	ssyncadd.s32 $0xFFFFFE00  }
0x84: {  	[hbm:s31], [sflag:s7] =	dma.local [spmem:s11], $0x200  }
0x85: {  	_ =	swait.ge [sflag:s8], $0x200  }
0x86: {  	s0 =	sadd.s32 $0xFFFFFFFF, s4;
	[sflag:s8] =	ssyncset.done $0x0  }
.LBB2_1:
0x87: {  	[sflag:s8] =	ssyncadd.s32 $0xFFFFFE00  }
0x88: {  	[spmem:s9], [sflag:s7] =	dma.local [hbm:s6], $0x200  }
0x89: {  	_ =	swait.ge [sflag:s8], $0x200  }
0x8a: {  	[sflag:s8] =	ssyncset.done $0x0  }
0x8b: {  	[sflag:s8] =	ssyncadd.s32 $0xFFFFFE00  }
0x8c: {  	[spmem:s10], [sflag:s7] =	dma.local [hbm:s6], $0x200  }
0x8d: {  	_ =	swait.ge [sflag:s8], $0x200  }
0x8e: {  	[sflag:s8] =	ssyncset.done $0x0  }
0x8f: {  	[sflag:s8] =	ssyncadd.s32 $0xFFFFFE00  }
0x90: {  	[spmem:s11], [sflag:s7] =	dma.local [hbm:s6], $0x200  }
0x91: {  	_ =	swait.ge [sflag:s8], $0x200  }
0x92: {  	[sflag:s8] =	ssyncset.done $0x0  }
0x93: {  	s4 =	rddreg [dreg:$0x6];
	[sflag:s8] =	ssyncadd.s32 $0xFFFFFE00  }
0x94: {  	[tilespmem:s12], [sflag:$0x1] =	stream.linear.gather [hbm4b:s4+s5], $0x2800, $0x38;
	[tilespmem:$0xA880] =	vst v63  }
0x95: {  	_ =	swait.ge [sflag:s8], $0x2800  }
0x96: {  	[sflag:s8] =	ssyncset.done $0x0  }
0x97: {  	[sflag:s8] =	ssyncadd.s32 $0xFFFFD800  }
0x98: {  	[bflag:$0x0] =	sbarrier.arrive $0xFFFF  }
0x99: {  	[tilespmem:s5], [sflag:$0x1] =	stream.linear.gather [hbm4b:s13+s5], $0x50, $0x38;
	[tilespmem:$0xA880] =	vst v63  }
0x9a: {  	_ =	swait.ge [sflag:s8], $0x50  }
0x9b: {  	[sflag:s8] =	ssyncset.done $0x0  }
0x9c: {  	[sflag:s8] =	ssyncadd.s32 $0xFFFFFFB0  }
0x9d: {  	[tilespmem:s15], [sflag:$0x1] =	stream.linear.gather [hbm4b:s14+s5], $0x2800, $0x38;
	[tilespmem:$0xA880] =	vst v63  }
0x9e: {  	_ =	swait.ge [sflag:s8], $0x2800  }
0x9f: {  	[sflag:s8] =	ssyncset.done $0x0  }
0xa0: {  	[sflag:s8] =	ssyncadd.s32 $0xFFFFD800  }
0xa1: {  	[tilespmem:s17], [sflag:$0x1] =	stream.linear.gather [hbm4b:s16+s5], $0x2800, $0x38;
	[tilespmem:$0xA880] =	vst v63  }
0xa2: {  	_ =	swait.ge [sflag:s8], $0x2800  }
0xa3: {  	[sflag:s8] =	ssyncset.done $0x0  }
0xa4: {  	[sflag:s8] =	ssyncadd.s32 $0xFFFFD800  }
0xa5: {  	[spmem:s1] =	stream.indirect.scatter.add.f32 [tilespmem:s15], [sflag:$0x1], $0x80, s5, s18, $0xb8;
	[tilespmem:$0xA880] =	vst v63  }
0xa6: {  	_ =	swait.ge [sflag:s8], $0x2800  }
0xa7: {  	[sflag:s8] =	ssyncset.done $0x0  }
0xa8: {  	[sflag:s8] =	ssyncadd.s32 $0xFFFFD800  }
0xa9: {  	[spmem:s2] =	stream.indirect.scatter.add.f32 [tilespmem:s17], [sflag:$0x1], $0x80, s5, s18, $0xb8;
	[tilespmem:$0xA880] =	vst v63  }
0xaa: {  	_ =	swait.ge [sflag:s8], $0x2800  }
0xab: {  	[sflag:s8] =	ssyncset.done $0x0  }
0xac: {  	[sflag:s8] =	ssyncadd.s32 $0xFFFFD800  }
0xad: {  	[spmem:s3] =	stream.indirect.scatter.add.f32 [tilespmem:s12], [sflag:$0x1], $0x80, s5, s18, $0xb8;
	[tilespmem:$0xA880] =	vst v63  }
0xae: {  	_ =	swait.ge [sflag:s8], $0x2800  }
0xaf: {  	[sflag:s8] =	ssyncset.done $0x0  }
0xb0: {  	[sflag:s8] =	ssyncadd.s32 $0xFFFFD800  }
0xb1: {  	[tilespmem:s5], [sflag:$0x1] =	stream.linear.gather [hbm4b:s19+s5], $0x50, $0x38;
	[tilespmem:$0xA880] =	vst v63  }
0xb2: {  	_ =	swait.ge [sflag:s8], $0x50  }
0xb3: {  	[sflag:s8] =	ssyncset.done $0x0  }
0xb4: {  	[sflag:s8] =	ssyncadd.s32 $0xFFFFFFB0  }
0xb5: {  	[tilespmem:s15], [sflag:$0x1] =	stream.linear.gather [hbm4b:s20+s5], $0x2800, $0x38;
	[tilespmem:$0xA880] =	vst v63  }
0xb6: {  	_ =	swait.ge [sflag:s8], $0x2800  }
0xb7: {  	[sflag:s8] =	ssyncset.done $0x0  }
0xb8: {  	[sflag:s8] =	ssyncadd.s32 $0xFFFFD800  }
0xb9: {  	[tilespmem:s17], [sflag:$0x1] =	stream.linear.gather [hbm4b:s21+s5], $0x2800, $0x38;
	[tilespmem:$0xA880] =	vst v63  }
0xba: {  	_ =	swait.ge [sflag:s8], $0x2800  }
0xbb: {  	[sflag:s8] =	ssyncset.done $0x0  }
0xbc: {  	[sflag:s8] =	ssyncadd.s32 $0xFFFFD800  }
0xbd: {  	[spmem:s1] =	stream.indirect.scatter.add.f32 [tilespmem:s15], [sflag:$0x1], $0x80, s5, s18, $0xb8;
	[tilespmem:$0xA880] =	vst v63  }
0xbe: {  	_ =	swait.ge [sflag:s8], $0x2800  }
0xbf: {  	[sflag:s8] =	ssyncset.done $0x0  }
0xc0: {  	[sflag:s8] =	ssyncadd.s32 $0xFFFFD800  }
0xc1: {  	[spmem:s2] =	stream.indirect.scatter.add.f32 [tilespmem:s17], [sflag:$0x1], $0x80, s5, s18, $0xb8;
	[tilespmem:$0xA880] =	vst v63  }
0xc2: {  	_ =	swait.ge [sflag:s8], $0x2800  }
0xc3: {  	[sflag:s8] =	ssyncset.done $0x0  }
0xc4: {  	[sflag:s8] =	ssyncadd.s32 $0xFFFFD800  }
0xc5: {  	[spmem:s3] =	stream.indirect.scatter.add.f32 [tilespmem:s12], [sflag:$0x1], $0x80, s5, s18, $0xb8;
	[tilespmem:$0xA880] =	vst v63  }
0xc6: {  	_ =	swait.ge [sflag:s8], $0x2800  }
0xc7: {  	[sflag:s8] =	ssyncset.done $0x0  }
0xc8: {  	[sflag:s8] =	ssyncadd.s32 $0xFFFFD800  }
0xc9: {  	[tilespmem:s5], [sflag:$0x1] =	stream.linear.gather [hbm4b:s22+s5], $0x50, $0x38;
	[tilespmem:$0xA880] =	vst v63  }
0xca: {  	_ =	swait.ge [sflag:s8], $0x50  }
0xcb: {  	[sflag:s8] =	ssyncset.done $0x0  }
0xcc: {  	[sflag:s8] =	ssyncadd.s32 $0xFFFFFFB0  }
0xcd: {  	[tilespmem:s15], [sflag:$0x1] =	stream.linear.gather [hbm4b:s23+s5], $0x2800, $0x38;
	[tilespmem:$0xA880] =	vst v63  }
0xce: {  	_ =	swait.ge [sflag:s8], $0x2800  }
0xcf: {  	[sflag:s8] =	ssyncset.done $0x0  }
0xd0: {  	[sflag:s8] =	ssyncadd.s32 $0xFFFFD800  }
0xd1: {  	[tilespmem:s17], [sflag:$0x1] =	stream.linear.gather [hbm4b:s24+s5], $0x2800, $0x38;
	[tilespmem:$0xA880] =	vst v63  }
0xd2: {  	_ =	swait.ge [sflag:s8], $0x2800  }
0xd3: {  	[sflag:s8] =	ssyncset.done $0x0  }
0xd4: {  	[sflag:s8] =	ssyncadd.s32 $0xFFFFD800  }
0xd5: {  	[spmem:s1] =	stream.indirect.scatter.add.f32 [tilespmem:s15], [sflag:$0x1], $0x80, s5, s18, $0xb8;
	[tilespmem:$0xA880] =	vst v63  }
0xd6: {  	_ =	swait.ge [sflag:s8], $0x2800  }
0xd7: {  	[sflag:s8] =	ssyncset.done $0x0  }
0xd8: {  	[sflag:s8] =	ssyncadd.s32 $0xFFFFD800  }
0xd9: {  	[spmem:s2] =	stream.indirect.scatter.add.f32 [tilespmem:s17], [sflag:$0x1], $0x80, s5, s18, $0xb8;
	[tilespmem:$0xA880] =	vst v63  }
0xda: {  	_ =	swait.ge [sflag:s8], $0x2800  }
0xdb: {  	[sflag:s8] =	ssyncset.done $0x0  }
0xdc: {  	[sflag:s8] =	ssyncadd.s32 $0xFFFFD800  }
0xdd: {  	[spmem:s3] =	stream.indirect.scatter.add.f32 [tilespmem:s12], [sflag:$0x1], $0x80, s5, s18, $0xb8;
	[tilespmem:$0xA880] =	vst v63  }
0xde: {  	_ =	swait.ge [sflag:s8], $0x2800  }
0xdf: {  	[sflag:s8] =	ssyncset.done $0x0  }
0xe0: {  	[sflag:s8] =	ssyncadd.s32 $0xFFFFD800  }
0xe1: {  	[tilespmem:s5], [sflag:$0x1] =	stream.linear.gather [hbm4b:s25+s5], $0x50, $0x38;
	[tilespmem:$0xA880] =	vst v63  }
0xe2: {  	_ =	swait.ge [sflag:s8], $0x50  }
0xe3: {  	[sflag:s8] =	ssyncset.done $0x0  }
0xe4: {  	[sflag:s8] =	ssyncadd.s32 $0xFFFFFFB0  }
0xe5: {  	[tilespmem:s15], [sflag:$0x1] =	stream.linear.gather [hbm4b:s26+s5], $0x2800, $0x38;
	[tilespmem:$0xA880] =	vst v63  }
0xe6: {  	_ =	swait.ge [sflag:s8], $0x2800  }
0xe7: {  	[sflag:s8] =	ssyncset.done $0x0  }
0xe8: {  	[sflag:s8] =	ssyncadd.s32 $0xFFFFD800  }
0xe9: {  	[tilespmem:s17], [sflag:$0x1] =	stream.linear.gather [hbm4b:s28+s5], $0x2800, $0x38;
	[tilespmem:$0xA880] =	vst v63  }
0xea: {  	_ =	swait.ge [sflag:s8], $0x2800  }
0xeb: {  	[sflag:s8] =	ssyncset.done $0x0  }
0xec: {  	[sflag:s8] =	ssyncadd.s32 $0xFFFFD800  }
0xed: {  	[spmem:s1] =	stream.indirect.scatter.add.f32 [tilespmem:s15], [sflag:$0x1], $0x80, s5, s18, $0xb8;
	[tilespmem:$0xA880] =	vst v63  }
0xee: {  	_ =	swait.ge [sflag:s8], $0x2800  }
0xef: {  	[sflag:s8] =	ssyncset.done $0x0  }
0xf0: {  	[sflag:s8] =	ssyncadd.s32 $0xFFFFD800  }
0xf1: {  	[spmem:s2] =	stream.indirect.scatter.add.f32 [tilespmem:s17], [sflag:$0x1], $0x80, s5, s18, $0xb8;
	[tilespmem:$0xA880] =	vst v63  }
0xf2: {  	_ =	swait.ge [sflag:s8], $0x2800  }
0xf3: {  	[sflag:s8] =	ssyncset.done $0x0  }
0xf4: {  	[sflag:s8] =	ssyncadd.s32 $0xFFFFD800  }
0xf5: {  	[spmem:s3] =	stream.indirect.scatter.add.f32 [tilespmem:s12], [sflag:$0x1], $0x80, s5, s18, $0xb8;
	[tilespmem:$0xA880] =	vst v63  }
0xf6: {  	_ =	swait.ge [sflag:s8], $0x2800  }
0xf7: {  	[sflag:s8] =	ssyncset.done $0x0  }
0xf8: {  	[sflag:s8] =	ssyncadd.s32 $0xFFFFD800  }
0xf9: {  	[bflag:$0x0] =	sbarrier.arrive $0xFFFF  }
0xfa: {  	[hbm:s29], [sflag:s7] =	dma.local [spmem:s9], $0x200  }
0xfb: {  	_ =	swait.ge [sflag:s8], $0x200  }
0xfc: {  	[sflag:s8] =	ssyncset.done $0x0  }
0xfd: {  	[sflag:s8] =	ssyncadd.s32 $0xFFFFFE00  }
0xfe: {  	[hbm:s30], [sflag:s7] =	dma.local [spmem:s10], $0x200  }
0xff: {  	p0 =	sne.s32 s0, $0x1;
	_ =	swait.ge [sflag:s8], $0x200  }
.Ltmp1:
0x100: {  	[sflag:s8] =	ssyncset.done $0x0;
	(pc) =	sbr.rel @p0 .LBB2_1-.Ltmp1, $4  }
0x101: {  	[sflag:s8] =	ssyncadd.s32 $0xFFFFFE00  }
0x102: {  	[hbm:s31], [sflag:s7] =	dma.local [spmem:s11], $0x200  }
0x103: {  	_ =	swait.ge [sflag:s8], $0x200  }
0x104: {  	s0 =	sadd.s32 $0xFFFFFFFF, s0;
	[sflag:s8] =	ssyncset.done $0x0  }
.LBB2_2:
0x105: {  	[sflag:s8] =	ssyncadd.s32 $0xFFFFFE00  }
0x106: {  	_ =	sfence.sel $0x180000  }
0x107: {  	[bflag:$0x0] =	sbarrier.arrive $0xFFFF  }
0x108: {  	_ =	strace $0x90000050  }
0x109: {  	s0 =	stileid.u32;
	[bflag:$0x2] =	sbarrier.arrive $0xFFFF  }
0x10a: {  	p0 =	sne.s32 s0, $0x0;
	s0 =	rddreg [dreg:$0x5]  }
0x10b: {  	s0 =	sadd.s32 @!p0 $0x100000, s0  }
0x10c: {  	[sflag:s0] =	ssyncadd.tile.s32 @!p0 $0x1;
	_ =	shalt  }
.Lfunc_end2:
_tile_overlayer_lowered:
.L_overlay_start_2:
0x10d: {  	(tag) =	ssettag $0x2  }
0x10e: {  	s0 =	rddreg [dreg:$0x0];
	s2 =	stileid.u32  }
0x10f: {  	s1 =	rddreg [dreg:$0x1];
	p0 =	sne.s32 s2, $0x0  }
0x110: {  	s3 =	rddreg [dreg:$0x2];
	[bflag:$0x3] =	sbarrier.arrive $0xFFFF;
	s2 =	simm.s32 @!p0 $0x1C01  }
0x111: {  	[timem:s3], [sflag:s2] =	dma.local @!p0 [hbm:s0], s1  }
0x112: {  	s0 =	simm.s32 @!p0 $0x1  }
0x113: {  	_ =	swait.ge @!p0 [sflag:s0], s1  }
0x114: {  	s1 =	ssub.s32 @!p0 $0x0, s1;
	[sflag:s0] =	ssyncset.done @!p0 $0x0  }
0x115: {  	[sflag:s0] =	ssyncadd.s32 @!p0 s1  }
0x116: {  	[bflag:$0x3] =	sbarrier.arrive $0xFFFF  }
0x117: {  	_ =	shalt  }

// kernel: kernel.20.cloned.1.call-start
scs
__scs_entry_jumppad:
0x0: {  	(pc) =	sbr.rel $0x88, $3  }
0x1: {  	(tag) =	ssettag $0x0;
	lr =	simm.s32 $0x1  }
0x2: {  	[smem:$0x3F9B] =	sst lr;
	_ =	strace $0xD0000000  }
0x3: {  	_ = 	snop  }
0x4: {  	_ = 	snop  }
0x5: {  	_ = 	snop  }
0x6: {  	_ = 	snop  }
0x7: {  	_ = 	snop  }
__scs_overlays_trampoline_lowered:
0x8: {  	[smem:$0x3FAA] =	sst s0  }
0x9: {  	[smem:$0x3FAB] =	sst s1  }
0xa: {  	[smem:$0x3FAC] =	sst s2  }
0xb: {  	[smem:$0x3FAD] =	sst s3  }
0xc: {  	[smem:$0x3FAE] =	sst s4  }
0xd: {  	[smem:$0x3FAF] =	sst s5  }
0xe: {  	[smem:$0x3FB0] =	sst s6  }
0xf: {  	[smem:$0x3FB1] =	sst s7  }
0x10: {  	[smem:$0x3FB2] =	sst s8  }
0x11: {  	[smem:$0x3FB3] =	sst s9;
	s0 =	simm.s32 @!p0 $0x0  }
0x12: {  	s1 =	sld [smem:$0x3F99];
	s0 =	simm.s32 @p0 $0x1  }
0x13: {  	[smem:$0x3FB4] =	sst s0;
	s0 =	simm.s32 @!p1 $0x0  }
0x14: {  	s2 =	sld [smem:$0x3F98];
	s0 =	simm.s32 @p1 $0x1  }
0x15: {  	[smem:$0x3FB5] =	sst s0;
	s0 =	simm.s32 @!p2 $0x0  }
0x16: {  	s3 =	sld [smem:$0x3FDB];
	s0 =	simm.s32 @p2 $0x1  }
0x17: {  	s4 =	simm.s32 $0x1BF5;
	[smem:$0x3FB7] =	sst s0  }
0x18: {  	s0 =	sld [smem:$0x3F9A];
	_ =	swait.ge [sflag:s4], $0x0  }
0x19: {  	s7 =	sld [smem:$0x3F9B]  }
0x1a: {  	s8 =	sadd.s32 $0xFFFFE003, lr  }
0x1b: {  	s9 =	sadd.s32 $0xFFFFFEF7, lr;
	s5 =	simm.s32 $0xFFFFFFFF;
	p2 =	slt.u32 s8, $0xFFFFF086  }
0x1c: {  	p1 =	slt.u32 s9, $0xF7A;
	s5 =	simm.s32 @!p2 $0x0  }
0x1d: {  	s5 =	simm.s32 @p1 $0x1;
	p0 =	seq.s32 s7, s2  }
0x1e: {  	s7 =	smul.u32 @!p0 $0xF7A, s2;
	p2 =	seq.s32 @!p0 s5, $0x0  }
0x1f: {  	s9 =	smul.u32 $0xF7A, s1;
	s8 =	simm.s32 @!p0 $0x1BF5;
	p2 =	por !p2, p0  }
0x20: {  	[sflag:s8] =	ssyncset.s32 @!p0 $0xFFFFF086;
	s6 =	sadd.s32 @!p0 s3, s7;
	s7 =	simm.s32 @!p0 $0x108  }
0x21: {  	s3 =	sadd.s32 s3, s9;
	s6 =	sadd.s32 @!p0 $0x88, s6;
	s7 =	simm.s32 @p2 $0x1082  }
0x22: {  	[simem:s7], [sflag:s8] =	dma.local @!p0 [hbm:s6], $0xF7A  }
0x23: {  	s9 =	sor.u32 $0xD0000000, s2;
	s6 =	simm.s32 $0x108;
	_ =	swait.ge @!p0 [sflag:s8], $0x0  }
0x24: {  	s3 =	sadd.s32 $0x88, s3;
	s6 =	simm.s32 @!p1 $0x1082;
	[sflag:s4] =	ssyncset.s32 $0xFFFFF086  }
0x25: {  	[simem:s6], [sflag:s4] =	dma.local [hbm:s3], $0xF7A  }
0x26: {  	[smem:$0x3F9B] =	sst s1;
	(tag) =	ssettag s2;
	_ =	strace s9  }
0x27: {  	s1 =	sld [smem:$0x3FAB]  }
0x28: {  	s2 =	sld [smem:$0x3FAC]  }
0x29: {  	s4 =	sld [smem:$0x3FAE]  }
0x2a: {  	p0 =	seq.s32 s5, $0x0;
	s5 =	sld [smem:$0x3FAF]  }
0x2b: {  	s6 =	sld [smem:$0x3FB0]  }
0x2c: {  	s7 =	sld [smem:$0x3FB1]  }
0x2d: {  	s3 =	simm.s32 $0x108;
	s8 =	sld [smem:$0x3FB2]  }
0x2e: {  	s3 =	simm.s32 @!p0 $0x1082;
	s9 =	sld [smem:$0x3FB3]  }
0x2f: {  	lr =	sadd.s32 s0, s3;
	s0 =	sld [smem:$0x3FAA]  }
0x30: {  	s3 =	sld [smem:$0x3FAD]  }
0x31: {  	[smem:$0x3FB6] =	sst s10  }
0x32: {  	s10 =	sld [smem:$0x3FB4];
	_ =	sdelay $0x3  }
0x33: {  	p0 =	seq.s32 s10, $0x1;
	s10 =	sld [smem:$0x3FB6];
	_ =	sdelay $0x3  }
0x34: {  	[smem:$0x3FB6] =	sst s10  }
0x35: {  	s10 =	sld [smem:$0x3FB5];
	_ =	sdelay $0x3  }
0x36: {  	p1 =	seq.s32 s10, $0x1;
	s10 =	sld [smem:$0x3FB6];
	_ =	sdelay $0x3  }
0x37: {  	[smem:$0x3FB6] =	sst s10  }
0x38: {  	s10 =	sld [smem:$0x3FB7]  }
0x39: {  	_ = 	snop;
	(pc) =	sbr.ind lr, $3  }
0x3a: {  	_ = 	snop  }
0x3b: {  	_ = 	snop  }
0x3c: {  	p2 =	seq.s32 s10, $0x1;
	s10 =	sld [smem:$0x3FB6]  }
0x3d: {  	_ =	shalt  }
0x3e: {  	_ =	shalt  }
0x3f: {  	_ =	shalt  }
0x40: {  	_ =	shalt  }
0x41: {  	_ =	shalt  }
0x42: {  	_ =	shalt  }
0x43: {  	_ =	shalt  }
0x44: {  	_ =	shalt  }
0x45: {  	_ =	shalt  }
0x46: {  	_ =	shalt  }
0x47: {  	_ =	shalt  }
0x48: {  	_ =	shalt  }
0x49: {  	_ =	shalt  }
0x4a: {  	_ =	shalt  }
0x4b: {  	_ =	shalt  }
0x4c: {  	_ =	shalt  }
0x4d: {  	_ =	shalt  }
0x4e: {  	_ =	shalt  }
0x4f: {  	_ =	shalt  }
0x50: {  	_ =	shalt  }
0x51: {  	_ =	shalt  }
0x52: {  	_ =	shalt  }
0x53: {  	_ =	shalt  }
0x54: {  	_ =	shalt  }
0x55: {  	_ =	shalt  }
0x56: {  	_ =	shalt  }
0x57: {  	_ =	shalt  }
0x58: {  	_ =	shalt  }
0x59: {  	_ =	shalt  }
0x5a: {  	_ =	shalt  }
0x5b: {  	_ =	shalt  }
0x5c: {  	_ =	shalt  }
0x5d: {  	_ =	shalt  }
0x5e: {  	_ =	shalt  }
0x5f: {  	_ =	shalt  }
0x60: {  	_ =	shalt  }
0x61: {  	_ =	shalt  }
0x62: {  	_ =	shalt  }
0x63: {  	_ =	shalt  }
0x64: {  	_ =	shalt  }
0x65: {  	_ =	shalt  }
0x66: {  	_ =	shalt  }
0x67: {  	_ =	shalt  }
0x68: {  	_ =	shalt  }
0x69: {  	_ =	shalt  }
0x6a: {  	_ =	shalt  }
0x6b: {  	_ =	shalt  }
0x6c: {  	_ =	shalt  }
0x6d: {  	_ =	shalt  }
0x6e: {  	_ =	shalt  }
0x6f: {  	_ =	shalt  }
0x70: {  	_ =	shalt  }
0x71: {  	_ =	shalt  }
0x72: {  	_ =	shalt  }
0x73: {  	_ =	shalt  }
0x74: {  	_ =	shalt  }
0x75: {  	_ =	shalt  }
0x76: {  	_ =	shalt  }
0x77: {  	_ =	shalt  }
0x78: {  	_ =	shalt  }
0x79: {  	_ =	shalt  }
0x7a: {  	_ =	shalt  }
0x7b: {  	_ =	shalt  }
0x7c: {  	_ =	shalt  }
0x7d: {  	_ =	shalt  }
0x7e: {  	_ =	shalt  }
0x7f: {  	_ =	shalt  }
0x80: {  	_ =	shalt  }
0x81: {  	_ =	shalt  }
0x82: {  	_ =	shalt  }
0x83: {  	_ =	shalt  }
0x84: {  	_ =	shalt  }
0x85: {  	_ =	shalt  }
0x86: {  	_ =	shalt  }
0x87: {  	_ =	shalt  }
.Lfunc_end0:
.L_simem_size_0:
called_computation.4_lowered:
.L_overlay_start_0:
0x88: {  	s2 =	sld [smem:$0x3FD9]  }
0x89: {  	s3 =	sld [smem:$0x3FFE];
	_ =	sdelay $0x1  }
0x8a: {  	s1 =	srdreg.scid  }
0x8b: {  	s0 =	sand.u32 $0x1, s1  }
0x8c: {  	s17 =	sshll.u32 s0, $0xA;
	s2 =	sadd.s32 s3, s2  }
0x8d: {  	s2 =	sadd.s32 s2, s17  }
0x8e: {  	[smem:$0x3FC2] =	sst s2  }
0x8f: {  	_ = 	snop  }
0x90: {  	s2 =	sld [smem:$0x3FD0];
	(tm) =	ssettm $0x1  }
0x91: {  	s18 =	sld [smem:$0x3FFB];
	_ =	sdelay $0x3  }
0x92: {  	_ =	strace s18  }
0x93: {  	s3 =	sld [smem:$0x3FFC];
	_ =	sdelay $0x3  }
0x94: {  	_ =	strace s3  }
0x95: {  	s3 =	sld [smem:$0x3FFD];
	_ =	sdelay $0x3  }
0x96: {  	_ =	strace s3  }
0x97: {  	_ =	strace $0x8FFFFFFF  }
0x98: {  	s19 =	sld [smem:$0x3FDB];
	_ =	sdelay $0x1  }
0x99: {  	s4 =	simm.s32 $_scs_section_size  }
0x9a: {  	s5 =	simm.s32 $_size__tile_overlayer_lowered;
	s6 =	simm.s32 $_tile_overlayer_lowered  }
0x9b: {  	s22 =	simm.s32 $0x1BFF;
	s21 =	sshll.u32 s6, $0x1;
	s3 =	sadd.s32 s4, s19  }
0x9c: {  	s7 =	simm.s32 $0x0;
	s20 =	sshll.u32 s5, $0x1;
	s5 =	sadd.s32 s21, s3  }
0x9d: {  	[timem:s7], [sflag:s22] =	dma.local [hbm:s5], s20  }
0x9e: {  	_ =	swait.ge [sflag:s22], s20  }
0x9f: {  	s4 =	ssub.s32 $0x0, s20;
	[sflag:s22] =	ssyncset.done $0x0  }
0xa0: {  	[sflag:s22] =	ssyncadd.s32 s4;
	_ =	sdelay $0x1  }
0xa1: {  	s23 =	simm.s32 $0x1B8B  }
0xa2: {  	_ =	swait.ge [sflag:s23], $0x1  }
0xa3: {  	[sflag:s23] =	ssyncset.done $0x0  }
0xa4: {  	s25 =	simm.s32 $0x1B8E;
	s24 =	sld [smem:$0x3FFE];
	[sflag:s23] =	ssyncadd.s32 $0xFFFFFFFF  }
0xa5: {  	s26 =	simm.s32 $execute0_lowered;
	[smem:$0x3FD2] =	sst s25  }
0xa6: {  	s5 =	sshll.u32 s26, $0x1;
	_ =	strace $0x80000052;
	[dreg:$0x1] =	wrdreg $0xFFFFFFFF  }
0xa7: {  	s28 =	simm.s32 $_size_execute0_lowered;
	s3 =	sadd.s32 s3, s5;
	[dreg:$0x0] =	wrdreg $0x0  }
0xa8: {  	s5 =	sshll.u32 s28, $0x1;
	[dreg:$0x2] =	wrdreg s3  }
0xa9: {  	[dreg:$0x3] =	wrdreg s5  }
0xaa: {  	[dreg:$0x4] =	wrdreg $0xC0  }
0xab: {  	_ =	task [dreg:s7], $0x5FFFF  }
0xac: {  	[dreg:$0x1] =	wrdreg $0xFFFFFFFF  }
0xad: {  	[dreg:$0x0] =	wrdreg $0x60  }
0xae: {  	[dreg:$0x2] =	wrdreg s2  }
0xaf: {  	[dreg:$0x3] =	wrdreg s24  }
0xb0: {  	[dreg:$0x4] =	wrdreg $0x9  }
0xb1: {  	_ =	task.clear_ibuf [dreg:s7], $0x5FFFF;
	_ =	strace $0x90000052  }
0xb2: {  	s29 =	simm.s32 $0x9;
	_ =	strace $0x80000054  }
0xb3: {  	_ =	swait.ge [sflag:s29], $0x1  }
0xb4: {  	[sflag:s29] =	ssyncadd.s32 $0xFFFFFFFF  }
0xb5: {  	_ =	strace $0x90000054  }
0xb6: {  	_ =	sfence  }
0xb7: {  	s30 =	sld [smem:$0x0];
	_ =	sdelay $0x2  }
0xb8: {  	s31 =	sshll.u32 s1, $0xD;
	s1 =	sshrl.u32 s1, $0x2  }
0xb9: {  	s3 =	sand.u32 $0x4000, s31;
	s1 =	sadd.s32 s1, s30  }
0xba: {  	s0 =	sor.u32 s3, s0;
	s1 =	sshll.u32 s1, $0x11  }
0xbb: {  	s0 =	sor.u32 s1, s0  }
0xbc: {  	s0 =	sadd.s32 $0x8F2B, s0  }
0xbd: {  	[sflag:s0] =	ssyncadd.remote.s32 $0x1  }
0xbe: {  	_ =	sfence.sel $0xFFFF  }
0xbf: {  	[dreg:$0x0] =	wrdreg $0xFFFFFFFF;
	(pc) =	sbr.abs _section_cstart, $3  }
0xc0: {  	[dreg:$0x1] =	wrdreg $0xFFFFFFFF  }
0xc1: {  	_ =	task.clear_ibuf [dreg:s7], $0x2FFFF;
	_ =	strace $0x9FFFFFFF  }
0xc2: {  	(tm) =	ssettm $0x7FFFFFFF  }
0xc3: {  	_ =	shalt  }
tec
execute0_lowered:
.L_overlay_start_1:
0x0: {  	(tag) =	ssettag $0x1  }
0x1: {  	s0 =	srdreg.scid  }
0x2: {  	s16 =	sand.u32 $0x1, s0  }
0x3: {  	s0 =	stileid.u32;
	s1 =	sshll.u32 s16, $0x4  }
0x4: {  	s2 =	rddreg [dreg:$0x0];
	s9 =	sor.u32 s0, s1  }
0x5: {  	s15 =	rddreg [dreg:$0x1];
	s3 =	simm.s32 $0x0;
	s14 =	smul.u32 $0x140, s9  }
0x6: {  	[smem:$0x7FF] =	sst s3  }
0x7: {  	s17 =	sadd.s32 $0x84800, s15;
	s1 =	rddreg [dreg:$0x2];
	s4 =	sshrl.u32 s14, $0x3  }
0x8: {  	_ =	strace $0x80000053;
	s5 =	sadd.s32 s17, s4;
	s4 =	simm.s32 $0x2  }
0x9: {  	[tilespmem:s3], [sflag:$0x2] =	stream.linear.gather [hbm4b:s5+s3], $0x50, $0x38;
	[tilespmem:$0x2880] =	vst v63  }
0xa: {  	_ =	swait.ge [sflag:s4], $0x50  }
0xb: {  	s6 =	simm.s32 $0x50;
	[sflag:s4] =	ssyncset.done $0x0  }
0xc: {  	s7 =	simm.s32 $0x80;
	s8 =	simm.s32 $0x1;
	[sflag:s4] =	ssyncadd.s32 $0xFFFFFFB0  }
0xd: {  	[tilespmem:s7], [sflag:$0x1] =	stream.indirect.gather [hbm4b:s2+s6], $0x80, s3, s6, $0xb8;
	[tilespmem:$0x2880] =	vst v63  }
0xe: {  	s9 =	smul.u32 $0x1400, s9;
	_ =	swait.ge [sflag:s8], $0x2800  }
0xf: {  	[sflag:s8] =	ssyncset.done $0x0  }
0x10: {  	s9 =	sadd.s32 s15, s9;
	[sflag:s8] =	ssyncadd.s32 $0xFFFFD800  }
0x11: {  	[hbm4b:s9+s3] =	stream.linear.scatter [tilespmem:s7], [sflag:$0x2], $0x2800, $0x38;
	[tilespmem:$0x2880] =	vst v63  }
0x12: {  	s11 =	sadd.s32 $0x50, s14;
	_ =	swait.ge [sflag:s4], $0x2800  }
0x13: {  	s10 =	sshrl.u32 s11, $0x3;
	[sflag:s4] =	ssyncset.done $0x0  }
0x14: {  	s10 =	sadd.s32 s17, s10;
	[sflag:s4] =	ssyncadd.s32 $0xFFFFD800  }
0x15: {  	[tilespmem:s3], [sflag:$0x2] =	stream.linear.gather [hbm4b:s10+s3], $0x50, $0x38;
	[tilespmem:$0x2880] =	vst v63  }
0x16: {  	_ =	swait.ge [sflag:s4], $0x50  }
0x17: {  	[sflag:s4] =	ssyncset.done $0x0  }
0x18: {  	[sflag:s4] =	ssyncadd.s32 $0xFFFFFFB0  }
0x19: {  	[tilespmem:s7], [sflag:$0x1] =	stream.indirect.gather [hbm4b:s2+s6], $0x80, s3, s6, $0xb8;
	[tilespmem:$0x2880] =	vst v63  }
0x1a: {  	_ =	swait.ge [sflag:s8], $0x2800  }
0x1b: {  	s11 =	sshll.u32 s11, $0x4;
	[sflag:s8] =	ssyncset.done $0x0  }
0x1c: {  	s11 =	sadd.s32 s15, s11;
	[sflag:s8] =	ssyncadd.s32 $0xFFFFD800  }
0x1d: {  	[hbm4b:s11+s3] =	stream.linear.scatter [tilespmem:s7], [sflag:$0x2], $0x2800, $0x38;
	[tilespmem:$0x2880] =	vst v63  }
0x1e: {  	s13 =	sadd.s32 $0xA0, s14;
	_ =	swait.ge [sflag:s4], $0x2800  }
0x1f: {  	s12 =	sshrl.u32 s13, $0x3;
	[sflag:s4] =	ssyncset.done $0x0  }
0x20: {  	s12 =	sadd.s32 s17, s12;
	[sflag:s4] =	ssyncadd.s32 $0xFFFFD800  }
0x21: {  	[tilespmem:s3], [sflag:$0x2] =	stream.linear.gather [hbm4b:s12+s3], $0x50, $0x38;
	[tilespmem:$0x2880] =	vst v63  }
0x22: {  	_ =	swait.ge [sflag:s4], $0x50  }
0x23: {  	[sflag:s4] =	ssyncset.done $0x0  }
0x24: {  	[sflag:s4] =	ssyncadd.s32 $0xFFFFFFB0  }
0x25: {  	[tilespmem:s7], [sflag:$0x1] =	stream.indirect.gather [hbm4b:s2+s6], $0x80, s3, s6, $0xb8;
	[tilespmem:$0x2880] =	vst v63  }
0x26: {  	_ =	swait.ge [sflag:s8], $0x2800  }
0x27: {  	s13 =	sshll.u32 s13, $0x4;
	[sflag:s8] =	ssyncset.done $0x0  }
0x28: {  	s13 =	sadd.s32 s15, s13;
	[sflag:s8] =	ssyncadd.s32 $0xFFFFD800  }
0x29: {  	[hbm4b:s13+s3] =	stream.linear.scatter [tilespmem:s7], [sflag:$0x2], $0x2800, $0x38;
	[tilespmem:$0x2880] =	vst v63  }
0x2a: {  	s18 =	sadd.s32 $0xF0, s14;
	_ =	swait.ge [sflag:s4], $0x2800  }
0x2b: {  	s14 =	sshrl.u32 s18, $0x3;
	[sflag:s4] =	ssyncset.done $0x0  }
0x2c: {  	s16 =	ssub.s32 $0x2, s16;
	s14 =	sadd.s32 s17, s14;
	[sflag:s4] =	ssyncadd.s32 $0xFFFFD800  }
0x2d: {  	[tilespmem:s3], [sflag:$0x2] =	stream.linear.gather [hbm4b:s14+s3], $0x50, $0x38;
	[tilespmem:$0x2880] =	vst v63  }
0x2e: {  	s30 =	sshrl.u32 s16, $0x1;
	_ =	swait.ge [sflag:s4], $0x50  }
0x2f: {  	s16 =	ssub.s32 s16, s30;
	[sflag:s4] =	ssyncset.done $0x0  }
0x30: {  	s16 =	smax.u32 s16, $0x1;
	[sflag:s4] =	ssyncadd.s32 $0xFFFFFFB0  }
0x31: {  	[tilespmem:s7], [sflag:$0x1] =	stream.indirect.gather [hbm4b:s2+s6], $0x80, s3, s6, $0xb8;
	[tilespmem:$0x2880] =	vst v63  }
0x32: {  	p0 =	sne.s32 s16, $0x1;
	_ =	swait.ge [sflag:s8], $0x2800  }
.Ltmp0:
0x33: {  	s31 =	sshll.u32 s18, $0x4;
	[sflag:s8] =	ssyncset.done $0x0;
	(pc) =	sbr.rel @!p0 .LBB2_2-.Ltmp0, $4  }
0x34: {  	s15 =	sadd.s32 s15, s31;
	[sflag:s8] =	ssyncadd.s32 $0xFFFFD800  }
0x35: {  	[hbm4b:s15+s3] =	stream.linear.scatter [tilespmem:s7], [sflag:$0x2], $0x2800, $0x38;
	[tilespmem:$0x2880] =	vst v63  }
0x36: {  	_ =	swait.ge [sflag:s4], $0x2800  }
0x37: {  	s16 =	sadd.s32 $0xFFFFFFFF, s16;
	[sflag:s4] =	ssyncset.done $0x0  }
.LBB2_1:
0x38: {  	p0 =	sne.s32 s16, $0x1;
	s16 =	sadd.s32 $0xFFFFFFFF, s16;
	[sflag:s4] =	ssyncadd.s32 $0xFFFFD800  }
0x39: {  	[tilespmem:s3], [sflag:$0x2] =	stream.linear.gather [hbm4b:s5+s3], $0x50, $0x38;
	[tilespmem:$0x2880] =	vst v63  }
0x3a: {  	_ =	swait.ge [sflag:s4], $0x50  }
0x3b: {  	[sflag:s4] =	ssyncset.done $0x0  }
0x3c: {  	[sflag:s4] =	ssyncadd.s32 $0xFFFFFFB0  }
0x3d: {  	[tilespmem:s7], [sflag:$0x1] =	stream.indirect.gather [hbm4b:s2+s6], $0x80, s3, s6, $0xb8;
	[tilespmem:$0x2880] =	vst v63  }
0x3e: {  	_ =	swait.ge [sflag:s8], $0x2800  }
0x3f: {  	[sflag:s8] =	ssyncset.done $0x0  }
0x40: {  	[sflag:s8] =	ssyncadd.s32 $0xFFFFD800  }
0x41: {  	[hbm4b:s9+s3] =	stream.linear.scatter [tilespmem:s7], [sflag:$0x2], $0x2800, $0x38;
	[tilespmem:$0x2880] =	vst v63  }
0x42: {  	_ =	swait.ge [sflag:s4], $0x2800  }
0x43: {  	[sflag:s4] =	ssyncset.done $0x0  }
0x44: {  	[sflag:s4] =	ssyncadd.s32 $0xFFFFD800  }
0x45: {  	[tilespmem:s3], [sflag:$0x2] =	stream.linear.gather [hbm4b:s10+s3], $0x50, $0x38;
	[tilespmem:$0x2880] =	vst v63  }
0x46: {  	_ =	swait.ge [sflag:s4], $0x50  }
0x47: {  	[sflag:s4] =	ssyncset.done $0x0  }
0x48: {  	[sflag:s4] =	ssyncadd.s32 $0xFFFFFFB0  }
0x49: {  	[tilespmem:s7], [sflag:$0x1] =	stream.indirect.gather [hbm4b:s2+s6], $0x80, s3, s6, $0xb8;
	[tilespmem:$0x2880] =	vst v63  }
0x4a: {  	_ =	swait.ge [sflag:s8], $0x2800  }
0x4b: {  	[sflag:s8] =	ssyncset.done $0x0  }
0x4c: {  	[sflag:s8] =	ssyncadd.s32 $0xFFFFD800  }
0x4d: {  	[hbm4b:s11+s3] =	stream.linear.scatter [tilespmem:s7], [sflag:$0x2], $0x2800, $0x38;
	[tilespmem:$0x2880] =	vst v63  }
0x4e: {  	_ =	swait.ge [sflag:s4], $0x2800  }
0x4f: {  	[sflag:s4] =	ssyncset.done $0x0  }
0x50: {  	[sflag:s4] =	ssyncadd.s32 $0xFFFFD800  }
0x51: {  	[tilespmem:s3], [sflag:$0x2] =	stream.linear.gather [hbm4b:s12+s3], $0x50, $0x38;
	[tilespmem:$0x2880] =	vst v63  }
0x52: {  	_ =	swait.ge [sflag:s4], $0x50  }
0x53: {  	[sflag:s4] =	ssyncset.done $0x0  }
0x54: {  	[sflag:s4] =	ssyncadd.s32 $0xFFFFFFB0  }
0x55: {  	[tilespmem:s7], [sflag:$0x1] =	stream.indirect.gather [hbm4b:s2+s6], $0x80, s3, s6, $0xb8;
	[tilespmem:$0x2880] =	vst v63  }
0x56: {  	_ =	swait.ge [sflag:s8], $0x2800  }
0x57: {  	[sflag:s8] =	ssyncset.done $0x0  }
0x58: {  	[sflag:s8] =	ssyncadd.s32 $0xFFFFD800  }
0x59: {  	[hbm4b:s13+s3] =	stream.linear.scatter [tilespmem:s7], [sflag:$0x2], $0x2800, $0x38;
	[tilespmem:$0x2880] =	vst v63  }
0x5a: {  	_ =	swait.ge [sflag:s4], $0x2800  }
0x5b: {  	[sflag:s4] =	ssyncset.done $0x0  }
0x5c: {  	[sflag:s4] =	ssyncadd.s32 $0xFFFFD800  }
0x5d: {  	[tilespmem:s3], [sflag:$0x2] =	stream.linear.gather [hbm4b:s14+s3], $0x50, $0x38;
	[tilespmem:$0x2880] =	vst v63  }
0x5e: {  	_ =	swait.ge [sflag:s4], $0x50  }
0x5f: {  	[sflag:s4] =	ssyncset.done $0x0  }
0x60: {  	[sflag:s4] =	ssyncadd.s32 $0xFFFFFFB0  }
0x61: {  	[tilespmem:s7], [sflag:$0x1] =	stream.indirect.gather [hbm4b:s2+s6], $0x80, s3, s6, $0xb8;
	[tilespmem:$0x2880] =	vst v63  }
0x62: {  	_ =	swait.ge [sflag:s8], $0x2800  }
.Ltmp1:
0x63: {  	[sflag:s8] =	ssyncset.done $0x0;
	(pc) =	sbr.rel @p0 .LBB2_1-.Ltmp1, $4  }
0x64: {  	[sflag:s8] =	ssyncadd.s32 $0xFFFFD800  }
0x65: {  	[hbm4b:s15+s3] =	stream.linear.scatter [tilespmem:s7], [sflag:$0x2], $0x2800, $0x38;
	[tilespmem:$0x2880] =	vst v63  }
0x66: {  	_ =	swait.ge [sflag:s4], $0x2800  }
0x67: {  	[sflag:s4] =	ssyncset.done $0x0  }
.LBB2_2:
0x68: {  	[sflag:s4] =	ssyncadd.s32 $0xFFFFD800  }
0x69: {  	_ =	sfence.sel $0x180000  }
0x6a: {  	[bflag:$0x0] =	sbarrier.arrive $0xFFFF  }
0x6b: {  	p0 =	sne.s32 s0, $0x0;
	_ =	strace $0x90000053  }
0x6c: {  	s0 =	sadd.s32 @!p0 $0x100000, s1;
	[bflag:$0x2] =	sbarrier.arrive $0xFFFF  }
0x6d: {  	[sflag:s0] =	ssyncadd.tile.s32 @!p0 $0x1;
	_ =	shalt  }
.Lfunc_end2:
_tile_overlayer_lowered:
.L_overlay_start_2:
0x6e: {  	(tag) =	ssettag $0x2  }
0x6f: {  	s0 =	rddreg [dreg:$0x0];
	s2 =	stileid.u32  }
0x70: {  	s1 =	rddreg [dreg:$0x1];
	p0 =	sne.s32 s2, $0x0  }
0x71: {  	s3 =	rddreg [dreg:$0x2];
	[bflag:$0x3] =	sbarrier.arrive $0xFFFF;
	s2 =	simm.s32 @!p0 $0x1C02  }
0x72: {  	[timem:s3], [sflag:s2] =	dma.local @!p0 [hbm:s0], s1  }
0x73: {  	s0 =	simm.s32 @!p0 $0x2  }
0x74: {  	_ =	swait.ge @!p0 [sflag:s0], s1  }
0x75: {  	s1 =	ssub.s32 @!p0 $0x0, s1;
	[sflag:s0] =	ssyncset.done @!p0 $0x0  }
0x76: {  	[sflag:s0] =	ssyncadd.s32 @!p0 s1  }
0x77: {  	[bflag:$0x3] =	sbarrier.arrive $0xFFFF  }
0x78: {  	_ =	shalt  }

// kernel: kernel.8.cloned.1.call-start
scs
__scs_entry_jumppad:
0x0: {  	(pc) =	sbr.rel $0x88, $3  }
0x1: {  	(tag) =	ssettag $0x0;
	lr =	simm.s32 $0x1  }
0x2: {  	[smem:$0x3F9B] =	sst lr;
	_ =	strace $0xD0000000  }
0x3: {  	_ = 	snop  }
0x4: {  	_ = 	snop  }
0x5: {  	_ = 	snop  }
0x6: {  	_ = 	snop  }
0x7: {  	_ = 	snop  }
__scs_overlays_trampoline_lowered:
0x8: {  	[smem:$0x3FAA] =	sst s0  }
0x9: {  	[smem:$0x3FAB] =	sst s1  }
0xa: {  	[smem:$0x3FAC] =	sst s2  }
0xb: {  	[smem:$0x3FAD] =	sst s3  }
0xc: {  	[smem:$0x3FAE] =	sst s4  }
0xd: {  	[smem:$0x3FAF] =	sst s5  }
0xe: {  	[smem:$0x3FB0] =	sst s6  }
0xf: {  	[smem:$0x3FB1] =	sst s7  }
0x10: {  	[smem:$0x3FB2] =	sst s8  }
0x11: {  	[smem:$0x3FB3] =	sst s9;
	s0 =	simm.s32 @!p0 $0x0  }
0x12: {  	s1 =	sld [smem:$0x3F99];
	s0 =	simm.s32 @p0 $0x1  }
0x13: {  	[smem:$0x3FB4] =	sst s0;
	s0 =	simm.s32 @!p1 $0x0  }
0x14: {  	s2 =	sld [smem:$0x3F98];
	s0 =	simm.s32 @p1 $0x1  }
0x15: {  	[smem:$0x3FB5] =	sst s0;
	s0 =	simm.s32 @!p2 $0x0  }
0x16: {  	s3 =	sld [smem:$0x3FDB];
	s0 =	simm.s32 @p2 $0x1  }
0x17: {  	s4 =	simm.s32 $0x1BF5;
	[smem:$0x3FB7] =	sst s0  }
0x18: {  	s0 =	sld [smem:$0x3F9A];
	_ =	swait.ge [sflag:s4], $0x0  }
0x19: {  	s7 =	sld [smem:$0x3F9B]  }
0x1a: {  	s8 =	sadd.s32 $0xFFFFE003, lr  }
0x1b: {  	s9 =	sadd.s32 $0xFFFFFEF7, lr;
	s5 =	simm.s32 $0xFFFFFFFF;
	p2 =	slt.u32 s8, $0xFFFFF086  }
0x1c: {  	p1 =	slt.u32 s9, $0xF7A;
	s5 =	simm.s32 @!p2 $0x0  }
0x1d: {  	s5 =	simm.s32 @p1 $0x1;
	p0 =	seq.s32 s7, s2  }
0x1e: {  	s7 =	smul.u32 @!p0 $0xF7A, s2;
	p2 =	seq.s32 @!p0 s5, $0x0  }
0x1f: {  	s9 =	smul.u32 $0xF7A, s1;
	s8 =	simm.s32 @!p0 $0x1BF5;
	p2 =	por !p2, p0  }
0x20: {  	[sflag:s8] =	ssyncset.s32 @!p0 $0xFFFFF086;
	s6 =	sadd.s32 @!p0 s3, s7;
	s7 =	simm.s32 @!p0 $0x108  }
0x21: {  	s3 =	sadd.s32 s3, s9;
	s6 =	sadd.s32 @!p0 $0x88, s6;
	s7 =	simm.s32 @p2 $0x1082  }
0x22: {  	[simem:s7], [sflag:s8] =	dma.local @!p0 [hbm:s6], $0xF7A  }
0x23: {  	s9 =	sor.u32 $0xD0000000, s2;
	s6 =	simm.s32 $0x108;
	_ =	swait.ge @!p0 [sflag:s8], $0x0  }
0x24: {  	s3 =	sadd.s32 $0x88, s3;
	s6 =	simm.s32 @!p1 $0x1082;
	[sflag:s4] =	ssyncset.s32 $0xFFFFF086  }
0x25: {  	[simem:s6], [sflag:s4] =	dma.local [hbm:s3], $0xF7A  }
0x26: {  	[smem:$0x3F9B] =	sst s1;
	(tag) =	ssettag s2;
	_ =	strace s9  }
0x27: {  	s1 =	sld [smem:$0x3FAB]  }
0x28: {  	s2 =	sld [smem:$0x3FAC]  }
0x29: {  	s4 =	sld [smem:$0x3FAE]  }
0x2a: {  	p0 =	seq.s32 s5, $0x0;
	s5 =	sld [smem:$0x3FAF]  }
0x2b: {  	s6 =	sld [smem:$0x3FB0]  }
0x2c: {  	s7 =	sld [smem:$0x3FB1]  }
0x2d: {  	s3 =	simm.s32 $0x108;
	s8 =	sld [smem:$0x3FB2]  }
0x2e: {  	s3 =	simm.s32 @!p0 $0x1082;
	s9 =	sld [smem:$0x3FB3]  }
0x2f: {  	lr =	sadd.s32 s0, s3;
	s0 =	sld [smem:$0x3FAA]  }
0x30: {  	s3 =	sld [smem:$0x3FAD]  }
0x31: {  	[smem:$0x3FB6] =	sst s10  }
0x32: {  	s10 =	sld [smem:$0x3FB4];
	_ =	sdelay $0x3  }
0x33: {  	p0 =	seq.s32 s10, $0x1;
	s10 =	sld [smem:$0x3FB6];
	_ =	sdelay $0x3  }
0x34: {  	[smem:$0x3FB6] =	sst s10  }
0x35: {  	s10 =	sld [smem:$0x3FB5];
	_ =	sdelay $0x3  }
0x36: {  	p1 =	seq.s32 s10, $0x1;
	s10 =	sld [smem:$0x3FB6];
	_ =	sdelay $0x3  }
0x37: {  	[smem:$0x3FB6] =	sst s10  }
0x38: {  	s10 =	sld [smem:$0x3FB7]  }
0x39: {  	_ = 	snop;
	(pc) =	sbr.ind lr, $3  }
0x3a: {  	_ = 	snop  }
0x3b: {  	_ = 	snop  }
0x3c: {  	p2 =	seq.s32 s10, $0x1;
	s10 =	sld [smem:$0x3FB6]  }
0x3d: {  	_ =	shalt  }
0x3e: {  	_ =	shalt  }
0x3f: {  	_ =	shalt  }
0x40: {  	_ =	shalt  }
0x41: {  	_ =	shalt  }
0x42: {  	_ =	shalt  }
0x43: {  	_ =	shalt  }
0x44: {  	_ =	shalt  }
0x45: {  	_ =	shalt  }
0x46: {  	_ =	shalt  }
0x47: {  	_ =	shalt  }
0x48: {  	_ =	shalt  }
0x49: {  	_ =	shalt  }
0x4a: {  	_ =	shalt  }
0x4b: {  	_ =	shalt  }
0x4c: {  	_ =	shalt  }
0x4d: {  	_ =	shalt  }
0x4e: {  	_ =	shalt  }
0x4f: {  	_ =	shalt  }
0x50: {  	_ =	shalt  }
0x51: {  	_ =	shalt  }
0x52: {  	_ =	shalt  }
0x53: {  	_ =	shalt  }
0x54: {  	_ =	shalt  }
0x55: {  	_ =	shalt  }
0x56: {  	_ =	shalt  }
0x57: {  	_ =	shalt  }
0x58: {  	_ =	shalt  }
0x59: {  	_ =	shalt  }
0x5a: {  	_ =	shalt  }
0x5b: {  	_ =	shalt  }
0x5c: {  	_ =	shalt  }
0x5d: {  	_ =	shalt  }
0x5e: {  	_ =	shalt  }
0x5f: {  	_ =	shalt  }
0x60: {  	_ =	shalt  }
0x61: {  	_ =	shalt  }
0x62: {  	_ =	shalt  }
0x63: {  	_ =	shalt  }
0x64: {  	_ =	shalt  }
0x65: {  	_ =	shalt  }
0x66: {  	_ =	shalt  }
0x67: {  	_ =	shalt  }
0x68: {  	_ =	shalt  }
0x69: {  	_ =	shalt  }
0x6a: {  	_ =	shalt  }
0x6b: {  	_ =	shalt  }
0x6c: {  	_ =	shalt  }
0x6d: {  	_ =	shalt  }
0x6e: {  	_ =	shalt  }
0x6f: {  	_ =	shalt  }
0x70: {  	_ =	shalt  }
0x71: {  	_ =	shalt  }
0x72: {  	_ =	shalt  }
0x73: {  	_ =	shalt  }
0x74: {  	_ =	shalt  }
0x75: {  	_ =	shalt  }
0x76: {  	_ =	shalt  }
0x77: {  	_ =	shalt  }
0x78: {  	_ =	shalt  }
0x79: {  	_ =	shalt  }
0x7a: {  	_ =	shalt  }
0x7b: {  	_ =	shalt  }
0x7c: {  	_ =	shalt  }
0x7d: {  	_ =	shalt  }
0x7e: {  	_ =	shalt  }
0x7f: {  	_ =	shalt  }
0x80: {  	_ =	shalt  }
0x81: {  	_ =	shalt  }
0x82: {  	_ =	shalt  }
0x83: {  	_ =	shalt  }
0x84: {  	_ =	shalt  }
0x85: {  	_ =	shalt  }
0x86: {  	_ =	shalt  }
0x87: {  	_ =	shalt  }
.Lfunc_end0:
.L_simem_size_0:
called_computation_lowered:
.L_overlay_start_0:
0x88: {  	s2 =	sld [smem:$0x3FD9]  }
0x89: {  	s3 =	sld [smem:$0x3FFE];
	_ =	sdelay $0x1  }
0x8a: {  	s1 =	srdreg.scid  }
0x8b: {  	s0 =	sand.u32 $0x1, s1  }
0x8c: {  	s16 =	sshll.u32 s0, $0xA;
	s2 =	sadd.s32 s3, s2  }
0x8d: {  	s2 =	sadd.s32 s2, s16  }
0x8e: {  	[smem:$0x3FC2] =	sst s2  }
0x8f: {  	_ = 	snop  }
0x90: {  	(tm) =	ssettm $0x1  }
0x91: {  	s17 =	sld [smem:$0x3FFB];
	_ =	sdelay $0x3  }
0x92: {  	_ =	strace s17  }
0x93: {  	s2 =	sld [smem:$0x3FFC];
	_ =	sdelay $0x3  }
0x94: {  	_ =	strace s2  }
0x95: {  	s2 =	sld [smem:$0x3FFD];
	_ =	sdelay $0x3  }
0x96: {  	_ =	strace s2  }
0x97: {  	_ =	strace $0x8FFFFFFF  }
0x98: {  	s18 =	sld [smem:$0x3FDB];
	_ =	sdelay $0x1  }
0x99: {  	s19 =	simm.s32 $_scs_section_size  }
0x9a: {  	s4 =	simm.s32 $_size__tile_overlayer_lowered;
	s5 =	simm.s32 $_tile_overlayer_lowered  }
0x9b: {  	s22 =	simm.s32 $0x1BFF;
	s21 =	sshll.u32 s5, $0x1;
	s2 =	sadd.s32 s19, s18  }
0x9c: {  	s6 =	simm.s32 $0x0;
	s20 =	sshll.u32 s4, $0x1;
	s4 =	sadd.s32 s21, s2  }
0x9d: {  	[timem:s6], [sflag:s22] =	dma.local [hbm:s4], s20  }
0x9e: {  	_ =	swait.ge [sflag:s22], s20  }
0x9f: {  	s3 =	ssub.s32 $0x0, s20;
	[sflag:s22] =	ssyncset.done $0x0  }
0xa0: {  	[sflag:s22] =	ssyncadd.s32 s3;
	_ =	sdelay $0x1  }
0xa1: {  	s23 =	simm.s32 $0x1B8B  }
0xa2: {  	_ =	swait.ge [sflag:s23], $0x1  }
0xa3: {  	[sflag:s23] =	ssyncset.done $0x0  }
0xa4: {  	s25 =	simm.s32 $0x1B8E;
	s24 =	sld [smem:$0x3FFE];
	[sflag:s23] =	ssyncadd.s32 $0xFFFFFFFF  }
0xa5: {  	s26 =	simm.s32 $execute0_lowered;
	[smem:$0x3FD2] =	sst s25  }
0xa6: {  	s4 =	sshll.u32 s26, $0x1;
	_ =	strace $0x80000046;
	[dreg:$0x1] =	wrdreg $0xFFFFFFFF  }
0xa7: {  	s28 =	simm.s32 $_size_execute0_lowered;
	s2 =	sadd.s32 s2, s4;
	[dreg:$0x0] =	wrdreg $0x0  }
0xa8: {  	s4 =	sshll.u32 s28, $0x1;
	[dreg:$0x2] =	wrdreg s2  }
0xa9: {  	[dreg:$0x3] =	wrdreg s4  }
0xaa: {  	[dreg:$0x4] =	wrdreg $0xC0  }
0xab: {  	_ =	task [dreg:s6], $0x5FFFF  }
0xac: {  	[dreg:$0x1] =	wrdreg $0xFFFFFFFF  }
0xad: {  	[dreg:$0x0] =	wrdreg $0x60  }
0xae: {  	[dreg:$0x2] =	wrdreg s24  }
0xaf: {  	[dreg:$0x3] =	wrdreg $0x9  }
0xb0: {  	_ =	task.clear_ibuf [dreg:s6], $0x4FFFF;
	_ =	strace $0x90000046  }
0xb1: {  	s29 =	simm.s32 $0x9;
	_ =	strace $0x80000048  }
0xb2: {  	_ =	swait.ge [sflag:s29], $0x1  }
0xb3: {  	[sflag:s29] =	ssyncadd.s32 $0xFFFFFFFF  }
0xb4: {  	_ =	strace $0x90000048  }
0xb5: {  	_ =	sfence  }
0xb6: {  	s30 =	sld [smem:$0x0];
	_ =	sdelay $0x2  }
0xb7: {  	s31 =	sshll.u32 s1, $0xD;
	s1 =	sshrl.u32 s1, $0x2  }
0xb8: {  	s3 =	sand.u32 $0x4000, s31;
	s1 =	sadd.s32 s1, s30  }
0xb9: {  	s0 =	sor.u32 s3, s0;
	s1 =	sshll.u32 s1, $0x11  }
0xba: {  	s0 =	sor.u32 s1, s0  }
0xbb: {  	s0 =	sadd.s32 $0x8F2B, s0  }
0xbc: {  	[sflag:s0] =	ssyncadd.remote.s32 $0x1  }
0xbd: {  	_ =	sfence.sel $0xFFFF  }
0xbe: {  	[dreg:$0x0] =	wrdreg $0xFFFFFFFF;
	(pc) =	sbr.abs _section_cstart, $3  }
0xbf: {  	[dreg:$0x1] =	wrdreg $0xFFFFFFFF  }
0xc0: {  	_ =	task.clear_ibuf [dreg:s6], $0x2FFFF;
	_ =	strace $0x9FFFFFFF  }
0xc1: {  	(tm) =	ssettm $0x7FFFFFFF  }
tec
execute0_lowered:
.L_overlay_start_1:
0x0: {  	(tag) =	ssettag $0x1  }
0x1: {  	s0 =	srdreg.scid  }
0x2: {  	s8 =	rddreg [dreg:$0x0];
	s2 =	simm.s32 $0x0;
	s11 =	simm.s32 $0x100  }
0x3: {  	s12 =	simm.s32 $0x2;
	s13 =	simm.s32 $0x3;
	s3 =	sand.u32 $0x1, s0  }
0x4: {  	s14 =	simm.s32 $0x0;
	s0 =	stileid.u32;
	s5 =	smul.u32 $0x28000, s3  }
0x5: {  	s1 =	sshll.u32 s3, $0x4;
	s3 =	ssub.s32 $0x2, s3;
	s6 =	smul.u32 $0x2800, s0  }
0x6: {  	[smem:$0x7FF] =	sst s2;
	s1 =	sor.u32 s0, s1;
	s7 =	sshrl.u32 s3, $0x1  }
0x7: {  	s4 =	smul.u32 $0x2800, s1;
	s1 =	rddreg [dreg:$0x1];
	s5 =	sadd.s32 s6, s5  }
0x8: {  	_ =	strace $0x80000047;
	s7 =	ssub.s32 s3, s7;
	s6 =	sor.u32 $0x180, s5  }
0x9: {  	s9 =	sor.u32 $0x100, s5;
	s4 =	sshrl.u32 s4, $0x3;
	s10 =	sshrl.u32 s6, $0x3  }
0xa: {  	s9 =	sshrl.u32 s9, $0x3;
	s6 =	smax.u32 s7, $0x1;
	s3 =	sadd.s32 s8, s4  }
0xb: {  	s7 =	sadd.s32 s10, s8;
	s8 =	sadd.s32 s9, s8;
	s9 =	simm.s32 $0x80  }
0xc: {  	v0 =	vimm.f32 $0.0e+00;
	s10 =	simm.s32 $0x1;
	s4 =	sadd.s32 $0x10, s3;
	s5 =	sadd.s32 $0xA000, s3  }
.LBB2_1:
0xd: {  	s15 =	simm.s32 $0x40;
	s16 =	simm.s32 $0x0  }
.LBB2_2:
0xe: {  	p0 =	sne.s32 s15, $0x9FC0;
	[tilespmem:s16+$0x100] =	vst v0;
	s16 =	smov.u32 s15;
	s15 =	sadd.s32 $0x40, s15  }
.Ltmp0:
0xf: {  	(pc) =	sbr.rel @p0 .LBB2_2-.Ltmp0, $2  }
0x10: {  	_ =	sdelay $0x2  }
0x11: {  	s16 =	sshra.s32 s16, $0x2  }
0x12: {  	[tilespmem:s16+$0x100] =	vst v0;
	s15 =	simm.s32 $0x0  }
0x13: {  	[tilespmem:s15], [sflag:$0x1] =	stream.linear.gather [hbm4b:s3+s15], $0x80, $0x38;
	[tilespmem:$0x2900] =	vst v63  }
0x14: {  	_ = 	snop  }
0x15: {  	[tilespmem:s9], [sflag:$0x2] =	stream.linear.gather [hbm4b:s4+s15], $0x80, $0x38;
	[tilespmem:$0x2900] =	vst v63  }
.LBB2_4:
0x16: {  	_ =	swait.ge [sflag:s10], $0x80  }
0x17: {  	[sflag:s10] =	ssyncset.done $0x0  }
0x18: {  	[sflag:s10] =	ssyncadd.s32 $0xFFFFFF80  }
0x19: {  	v1 =	vld [tilespmem:$0x0];
	_ =	sdelay $0x4  }
0x1a: {  	(xrf1) =	vunique.msk.u32 $0xffff, v1;
	_ =	sdelay $0xd  }
0x1b: {  	_, v2, vm0 =	vpop (xrf1);
	_ =	sdelay $0x3  }
0x1c: {  	v2 =	vcvt.s32.f32 v2;
	_ =	sdelay $0x1  }
0x1d: {  	[tilespmem:v1+s11+$0x0] =	vst.idx.add.f32.msk vm0, v2  }
0x1e: {  	v1 =	vld [tilespmem:$0x10];
	_ =	sdelay $0x4  }
0x1f: {  	(xrf1) =	vunique.msk.u32 $0xffff, v1;
	_ =	sdelay $0xd  }
0x20: {  	_, v2, vm0 =	vpop (xrf1);
	_ =	sdelay $0x3  }
0x21: {  	v2 =	vcvt.s32.f32 v2;
	_ =	sdelay $0x1  }
0x22: {  	[tilespmem:v1+s11+$0x0] =	vst.idx.add.f32.msk vm0, v2  }
0x23: {  	v1 =	vld [tilespmem:$0x20];
	_ =	sdelay $0x4  }
0x24: {  	(xrf1) =	vunique.msk.u32 $0xffff, v1;
	_ =	sdelay $0xd  }
0x25: {  	_, v2, vm0 =	vpop (xrf1);
	_ =	sdelay $0x3  }
0x26: {  	v2 =	vcvt.s32.f32 v2;
	_ =	sdelay $0x1  }
0x27: {  	[tilespmem:v1+s11+$0x0] =	vst.idx.add.f32.msk vm0, v2  }
0x28: {  	v1 =	vld [tilespmem:$0x30];
	_ =	sdelay $0x4  }
0x29: {  	(xrf1) =	vunique.msk.u32 $0xffff, v1;
	_ =	sdelay $0xd  }
0x2a: {  	_, v2, vm0 =	vpop (xrf1);
	_ =	sdelay $0x3  }
0x2b: {  	v2 =	vcvt.s32.f32 v2;
	_ =	sdelay $0x1  }
0x2c: {  	[tilespmem:v1+s11+$0x0] =	vst.idx.add.f32.msk vm0, v2  }
0x2d: {  	v1 =	vld [tilespmem:$0x40];
	_ =	sdelay $0x4  }
0x2e: {  	(xrf1) =	vunique.msk.u32 $0xffff, v1;
	_ =	sdelay $0xd  }
0x2f: {  	_, v2, vm0 =	vpop (xrf1);
	_ =	sdelay $0x3  }
0x30: {  	v2 =	vcvt.s32.f32 v2;
	_ =	sdelay $0x1  }
0x31: {  	[tilespmem:v1+s11+$0x0] =	vst.idx.add.f32.msk vm0, v2  }
0x32: {  	v1 =	vld [tilespmem:$0x50];
	_ =	sdelay $0x4  }
0x33: {  	(xrf1) =	vunique.msk.u32 $0xffff, v1;
	_ =	sdelay $0xd  }
0x34: {  	_, v2, vm0 =	vpop (xrf1);
	_ =	sdelay $0x3  }
0x35: {  	v2 =	vcvt.s32.f32 v2;
	_ =	sdelay $0x1  }
0x36: {  	[tilespmem:v1+s11+$0x0] =	vst.idx.add.f32.msk vm0, v2  }
0x37: {  	v1 =	vld [tilespmem:$0x60];
	_ =	sdelay $0x4  }
0x38: {  	(xrf1) =	vunique.msk.u32 $0xffff, v1;
	_ =	sdelay $0xd  }
0x39: {  	_, v2, vm0 =	vpop (xrf1);
	_ =	sdelay $0x3  }
0x3a: {  	v2 =	vcvt.s32.f32 v2;
	_ =	sdelay $0x1  }
0x3b: {  	[tilespmem:v1+s11+$0x0] =	vst.idx.add.f32.msk vm0, v2  }
0x3c: {  	v1 =	vld [tilespmem:$0x70];
	_ =	sdelay $0x4  }
0x3d: {  	(xrf1) =	vunique.msk.u32 $0xffff, v1;
	_ =	sdelay $0xd  }
0x3e: {  	_, v2, vm0 =	vpop (xrf1);
	_ =	sdelay $0x3  }
0x3f: {  	v2 =	vcvt.s32.f32 v2;
	_ =	sdelay $0x1  }
0x40: {  	s16 =	sadd.s32 s15, s8;
	[tilespmem:v1+s11+$0x0] =	vst.idx.add.f32.msk vm0, v2  }
0x41: {  	[tilespmem:s2], [sflag:$0x1] =	stream.linear.gather [hbm4b:s16+s2], $0x80, $0x38;
	[tilespmem:$0x2900] =	vst v63  }
0x42: {  	_ =	swait.ge [sflag:s12], $0x80  }
0x43: {  	[sflag:s12] =	ssyncset.done $0x0  }
0x44: {  	[sflag:s12] =	ssyncadd.s32 $0xFFFFFF80  }
0x45: {  	v1 =	vld [tilespmem:$0x80];
	_ =	sdelay $0x4  }
0x46: {  	(xrf1) =	vunique.msk.u32 $0xffff, v1;
	_ =	sdelay $0xd  }
0x47: {  	_, v2, vm0 =	vpop (xrf1);
	_ =	sdelay $0x3  }
0x48: {  	v2 =	vcvt.s32.f32 v2;
	_ =	sdelay $0x1  }
0x49: {  	[tilespmem:v1+s11+$0x0] =	vst.idx.add.f32.msk vm0, v2  }
0x4a: {  	v1 =	vld [tilespmem:$0x90];
	_ =	sdelay $0x4  }
0x4b: {  	(xrf1) =	vunique.msk.u32 $0xffff, v1;
	_ =	sdelay $0xd  }
0x4c: {  	_, v2, vm0 =	vpop (xrf1);
	_ =	sdelay $0x3  }
0x4d: {  	v2 =	vcvt.s32.f32 v2;
	_ =	sdelay $0x1  }
0x4e: {  	[tilespmem:v1+s11+$0x0] =	vst.idx.add.f32.msk vm0, v2  }
0x4f: {  	v1 =	vld [tilespmem:$0xA0];
	_ =	sdelay $0x4  }
0x50: {  	(xrf1) =	vunique.msk.u32 $0xffff, v1;
	_ =	sdelay $0xd  }
0x51: {  	_, v2, vm0 =	vpop (xrf1);
	_ =	sdelay $0x3  }
0x52: {  	v2 =	vcvt.s32.f32 v2;
	_ =	sdelay $0x1  }
0x53: {  	[tilespmem:v1+s11+$0x0] =	vst.idx.add.f32.msk vm0, v2  }
0x54: {  	v1 =	vld [tilespmem:$0xB0];
	_ =	sdelay $0x4  }
0x55: {  	(xrf1) =	vunique.msk.u32 $0xffff, v1;
	_ =	sdelay $0xd  }
0x56: {  	_, v2, vm0 =	vpop (xrf1);
	_ =	sdelay $0x3  }
0x57: {  	v2 =	vcvt.s32.f32 v2;
	_ =	sdelay $0x1  }
0x58: {  	[tilespmem:v1+s11+$0x0] =	vst.idx.add.f32.msk vm0, v2  }
0x59: {  	v1 =	vld [tilespmem:$0xC0];
	_ =	sdelay $0x4  }
0x5a: {  	(xrf1) =	vunique.msk.u32 $0xffff, v1;
	_ =	sdelay $0xd  }
0x5b: {  	_, v2, vm0 =	vpop (xrf1);
	_ =	sdelay $0x3  }
0x5c: {  	v2 =	vcvt.s32.f32 v2;
	_ =	sdelay $0x1  }
0x5d: {  	[tilespmem:v1+s11+$0x0] =	vst.idx.add.f32.msk vm0, v2  }
0x5e: {  	v1 =	vld [tilespmem:$0xD0];
	_ =	sdelay $0x4  }
0x5f: {  	(xrf1) =	vunique.msk.u32 $0xffff, v1;
	_ =	sdelay $0xd  }
0x60: {  	_, v2, vm0 =	vpop (xrf1);
	_ =	sdelay $0x3  }
0x61: {  	v2 =	vcvt.s32.f32 v2;
	_ =	sdelay $0x1  }
0x62: {  	[tilespmem:v1+s11+$0x0] =	vst.idx.add.f32.msk vm0, v2  }
0x63: {  	v1 =	vld [tilespmem:$0xE0];
	_ =	sdelay $0x4  }
0x64: {  	(xrf1) =	vunique.msk.u32 $0xffff, v1;
	_ =	sdelay $0xd  }
0x65: {  	_, v2, vm0 =	vpop (xrf1);
	_ =	sdelay $0x3  }
0x66: {  	v2 =	vcvt.s32.f32 v2;
	_ =	sdelay $0x1  }
0x67: {  	[tilespmem:v1+s11+$0x0] =	vst.idx.add.f32.msk vm0, v2  }
0x68: {  	v1 =	vld [tilespmem:$0xF0];
	_ =	sdelay $0x4  }
0x69: {  	(xrf1) =	vunique.msk.u32 $0xffff, v1;
	_ =	sdelay $0xd  }
0x6a: {  	_, v2, vm0 =	vpop (xrf1);
	_ =	sdelay $0x1  }
0x6b: {  	p0 =	sne.s32 s15, $0x4C0  }
.Ltmp1:
0x6c: {  	_ = 	snop;
	(pc) =	sbr.rel @p0 .LBB2_4-.Ltmp1, $3  }
0x6d: {  	v2 =	vcvt.s32.f32 v2;
	_ =	sdelay $0x1  }
0x6e: {  	s31 =	sadd.s32 s15, s7;
	s15 =	sadd.s32 $0x20, s15;
	[tilespmem:v1+s11+$0x0] =	vst.idx.add.f32.msk vm0, v2  }
0x6f: {  	[tilespmem:s9], [sflag:$0x2] =	stream.linear.gather [hbm4b:s31+s2], $0x80, $0x38;
	[tilespmem:$0x2900] =	vst v63  }
0x70: {  	_ =	swait.ge [sflag:s10], $0x80  }
0x71: {  	[sflag:s10] =	ssyncset.done $0x0  }
0x72: {  	[sflag:s10] =	ssyncadd.s32 $0xFFFFFF80  }
0x73: {  	v1 =	vld [tilespmem:$0x0];
	_ =	sdelay $0x4  }
0x74: {  	(xrf1) =	vunique.msk.u32 $0xffff, v1;
	_ =	sdelay $0xd  }
0x75: {  	_, v2, vm0 =	vpop (xrf1);
	_ =	sdelay $0x3  }
0x76: {  	v2 =	vcvt.s32.f32 v2;
	_ =	sdelay $0x1  }
0x77: {  	[tilespmem:v1+s11+$0x0] =	vst.idx.add.f32.msk vm0, v2  }
0x78: {  	v1 =	vld [tilespmem:$0x10];
	_ =	sdelay $0x4  }
0x79: {  	(xrf1) =	vunique.msk.u32 $0xffff, v1;
	_ =	sdelay $0xd  }
0x7a: {  	_, v2, vm0 =	vpop (xrf1);
	_ =	sdelay $0x3  }
0x7b: {  	v2 =	vcvt.s32.f32 v2;
	_ =	sdelay $0x1  }
0x7c: {  	[tilespmem:v1+s11+$0x0] =	vst.idx.add.f32.msk vm0, v2  }
0x7d: {  	v1 =	vld [tilespmem:$0x20];
	_ =	sdelay $0x4  }
0x7e: {  	(xrf1) =	vunique.msk.u32 $0xffff, v1;
	_ =	sdelay $0xd  }
0x7f: {  	_, v2, vm0 =	vpop (xrf1);
	_ =	sdelay $0x3  }
0x80: {  	v2 =	vcvt.s32.f32 v2;
	_ =	sdelay $0x1  }
0x81: {  	[tilespmem:v1+s11+$0x0] =	vst.idx.add.f32.msk vm0, v2  }
0x82: {  	v1 =	vld [tilespmem:$0x30];
	_ =	sdelay $0x4  }
0x83: {  	(xrf1) =	vunique.msk.u32 $0xffff, v1;
	_ =	sdelay $0xd  }
0x84: {  	_, v2, vm0 =	vpop (xrf1);
	_ =	sdelay $0x3  }
0x85: {  	v2 =	vcvt.s32.f32 v2;
	_ =	sdelay $0x1  }
0x86: {  	[tilespmem:v1+s11+$0x0] =	vst.idx.add.f32.msk vm0, v2  }
0x87: {  	v1 =	vld [tilespmem:$0x40];
	_ =	sdelay $0x4  }
0x88: {  	(xrf1) =	vunique.msk.u32 $0xffff, v1;
	_ =	sdelay $0xd  }
0x89: {  	_, v2, vm0 =	vpop (xrf1);
	_ =	sdelay $0x3  }
0x8a: {  	v2 =	vcvt.s32.f32 v2;
	_ =	sdelay $0x1  }
0x8b: {  	[tilespmem:v1+s11+$0x0] =	vst.idx.add.f32.msk vm0, v2  }
0x8c: {  	v1 =	vld [tilespmem:$0x50];
	_ =	sdelay $0x4  }
0x8d: {  	(xrf1) =	vunique.msk.u32 $0xffff, v1;
	_ =	sdelay $0xd  }
0x8e: {  	_, v2, vm0 =	vpop (xrf1);
	_ =	sdelay $0x3  }
0x8f: {  	v2 =	vcvt.s32.f32 v2;
	_ =	sdelay $0x1  }
0x90: {  	[tilespmem:v1+s11+$0x0] =	vst.idx.add.f32.msk vm0, v2  }
0x91: {  	v1 =	vld [tilespmem:$0x60];
	_ =	sdelay $0x4  }
0x92: {  	(xrf1) =	vunique.msk.u32 $0xffff, v1;
	_ =	sdelay $0xd  }
0x93: {  	_, v2, vm0 =	vpop (xrf1);
	_ =	sdelay $0x3  }
0x94: {  	v2 =	vcvt.s32.f32 v2;
	_ =	sdelay $0x1  }
0x95: {  	[tilespmem:v1+s11+$0x0] =	vst.idx.add.f32.msk vm0, v2  }
0x96: {  	v1 =	vld [tilespmem:$0x70];
	_ =	sdelay $0x4  }
0x97: {  	(xrf1) =	vunique.msk.u32 $0xffff, v1;
	_ =	sdelay $0xd  }
0x98: {  	_, v2, vm0 =	vpop (xrf1);
	_ =	sdelay $0x3  }
0x99: {  	v2 =	vcvt.s32.f32 v2;
	_ =	sdelay $0x1  }
0x9a: {  	[tilespmem:v1+s11+$0x0] =	vst.idx.add.f32.msk vm0, v2  }
0x9b: {  	_ =	swait.ge [sflag:s12], $0x80  }
0x9c: {  	[sflag:s12] =	ssyncset.done $0x0  }
0x9d: {  	[sflag:s12] =	ssyncadd.s32 $0xFFFFFF80  }
0x9e: {  	v1 =	vld [tilespmem:$0x80];
	_ =	sdelay $0x4  }
0x9f: {  	(xrf1) =	vunique.msk.u32 $0xffff, v1;
	_ =	sdelay $0xd  }
0xa0: {  	_, v2, vm0 =	vpop (xrf1);
	_ =	sdelay $0x3  }
0xa1: {  	v2 =	vcvt.s32.f32 v2;
	_ =	sdelay $0x1  }
0xa2: {  	[tilespmem:v1+s11+$0x0] =	vst.idx.add.f32.msk vm0, v2  }
0xa3: {  	v1 =	vld [tilespmem:$0x90];
	_ =	sdelay $0x4  }
0xa4: {  	(xrf1) =	vunique.msk.u32 $0xffff, v1;
	_ =	sdelay $0xd  }
0xa5: {  	_, v2, vm0 =	vpop (xrf1);
	_ =	sdelay $0x3  }
0xa6: {  	v2 =	vcvt.s32.f32 v2;
	_ =	sdelay $0x1  }
0xa7: {  	[tilespmem:v1+s11+$0x0] =	vst.idx.add.f32.msk vm0, v2  }
0xa8: {  	v1 =	vld [tilespmem:$0xA0];
	_ =	sdelay $0x4  }
0xa9: {  	(xrf1) =	vunique.msk.u32 $0xffff, v1;
	_ =	sdelay $0xd  }
0xaa: {  	_, v2, vm0 =	vpop (xrf1);
	_ =	sdelay $0x3  }
0xab: {  	v2 =	vcvt.s32.f32 v2;
	_ =	sdelay $0x1  }
0xac: {  	[tilespmem:v1+s11+$0x0] =	vst.idx.add.f32.msk vm0, v2  }
0xad: {  	v1 =	vld [tilespmem:$0xB0];
	_ =	sdelay $0x4  }
0xae: {  	(xrf1) =	vunique.msk.u32 $0xffff, v1;
	_ =	sdelay $0xd  }
0xaf: {  	_, v2, vm0 =	vpop (xrf1);
	_ =	sdelay $0x3  }
0xb0: {  	v2 =	vcvt.s32.f32 v2;
	_ =	sdelay $0x1  }
0xb1: {  	[tilespmem:v1+s11+$0x0] =	vst.idx.add.f32.msk vm0, v2  }
0xb2: {  	v1 =	vld [tilespmem:$0xC0];
	_ =	sdelay $0x4  }
0xb3: {  	(xrf1) =	vunique.msk.u32 $0xffff, v1;
	_ =	sdelay $0xd  }
0xb4: {  	_, v2, vm0 =	vpop (xrf1);
	_ =	sdelay $0x3  }
0xb5: {  	v2 =	vcvt.s32.f32 v2;
	_ =	sdelay $0x1  }
0xb6: {  	[tilespmem:v1+s11+$0x0] =	vst.idx.add.f32.msk vm0, v2  }
0xb7: {  	v1 =	vld [tilespmem:$0xD0];
	_ =	sdelay $0x4  }
0xb8: {  	(xrf1) =	vunique.msk.u32 $0xffff, v1;
	_ =	sdelay $0xd  }
0xb9: {  	_, v2, vm0 =	vpop (xrf1);
	_ =	sdelay $0x3  }
0xba: {  	v2 =	vcvt.s32.f32 v2;
	_ =	sdelay $0x1  }
0xbb: {  	[tilespmem:v1+s11+$0x0] =	vst.idx.add.f32.msk vm0, v2  }
0xbc: {  	v1 =	vld [tilespmem:$0xE0];
	_ =	sdelay $0x4  }
0xbd: {  	(xrf1) =	vunique.msk.u32 $0xffff, v1;
	_ =	sdelay $0xd  }
0xbe: {  	_, v2, vm0 =	vpop (xrf1);
	_ =	sdelay $0x3  }
0xbf: {  	v2 =	vcvt.s32.f32 v2;
	_ =	sdelay $0x1  }
0xc0: {  	[tilespmem:v1+s11+$0x0] =	vst.idx.add.f32.msk vm0, v2  }
0xc1: {  	v1 =	vld [tilespmem:$0xF0];
	_ =	sdelay $0x4  }
0xc2: {  	(xrf1) =	vunique.msk.u32 $0xffff, v1;
	_ =	sdelay $0xd  }
0xc3: {  	_, v2, vm0 =	vpop (xrf1);
	_ =	sdelay $0x3  }
0xc4: {  	s14 =	sadd.s32 $0x1, s14;
	v2 =	vcvt.s32.f32 v2  }
0xc5: {  	p0 =	sne.s32 s14, s6  }
.Ltmp2:
0xc6: {  	[tilespmem:v1+s11+$0x0] =	vst.idx.add.f32.msk vm0, v2;
	(pc) =	sbr.rel @p0 .LBB2_1-.Ltmp2, $4  }
0xc7: {  	[hbm4b:s5+s2] =	stream.linear.scatter [tilespmem:s11], [sflag:$0x3], $0x2800, $0x38;
	[tilespmem:$0x2900] =	vst v63  }
0xc8: {  	_ =	swait.ge [sflag:s13], $0x2800  }
0xc9: {  	[sflag:s13] =	ssyncset.done $0x0  }
0xca: {  	[sflag:s13] =	ssyncadd.s32 $0xFFFFD800  }
0xcb: {  	_ =	sfence.sel $0x180000  }
0xcc: {  	[bflag:$0x0] =	sbarrier.arrive $0xFFFF  }
0xcd: {  	p0 =	sne.s32 s0, $0x0;
	_ =	strace $0x90000047  }
0xce: {  	s0 =	sadd.s32 @!p0 $0x100000, s1;
	[bflag:$0x2] =	sbarrier.arrive $0xFFFF  }
0xcf: {  	[sflag:s0] =	ssyncadd.tile.s32 @!p0 $0x1;
	_ =	shalt  }
.Lfunc_end2:
_tile_overlayer_lowered:
.L_overlay_start_2:
0xd0: {  	(tag) =	ssettag $0x2  }
0xd1: {  	s0 =	rddreg [dreg:$0x0];
	s2 =	stileid.u32  }
0xd2: {  	s1 =	rddreg [dreg:$0x1];
	p0 =	sne.s32 s2, $0x0  }
0xd3: {  	s3 =	rddreg [dreg:$0x2];
	[bflag:$0x3] =	sbarrier.arrive $0xFFFF;
	s2 =	simm.s32 @!p0 $0x1C03  }
0xd4: {  	[timem:s3], [sflag:s2] =	dma.local @!p0 [hbm:s0], s1  }
0xd5: {  	s0 =	simm.s32 @!p0 $0x3  }
0xd6: {  	_ =	swait.ge @!p0 [sflag:s0], s1  }
0xd7: {  	s1 =	ssub.s32 @!p0 $0x0, s1;
	[sflag:s0] =	ssyncset.done @!p0 $0x0  }
0xd8: {  	[sflag:s0] =	ssyncadd.s32 @!p0 s1  }
0xd9: {  	[bflag:$0x3] =	sbarrier.arrive $0xFFFF  }
0xda: {  	_ =	shalt  }

</sc_bundles>
